<compile_context>
chip_gen: v7x
topology: tpu7x:2x2x1
jax: 0.10.2.dev20260603
libtpu: 0.0.44.dev20260713+nightly
codegen_flags: <defaults>
</compile_context>

<pallas_src>
import functools

import jax
import jax.numpy as jnp
from jax import lax
from jax.experimental import pallas as pl
from jax.experimental.pallas import tpu as pltpu
from jax.experimental.pallas import tpu_sc as plsc

NSUB = 16
NCORE = 2
NW = NSUB * NCORE
CHUNK = 128
HROWS = 128
DUMMY = 112
VG = CHUNK // 16


def _prop_body(cpt, p, tbl, pk3, outp, pk_v, sidx, didx, rows0, rows1,
               acc_sh, sem0, sem1):
    assert cpt % 2 == 1
    c = lax.axis_index("c")
    s = lax.axis_index("s")
    wid = c * NSUB + s
    rpt = p // NSUB

    pltpu.sync_copy(pk3.at[wid], pk_v)

    def unpack_src(j, slot):
        for kk in range(VG):
            pk = pk_v[j, pl.ds(16 * kk, 16)]
            sidx[slot, pl.ds(16 * kk, 16)] = lax.bitwise_and(pk, 0xFFFF)

    def unpack_dst(j):
        for kk in range(VG):
            pk = pk_v[j, pl.ds(16 * kk, 16)]
            didx[0, pl.ds(16 * kk, 16)] = lax.shift_right_logical(pk, 16)

    z = jnp.zeros((16,), jnp.float32)

    def zrow(i, carry):
        for kk in range(8):
            rows0[i, pl.ds(16 * kk, 16)] = z
        return carry

    lax.fori_loop(0, CHUNK, zrow, 0)
    nfull, nrem = rpt // CHUNK, rpt % CHUNK
    zcopies = [(j * CHUNK, CHUNK) for j in range(nfull)]
    if nrem:
        zcopies.append((nfull * CHUNK, nrem))
    for off, nr in zcopies:
        pltpu.async_copy(rows0.at[pl.ds(0, nr)],
                         acc_sh.at[pl.ds(s * rpt + off, nr)], sem0)
    for off, nr in zcopies:
        pltpu.make_async_copy(rows0.at[pl.ds(0, nr)],
                              acc_sh.at[pl.ds(s * rpt + off, nr)],
                              sem0).wait()
    plsc.subcore_barrier()

    unpack_src(0, 0)
    pltpu.async_copy(tbl.at[sidx.at[0]], rows0, sem0)
    unpack_src(1, 1)
    pltpu.async_copy(tbl.at[sidx.at[1]], rows1, sem1)

    def body(k, carry):
        for t, (rw, sm) in enumerate(((rows0, sem0), (rows1, sem1))):
            j = 2 * k + t
            pltpu.make_async_copy(tbl.at[sidx.at[t]], rw, sm).wait()
            unpack_dst(j)
            pltpu.sync_copy(rw, acc_sh.at[didx.at[0]], add=True)

            def _refill():
                unpack_src(j + 2, t)
                pltpu.async_copy(tbl.at[sidx.at[t]], rw, sm)

            if t == 0:
                _refill()
            else:
                pl.when(j + 2 < cpt)(_refill)
        return carry

    lax.fori_loop(0, cpt // 2, body, 0)
    pltpu.make_async_copy(tbl.at[sidx.at[0]], rows0, sem0).wait()
    unpack_dst(cpt - 1)
    pltpu.sync_copy(rows0, acc_sh.at[didx.at[0]], add=True)

    plsc.subcore_barrier()
    pltpu.sync_copy(acc_sh.at[pl.ds(s * rpt, rpt)],
                    outp.at[c, pl.ds(s * rpt, rpt)])


def _deg_body(cpt, p, pk3, degp, pk_v, hist_v, idx_v, deg_sh):
    c = lax.axis_index("c")
    s = lax.axis_index("s")
    wid = c * NSUB + s
    pr = HROWS

    pltpu.sync_copy(pk3.at[wid], pk_v)
    zero = jnp.zeros((16,), jnp.float32)

    def zrow(i, carry):
        for kk in range(8):
            hist_v[i, pl.ds(16 * kk, 16)] = zero
        return carry

    lax.fori_loop(0, pr, zrow, 0)
    for i in range(8):
        idx_v[0, pl.ds(16 * i, 16)] = lax.iota(jnp.int32, 16) + 16 * i
    rps = pr // NSUB
    pltpu.sync_copy(hist_v.at[pl.ds(0, rps)], deg_sh.at[pl.ds(s * rps, rps)])
    plsc.subcore_barrier()

    one = jnp.ones((16,), jnp.float32)

    def body(j, carry):
        for kk in range(VG):
            pk = pk_v[j, pl.ds(16 * kk, 16)]
            dd = lax.shift_right_logical(pk, 16)
            row = lax.shift_right_logical(dd, 7)
            col = lax.bitwise_and(dd, 127)
            plsc.addupdate_scatter(hist_v, [row, col], one)
        return carry

    lax.fori_loop(0, cpt, body, 0)

    pltpu.sync_copy(hist_v, deg_sh.at[idx_v.at[0]], add=True)
    plsc.subcore_barrier()
    pltpu.sync_copy(deg_sh.at[pl.ds(s * rps, rps)],
                    degp.at[c, pl.ds(s * rps, rps)])


def _dis_rows(degp_ref, p):
    deg = (degp_ref[0] + degp_ref[1]).reshape(-1)[:p]
    return jnp.where(deg > 0.0, lax.rsqrt(jnp.maximum(deg, 1e-12)), 0.0)


def _scale_mm_body(x_ref, w_ref, degp_ref, o_ref):
    dis = _dis_rows(degp_ref, x_ref.shape[0])
    xw = jnp.dot(x_ref[...], w_ref[...], preferred_element_type=jnp.float32)
    o_ref[...] = xw * dis[:, None]


def _relu_scale_body(p_ref, degp_ref, b_ref, o_ref):
    dis = _dis_rows(degp_ref, p_ref.shape[1])
    t = (p_ref[0] + p_ref[1]) * dis[:, None]
    h = jnp.maximum(t + b_ref[...], 0.0)
    o_ref[...] = h * dis[:, None]


def _final_mm_body(q_ref, degp_ref, w_ref, b_ref, o_ref):
    dis = _dis_rows(degp_ref, q_ref.shape[1])
    t = (q_ref[0] + q_ref[1]) * dis[:, None]
    o_ref[...] = jnp.dot(t, w_ref[...],
                         preferred_element_type=jnp.float32) + b_ref[...]


def kernel(x, edge_index, W1, b1, W_mu, b_mu, W_lv, b_lv):
    n = x.shape[0]
    d_in = x.shape[1]
    d_hid = W1.shape[1]
    d_out = W_mu.shape[1]
    e = edge_index.shape[1]

    p = n + DUMMY
    assert p % 128 == 0 and p < (1 << 16)
    ne = e + n
    epg = NW * CHUNK
    ep = ((ne + epg - 1) // epg) * epg
    cpt = ep // epg
    assert cpt % 2 == 1
    npad = ep - ne

    ei = edge_index.astype(jnp.int32)
    loop = jnp.arange(n, dtype=jnp.int32)
    padi = jnp.arange(npad, dtype=jnp.int32)
    src = jnp.concatenate([ei[0], loop, padi % n])
    dst = jnp.concatenate([ei[1], loop, n + (padi % DUMMY)])
    pk3 = ((dst << 16) | src).reshape(NW, cpt, CHUNK)

    xpad = jnp.pad(x, ((0, p - n), (0, 0)))

    mesh = plsc.VectorSubcoreMesh(core_axis_name="c", subcore_axis_name="s")
    sc_params = pltpu.CompilerParams(needs_layout_passes=False)

    assert HROWS * 128 >= p and HROWS % NSUB == 0
    deg_call = pl.kernel(
        functools.partial(_deg_body, cpt, p),
        out_type=jax.ShapeDtypeStruct((NCORE, HROWS, 128), jnp.float32),
        mesh=mesh,
        compiler_params=sc_params,
        scratch_types=[
            pltpu.VMEM((cpt, CHUNK), jnp.int32),
            pltpu.VMEM((HROWS, 128), jnp.float32),
            pltpu.VMEM((1, CHUNK), jnp.int32),
            pltpu.VMEM_SHARED((HROWS, 128), jnp.float32),
        ],
    )
    degp = deg_call(pk3)

    prop_call = pl.kernel(
        functools.partial(_prop_body, cpt, p),
        out_type=jax.ShapeDtypeStruct((NCORE, p, d_hid), jnp.float32),
        mesh=mesh,
        compiler_params=sc_params,
        scratch_types=[
            pltpu.VMEM((cpt, CHUNK), jnp.int32),
            pltpu.VMEM((2, CHUNK), jnp.int32),
            pltpu.VMEM((1, CHUNK), jnp.int32),
            pltpu.VMEM((CHUNK, d_hid), jnp.float32),
            pltpu.VMEM((CHUNK, d_hid), jnp.float32),
            pltpu.VMEM_SHARED((p, d_hid), jnp.float32),
            pltpu.SemaphoreType.DMA,
            pltpu.SemaphoreType.DMA,
        ],
    )

    grid = (1,)
    row_spec = pl.BlockSpec((p, d_hid), lambda i: (0, 0))
    degp_spec = pl.BlockSpec((NCORE, HROWS, 128), lambda i: (0, 0, 0))
    part_spec = pl.BlockSpec((NCORE, p, d_hid), lambda i: (0, 0, 0))
    w_spec = pl.BlockSpec((d_in, d_hid), lambda i: (0, 0))
    b_spec = pl.BlockSpec((1, d_hid), lambda i: (0, 0))

    ysc = pl.pallas_call(
        _scale_mm_body,
        grid=grid,
        in_specs=[row_spec, w_spec, degp_spec],
        out_specs=row_spec,
        out_shape=jax.ShapeDtypeStruct((p, d_hid), jnp.float32),
    )(xpad, W1, degp)

    pp = prop_call(ysc, pk3)

    hs = pl.pallas_call(
        _relu_scale_body,
        grid=grid,
        in_specs=[part_spec, degp_spec, b_spec],
        out_specs=row_spec,
        out_shape=jax.ShapeDtypeStruct((p, d_hid), jnp.float32),
    )(pp, degp, b1.reshape(1, d_hid))

    qq = prop_call(hs, pk3)

    wcat = jnp.concatenate([W_mu, W_lv], axis=1)
    bcat = jnp.concatenate([b_mu, b_lv]).reshape(1, 2 * d_out)
    wcat_spec = pl.BlockSpec((d_hid, 2 * d_out), lambda i: (0, 0))
    bcat_spec = pl.BlockSpec((1, 2 * d_out), lambda i: (0, 0))
    out = pl.pallas_call(
        _final_mm_body,
        grid=grid,
        in_specs=[part_spec, degp_spec, wcat_spec, bcat_spec],
        out_specs=pl.BlockSpec((p, 2 * d_out), lambda i: (0, 0)),
        out_shape=jax.ShapeDtypeStruct((p, 2 * d_out), jnp.float32),
    )(qq, degp, wcat, bcat)

    mu = out[:n, :d_out]
    lv = out[:n, d_out:]
    return (mu, lv)

# --- scband reference (transcript-rebuilt; emitter-appended) ---
"""Pipeline reference for scband-encoder-lp-44109314130368 (READ-ONLY COPY).

The authoritative reference and input builder live on the scoring server;
editing this copy changes nothing except your own understanding.
"""

import jax, jax.numpy as jnp
import numpy as np

N = 10000
E = 320000
D_IN = 128
D_HID = 128
D_OUT = 64


def _glorot(key, shape):
    lim = np.sqrt(6.0 / (shape[0] + shape[1]))
    return jax.random.uniform(key, shape, dtype=jnp.float32, minval=-lim, maxval=lim)


def setup_inputs(seed: int = 0) -> dict:
    key = jax.random.key(seed)
    ks = jax.random.split(key, 8)
    x = jax.random.normal(ks[0], (N, D_IN), dtype=jnp.float32)
    edge_index = jax.random.randint(ks[1], (2, E), 0, N, dtype=jnp.int64) if jax.config.jax_enable_x64 else jax.random.randint(ks[1], (2, E), 0, N).astype(jnp.int32)
    W1 = _glorot(ks[2], (D_IN, D_HID))
    b1 = jnp.zeros((D_HID,), dtype=jnp.float32)
    W_mu = _glorot(ks[3], (D_HID, D_OUT))
    b_mu = jnp.zeros((D_OUT,), dtype=jnp.float32)
    W_lv = _glorot(ks[4], (D_HID, D_OUT))
    b_lv = jnp.zeros((D_OUT,), dtype=jnp.float32)
    return {"x": x, "edge_index": edge_index, "W1": W1, "b1": b1, "W_mu": W_mu, "b_mu": b_mu, "W_lv": W_lv, "b_lv": b_lv}


def _gcn_layer(x, src, dst, deg_inv_sqrt, W, b, n_nodes):
    # GCNConv: x' = D^{-1/2} (A + I) D^{-1/2} X W + b
    h = x @ W
    norm = deg_inv_sqrt[src] * deg_inv_sqrt[dst]
    msg = h[src] * norm[:, None]
    out = jax.ops.segment_sum(msg, dst, num_segments=n_nodes)
    return out + b


def reference(x, edge_index, W1, b1, W_mu, b_mu, W_lv, b_lv):
    n_nodes = x.shape[0]
    loop = jnp.arange(n_nodes, dtype=edge_index.dtype)
    src = jnp.concatenate([edge_index[0], loop])
    dst = jnp.concatenate([edge_index[1], loop])
    deg = jax.ops.segment_sum(jnp.ones_like(src, dtype=x.dtype), dst, num_segments=n_nodes)
    deg_inv_sqrt = jnp.where(deg > 0, jax.lax.rsqrt(jnp.maximum(deg, 1e-12)), 0.0)
    h = _gcn_layer(x, src, dst, deg_inv_sqrt, W1, b1, n_nodes)
    h = jax.nn.relu(h)
    mu = _gcn_layer(h, src, dst, deg_inv_sqrt, W_mu, b_mu, n_nodes)
    logvar = _gcn_layer(h, src, dst, deg_inv_sqrt, W_lv, b_lv, n_nodes)
    return (mu, logvar)

if __name__ == "__main__":
    import jax
    _d = setup_inputs()
    print(jax.jit(kernel)(*tuple(_d.values())))

</pallas_src>

<mosaic_0001>
#map = affine_map<(d0, d1) -> (0, 0)>
#map1 = affine_map<(d0, d1) -> (0, 0, 0)>
module attributes {stable_mosaic.version = 14 : i64} {
  func.func @_prop_body(%arg0: i32, %arg1: i32, %arg2: memref<10112x128xf32, #tpu.memory_space<hbm>>, %arg3: memref<32x81x128xi32, #tpu.memory_space<hbm>>, %arg4: memref<2x10112x128xf32, #tpu.memory_space<hbm>>, %arg5: memref<81x128xi32, #tpu.memory_space<vmem>>, %arg6: memref<2x128xi32, #tpu.memory_space<vmem>>, %arg7: memref<1x128xi32, #tpu.memory_space<vmem>>, %arg8: memref<128x128xf32, #tpu.memory_space<vmem>>, %arg9: memref<128x128xf32, #tpu.memory_space<vmem>>, %arg10: memref<10112x128xf32, #tpu.memory_space<vmem_shared>>, %arg11: memref<!tpu.dma_semaphore, #tpu.memory_space<semaphore_mem>>, %arg12: memref<!tpu.dma_semaphore, #tpu.memory_space<semaphore_mem>>) attributes {dimension_semantics = [#tpu.dimension_semantics<core_parallel>, #tpu.dimension_semantics<subcore_parallel>], iteration_bounds = array<i64: 2, 16>, scalar_prefetch = 0 : i64, scratch_operands = 8 : i64, tpu.core_type = #tpu.core_type<sc_vector_subcore>, window_params = [{transform_indices = #map}, {transform_indices = #map1}, {transform_indices = #map1}]} {
    %mul3A = arith.constant 16 : i32
    %mul3A_0 = arith.muli %arg0, %mul3A : i32
    %add3A = arith.addi %mul3A_0, %arg1 : i32
    "tpu.region"() ({
      %run_scoped3A_437 = tpu.sem_alloc : memref<!tpu.dma_semaphore, #tpu.memory_space<semaphore_mem>>
      %dma_start3A_438 = arith.constant 0 : i32
      %dma_start3A_439 = arith.constant 0 : i32
      %dma_start3A_440 = tpu.memref_slice %arg3[%add3A, %dma_start3A_438, %dma_start3A_439] : memref<32x81x128xi32, #tpu.memory_space<hbm>> -> memref<1x81x128xi32, #tpu.memory_space<hbm>>
      %dma_start3A_441 = tpu.memref_squeeze %dma_start3A_440 : memref<1x81x128xi32, #tpu.memory_space<hbm>> -> memref<81x128xi32, #tpu.memory_space<hbm>>
      %dma_start3A_442 = arith.constant 0 : i32
      %dma_start3A_443 = arith.constant 0 : i32
      %dma_start3A_444 = tpu.memref_slice %arg3[%add3A, %dma_start3A_442, %dma_start3A_443] : memref<32x81x128xi32, #tpu.memory_space<hbm>> -> memref<1x81x128xi32, #tpu.memory_space<hbm>>
      %dma_start3A_445 = tpu.memref_squeeze %dma_start3A_444 : memref<1x81x128xi32, #tpu.memory_space<hbm>> -> memref<81x128xi32, #tpu.memory_space<hbm>>
      tpu.enqueue_dma source(%dma_start3A_445 : memref<81x128xi32, #tpu.memory_space<hbm>>) target(%arg5 : memref<81x128xi32, #tpu.memory_space<vmem>>) target_semaphore(%run_scoped3A_437 : memref<!tpu.dma_semaphore, #tpu.memory_space<semaphore_mem>>)
      %dma_wait3A_446 = arith.constant 0 : i32
      %dma_wait3A_447 = arith.constant 0 : i32
      %dma_wait3A_448 = tpu.memref_slice %arg3[%add3A, %dma_wait3A_446, %dma_wait3A_447] : memref<32x81x128xi32, #tpu.memory_space<hbm>> -> memref<1x81x128xi32, #tpu.memory_space<hbm>>
      %dma_wait3A_449 = tpu.memref_squeeze %dma_wait3A_448 : memref<1x81x128xi32, #tpu.memory_space<hbm>> -> memref<81x128xi32, #tpu.memory_space<hbm>>
      %dma_wait3A_450 = arith.constant 0 : i32
      %dma_wait3A_451 = arith.constant 0 : i32
      %dma_wait3A_452 = tpu.memref_slice %arg3[%add3A, %dma_wait3A_450, %dma_wait3A_451] : memref<32x81x128xi32, #tpu.memory_space<hbm>> -> memref<1x81x128xi32, #tpu.memory_space<hbm>>
      %dma_wait3A_453 = tpu.memref_squeeze %dma_wait3A_452 : memref<1x81x128xi32, #tpu.memory_space<hbm>> -> memref<81x128xi32, #tpu.memory_space<hbm>>
      tpu.wait_dma2 semaphore(%run_scoped3A_437 : memref<!tpu.dma_semaphore, #tpu.memory_space<semaphore_mem>>) src(%dma_wait3A_453 : memref<81x128xi32, #tpu.memory_space<hbm>>) dst(%arg5 : memref<81x128xi32, #tpu.memory_space<vmem>>)
      tpu.yield
    }) : () -> ()
    %broadcast_in_dim3A = arith.constant 0.000000e+00 : f32
    %broadcast_in_dim3A_1 = vector.broadcast %broadcast_in_dim3A : f32 to vector<16xf32>
    %scan3A = arith.constant 0 : i32
    %scan3A_2 = arith.constant 0 : i32
    %scan3A_3 = arith.constant 128 : i32
    %scan3A_4 = arith.addi %scan3A_2, %scan3A_3 : i32
    %scan3A_5 = arith.constant 1 : i32
    scf.for %scan3A_437 = %scan3A_2 to %scan3A_4 step %scan3A_5  : i32 {
      %swap3A_438 = arith.index_cast %scan3A_437 : i32 to index
      %swap3A_439 = arith.constant 0 : index
      %swap3A_440 = tpu.vector_load %arg8[%swap3A_438, %swap3A_439] {strides = array<i32>} : memref<128x128xf32, #tpu.memory_space<vmem>>, vector<16xf32>,
      tpu.vector_store %arg8[%swap3A_438, %swap3A_439], %broadcast_in_dim3A_1 {strides = array<i32>} : memref<128x128xf32, #tpu.memory_space<vmem>>, vector<16xf32>,
      %swap3A_441 = arith.index_cast %scan3A_437 : i32 to index
      %swap3A_442 = arith.constant 16 : index
      %swap3A_443 = tpu.vector_load %arg8[%swap3A_441, %swap3A_442] {strides = array<i32>} : memref<128x128xf32, #tpu.memory_space<vmem>>, vector<16xf32>,
      tpu.vector_store %arg8[%swap3A_441, %swap3A_442], %broadcast_in_dim3A_1 {strides = array<i32>} : memref<128x128xf32, #tpu.memory_space<vmem>>, vector<16xf32>,
      %swap3A_444 = arith.index_cast %scan3A_437 : i32 to index
      %swap3A_445 = arith.constant 32 : index
      %swap3A_446 = tpu.vector_load %arg8[%swap3A_444, %swap3A_445] {strides = array<i32>} : memref<128x128xf32, #tpu.memory_space<vmem>>, vector<16xf32>,
      tpu.vector_store %arg8[%swap3A_444, %swap3A_445], %broadcast_in_dim3A_1 {strides = array<i32>} : memref<128x128xf32, #tpu.memory_space<vmem>>, vector<16xf32>,
      %swap3A_447 = arith.index_cast %scan3A_437 : i32 to index
      %swap3A_448 = arith.constant 48 : index
      %swap3A_449 = tpu.vector_load %arg8[%swap3A_447, %swap3A_448] {strides = array<i32>} : memref<128x128xf32, #tpu.memory_space<vmem>>, vector<16xf32>,
      tpu.vector_store %arg8[%swap3A_447, %swap3A_448], %broadcast_in_dim3A_1 {strides = array<i32>} : memref<128x128xf32, #tpu.memory_space<vmem>>, vector<16xf32>,
      %swap3A_450 = arith.index_cast %scan3A_437 : i32 to index
      %swap3A_451 = arith.constant 64 : index
      %swap3A_452 = tpu.vector_load %arg8[%swap3A_450, %swap3A_451] {strides = array<i32>} : memref<128x128xf32, #tpu.memory_space<vmem>>, vector<16xf32>,
      tpu.vector_store %arg8[%swap3A_450, %swap3A_451], %broadcast_in_dim3A_1 {strides = array<i32>} : memref<128x128xf32, #tpu.memory_space<vmem>>, vector<16xf32>,
      %swap3A_453 = arith.index_cast %scan3A_437 : i32 to index
      %swap3A_454 = arith.constant 80 : index
      %swap3A_455 = tpu.vector_load %arg8[%swap3A_453, %swap3A_454] {strides = array<i32>} : memref<128x128xf32, #tpu.memory_space<vmem>>, vector<16xf32>,
      tpu.vector_store %arg8[%swap3A_453, %swap3A_454], %broadcast_in_dim3A_1 {strides = array<i32>} : memref<128x128xf32, #tpu.memory_space<vmem>>, vector<16xf32>,
      %swap3A_456 = arith.index_cast %scan3A_437 : i32 to index
      %swap3A_457 = arith.constant 96 : index
      %swap3A_458 = tpu.vector_load %arg8[%swap3A_456, %swap3A_457] {strides = array<i32>} : memref<128x128xf32, #tpu.memory_space<vmem>>, vector<16xf32>,
      tpu.vector_store %arg8[%swap3A_456, %swap3A_457], %broadcast_in_dim3A_1 {strides = array<i32>} : memref<128x128xf32, #tpu.memory_space<vmem>>, vector<16xf32>,
      %swap3A_459 = arith.index_cast %scan3A_437 : i32 to index
      %swap3A_460 = arith.constant 112 : index
      %swap3A_461 = tpu.vector_load %arg8[%swap3A_459, %swap3A_460] {strides = array<i32>} : memref<128x128xf32, #tpu.memory_space<vmem>>, vector<16xf32>,
      tpu.vector_store %arg8[%swap3A_459, %swap3A_460], %broadcast_in_dim3A_1 {strides = array<i32>} : memref<128x128xf32, #tpu.memory_space<vmem>>, vector<16xf32>,
    }
    %scan3A_6 = arith.constant 128 : i32
    %mul3A_7 = arith.constant 632 : i32
    %mul3A_8 = arith.muli %arg1, %mul3A_7 : i32
    %add3A_9 = arith.constant 0 : i32
    %add3A_10 = arith.addi %mul3A_8, %add3A_9 : i32
    %dma_start3A = arith.constant 0 : i32
    %dma_start3A_11 = arith.constant 0 : i32
    %dma_start3A_12 = tpu.memref_slice %arg8[%dma_start3A, %dma_start3A_11] : memref<128x128xf32, #tpu.memory_space<vmem>> -> memref<128x128xf32, #tpu.memory_space<vmem>>
    %dma_start3A_13 = arith.constant 0 : i32
    %dma_start3A_14 = tpu.memref_slice %arg10[%add3A_10, %dma_start3A_13] : memref<10112x128xf32, #tpu.memory_space<vmem_shared>> -> memref<128x128xf32, #tpu.memory_space<vmem_shared>>
    %dma_start3A_15 = arith.constant 0 : i32
    %dma_start3A_16 = tpu.memref_slice %arg10[%add3A_10, %dma_start3A_15] : memref<10112x128xf32, #tpu.memory_space<vmem_shared>> -> memref<128x128xf32, #tpu.memory_space<vmem_shared>>
    %dma_start3A_17 = arith.constant 0 : i32
    %dma_start3A_18 = arith.constant 0 : i32
    %dma_start3A_19 = tpu.memref_slice %arg8[%dma_start3A_17, %dma_start3A_18] : memref<128x128xf32, #tpu.memory_space<vmem>> -> memref<128x128xf32, #tpu.memory_space<vmem>>
    tpu.enqueue_dma source(%dma_start3A_19 : memref<128x128xf32, #tpu.memory_space<vmem>>) target(%dma_start3A_16 : memref<128x128xf32, #tpu.memory_space<vmem_shared>>) target_semaphore(%arg11 : memref<!tpu.dma_semaphore, #tpu.memory_space<semaphore_mem>>)
    %mul3A_20 = arith.constant 632 : i32
    %mul3A_21 = arith.muli %arg1, %mul3A_20 : i32
    %add3A_22 = arith.constant 128 : i32
    %add3A_23 = arith.addi %mul3A_21, %add3A_22 : i32
    %dma_start3A_24 = arith.constant 0 : i32
    %dma_start3A_25 = arith.constant 0 : i32
    %dma_start3A_26 = tpu.memref_slice %arg8[%dma_start3A_24, %dma_start3A_25] : memref<128x128xf32, #tpu.memory_space<vmem>> -> memref<128x128xf32, #tpu.memory_space<vmem>>
    %dma_start3A_27 = arith.constant 0 : i32
    %dma_start3A_28 = tpu.memref_slice %arg10[%add3A_23, %dma_start3A_27] : memref<10112x128xf32, #tpu.memory_space<vmem_shared>> -> memref<128x128xf32, #tpu.memory_space<vmem_shared>>
    %dma_start3A_29 = arith.constant 0 : i32
    %dma_start3A_30 = tpu.memref_slice %arg10[%add3A_23, %dma_start3A_29] : memref<10112x128xf32, #tpu.memory_space<vmem_shared>> -> memref<128x128xf32, #tpu.memory_space<vmem_shared>>
    %dma_start3A_31 = arith.constant 0 : i32
    %dma_start3A_32 = arith.constant 0 : i32
    %dma_start3A_33 = tpu.memref_slice %arg8[%dma_start3A_31, %dma_start3A_32] : memref<128x128xf32, #tpu.memory_space<vmem>> -> memref<128x128xf32, #tpu.memory_space<vmem>>
    tpu.enqueue_dma source(%dma_start3A_33 : memref<128x128xf32, #tpu.memory_space<vmem>>) target(%dma_start3A_30 : memref<128x128xf32, #tpu.memory_space<vmem_shared>>) target_semaphore(%arg11 : memref<!tpu.dma_semaphore, #tpu.memory_space<semaphore_mem>>)
    %mul3A_34 = arith.constant 632 : i32
    %mul3A_35 = arith.muli %arg1, %mul3A_34 : i32
    %add3A_36 = arith.constant 256 : i32
    %add3A_37 = arith.addi %mul3A_35, %add3A_36 : i32
    %dma_start3A_38 = arith.constant 0 : i32
    %dma_start3A_39 = arith.constant 0 : i32
    %dma_start3A_40 = tpu.memref_slice %arg8[%dma_start3A_38, %dma_start3A_39] : memref<128x128xf32, #tpu.memory_space<vmem>> -> memref<128x128xf32, #tpu.memory_space<vmem>>
    %dma_start3A_41 = arith.constant 0 : i32
    %dma_start3A_42 = tpu.memref_slice %arg10[%add3A_37, %dma_start3A_41] : memref<10112x128xf32, #tpu.memory_space<vmem_shared>> -> memref<128x128xf32, #tpu.memory_space<vmem_shared>>
    %dma_start3A_43 = arith.constant 0 : i32
    %dma_start3A_44 = tpu.memref_slice %arg10[%add3A_37, %dma_start3A_43] : memref<10112x128xf32, #tpu.memory_space<vmem_shared>> -> memref<128x128xf32, #tpu.memory_space<vmem_shared>>
    %dma_start3A_45 = arith.constant 0 : i32
    %dma_start3A_46 = arith.constant 0 : i32
    %dma_start3A_47 = tpu.memref_slice %arg8[%dma_start3A_45, %dma_start3A_46] : memref<128x128xf32, #tpu.memory_space<vmem>> -> memref<128x128xf32, #tpu.memory_space<vmem>>
    tpu.enqueue_dma source(%dma_start3A_47 : memref<128x128xf32, #tpu.memory_space<vmem>>) target(%dma_start3A_44 : memref<128x128xf32, #tpu.memory_space<vmem_shared>>) target_semaphore(%arg11 : memref<!tpu.dma_semaphore, #tpu.memory_space<semaphore_mem>>)
    %mul3A_48 = arith.constant 632 : i32
    %mul3A_49 = arith.muli %arg1, %mul3A_48 : i32
    %add3A_50 = arith.constant 384 : i32
    %add3A_51 = arith.addi %mul3A_49, %add3A_50 : i32
    %dma_start3A_52 = arith.constant 0 : i32
    %dma_start3A_53 = arith.constant 0 : i32
    %dma_start3A_54 = tpu.memref_slice %arg8[%dma_start3A_52, %dma_start3A_53] : memref<128x128xf32, #tpu.memory_space<vmem>> -> memref<128x128xf32, #tpu.memory_space<vmem>>
    %dma_start3A_55 = arith.constant 0 : i32
    %dma_start3A_56 = tpu.memref_slice %arg10[%add3A_51, %dma_start3A_55] : memref<10112x128xf32, #tpu.memory_space<vmem_shared>> -> memref<128x128xf32, #tpu.memory_space<vmem_shared>>
    %dma_start3A_57 = arith.constant 0 : i32
    %dma_start3A_58 = tpu.memref_slice %arg10[%add3A_51, %dma_start3A_57] : memref<10112x128xf32, #tpu.memory_space<vmem_shared>> -> memref<128x128xf32, #tpu.memory_space<vmem_shared>>
    %dma_start3A_59 = arith.constant 0 : i32
    %dma_start3A_60 = arith.constant 0 : i32
    %dma_start3A_61 = tpu.memref_slice %arg8[%dma_start3A_59, %dma_start3A_60] : memref<128x128xf32, #tpu.memory_space<vmem>> -> memref<128x128xf32, #tpu.memory_space<vmem>>
    tpu.enqueue_dma source(%dma_start3A_61 : memref<128x128xf32, #tpu.memory_space<vmem>>) target(%dma_start3A_58 : memref<128x128xf32, #tpu.memory_space<vmem_shared>>) target_semaphore(%arg11 : memref<!tpu.dma_semaphore, #tpu.memory_space<semaphore_mem>>)
    %mul3A_62 = arith.constant 632 : i32
    %mul3A_63 = arith.muli %arg1, %mul3A_62 : i32
    %add3A_64 = arith.constant 512 : i32
    %add3A_65 = arith.addi %mul3A_63, %add3A_64 : i32
    %dma_start3A_66 = arith.constant 0 : i32
    %dma_start3A_67 = arith.constant 0 : i32
    %dma_start3A_68 = tpu.memref_slice %arg8[%dma_start3A_66, %dma_start3A_67] : memref<128x128xf32, #tpu.memory_space<vmem>> -> memref<120x128xf32, #tpu.memory_space<vmem>>
    %dma_start3A_69 = arith.constant 0 : i32
    %dma_start3A_70 = tpu.memref_slice %arg10[%add3A_65, %dma_start3A_69] : memref<10112x128xf32, #tpu.memory_space<vmem_shared>> -> memref<120x128xf32, #tpu.memory_space<vmem_shared>>
    %dma_start3A_71 = arith.constant 0 : i32
    %dma_start3A_72 = tpu.memref_slice %arg10[%add3A_65, %dma_start3A_71] : memref<10112x128xf32, #tpu.memory_space<vmem_shared>> -> memref<120x128xf32, #tpu.memory_space<vmem_shared>>
    %dma_start3A_73 = arith.constant 0 : i32
    %dma_start3A_74 = arith.constant 0 : i32
    %dma_start3A_75 = tpu.memref_slice %arg8[%dma_start3A_73, %dma_start3A_74] : memref<128x128xf32, #tpu.memory_space<vmem>> -> memref<120x128xf32, #tpu.memory_space<vmem>>
    tpu.enqueue_dma source(%dma_start3A_75 : memref<120x128xf32, #tpu.memory_space<vmem>>) target(%dma_start3A_72 : memref<120x128xf32, #tpu.memory_space<vmem_shared>>) target_semaphore(%arg11 : memref<!tpu.dma_semaphore, #tpu.memory_space<semaphore_mem>>)
    %mul3A_76 = arith.constant 632 : i32
    %mul3A_77 = arith.muli %arg1, %mul3A_76 : i32
    %add3A_78 = arith.constant 0 : i32
    %add3A_79 = arith.addi %mul3A_77, %add3A_78 : i32
    %dma_wait3A = arith.constant 0 : i32
    %dma_wait3A_80 = arith.constant 0 : i32
    %dma_wait3A_81 = tpu.memref_slice %arg8[%dma_wait3A, %dma_wait3A_80] : memref<128x128xf32, #tpu.memory_space<vmem>> -> memref<128x128xf32, #tpu.memory_space<vmem>>
    %dma_wait3A_82 = arith.constant 0 : i32
    %dma_wait3A_83 = tpu.memref_slice %arg10[%add3A_79, %dma_wait3A_82] : memref<10112x128xf32, #tpu.memory_space<vmem_shared>> -> memref<128x128xf32, #tpu.memory_space<vmem_shared>>
    %dma_wait3A_84 = arith.constant 0 : i32
    %dma_wait3A_85 = tpu.memref_slice %arg10[%add3A_79, %dma_wait3A_84] : memref<10112x128xf32, #tpu.memory_space<vmem_shared>> -> memref<128x128xf32, #tpu.memory_space<vmem_shared>>
    %dma_wait3A_86 = arith.constant 0 : i32
    %dma_wait3A_87 = arith.constant 0 : i32
    %dma_wait3A_88 = tpu.memref_slice %arg8[%dma_wait3A_86, %dma_wait3A_87] : memref<128x128xf32, #tpu.memory_space<vmem>> -> memref<128x128xf32, #tpu.memory_space<vmem>>
    tpu.wait_dma2 semaphore(%arg11 : memref<!tpu.dma_semaphore, #tpu.memory_space<semaphore_mem>>) src(%dma_wait3A_88 : memref<128x128xf32, #tpu.memory_space<vmem>>) dst(%dma_wait3A_85 : memref<128x128xf32, #tpu.memory_space<vmem_shared>>)
    %mul3A_89 = arith.constant 632 : i32
    %mul3A_90 = arith.muli %arg1, %mul3A_89 : i32
    %add3A_91 = arith.constant 128 : i32
    %add3A_92 = arith.addi %mul3A_90, %add3A_91 : i32
    %dma_wait3A_93 = arith.constant 0 : i32
    %dma_wait3A_94 = arith.constant 0 : i32
    %dma_wait3A_95 = tpu.memref_slice %arg8[%dma_wait3A_93, %dma_wait3A_94] : memref<128x128xf32, #tpu.memory_space<vmem>> -> memref<128x128xf32, #tpu.memory_space<vmem>>
    %dma_wait3A_96 = arith.constant 0 : i32
    %dma_wait3A_97 = tpu.memref_slice %arg10[%add3A_92, %dma_wait3A_96] : memref<10112x128xf32, #tpu.memory_space<vmem_shared>> -> memref<128x128xf32, #tpu.memory_space<vmem_shared>>
    %dma_wait3A_98 = arith.constant 0 : i32
    %dma_wait3A_99 = tpu.memref_slice %arg10[%add3A_92, %dma_wait3A_98] : memref<10112x128xf32, #tpu.memory_space<vmem_shared>> -> memref<128x128xf32, #tpu.memory_space<vmem_shared>>
    %dma_wait3A_100 = arith.constant 0 : i32
    %dma_wait3A_101 = arith.constant 0 : i32
    %dma_wait3A_102 = tpu.memref_slice %arg8[%dma_wait3A_100, %dma_wait3A_101] : memref<128x128xf32, #tpu.memory_space<vmem>> -> memref<128x128xf32, #tpu.memory_space<vmem>>
    tpu.wait_dma2 semaphore(%arg11 : memref<!tpu.dma_semaphore, #tpu.memory_space<semaphore_mem>>) src(%dma_wait3A_102 : memref<128x128xf32, #tpu.memory_space<vmem>>) dst(%dma_wait3A_99 : memref<128x128xf32, #tpu.memory_space<vmem_shared>>)
    %mul3A_103 = arith.constant 632 : i32
    %mul3A_104 = arith.muli %arg1, %mul3A_103 : i32
    %add3A_105 = arith.constant 256 : i32
    %add3A_106 = arith.addi %mul3A_104, %add3A_105 : i32
    %dma_wait3A_107 = arith.constant 0 : i32
    %dma_wait3A_108 = arith.constant 0 : i32
    %dma_wait3A_109 = tpu.memref_slice %arg8[%dma_wait3A_107, %dma_wait3A_108] : memref<128x128xf32, #tpu.memory_space<vmem>> -> memref<128x128xf32, #tpu.memory_space<vmem>>
    %dma_wait3A_110 = arith.constant 0 : i32
    %dma_wait3A_111 = tpu.memref_slice %arg10[%add3A_106, %dma_wait3A_110] : memref<10112x128xf32, #tpu.memory_space<vmem_shared>> -> memref<128x128xf32, #tpu.memory_space<vmem_shared>>
    %dma_wait3A_112 = arith.constant 0 : i32
    %dma_wait3A_113 = tpu.memref_slice %arg10[%add3A_106, %dma_wait3A_112] : memref<10112x128xf32, #tpu.memory_space<vmem_shared>> -> memref<128x128xf32, #tpu.memory_space<vmem_shared>>
    %dma_wait3A_114 = arith.constant 0 : i32
    %dma_wait3A_115 = arith.constant 0 : i32
    %dma_wait3A_116 = tpu.memref_slice %arg8[%dma_wait3A_114, %dma_wait3A_115] : memref<128x128xf32, #tpu.memory_space<vmem>> -> memref<128x128xf32, #tpu.memory_space<vmem>>
    tpu.wait_dma2 semaphore(%arg11 : memref<!tpu.dma_semaphore, #tpu.memory_space<semaphore_mem>>) src(%dma_wait3A_116 : memref<128x128xf32, #tpu.memory_space<vmem>>) dst(%dma_wait3A_113 : memref<128x128xf32, #tpu.memory_space<vmem_shared>>)
    %mul3A_117 = arith.constant 632 : i32
    %mul3A_118 = arith.muli %arg1, %mul3A_117 : i32
    %add3A_119 = arith.constant 384 : i32
    %add3A_120 = arith.addi %mul3A_118, %add3A_119 : i32
    %dma_wait3A_121 = arith.constant 0 : i32
    %dma_wait3A_122 = arith.constant 0 : i32
    %dma_wait3A_123 = tpu.memref_slice %arg8[%dma_wait3A_121, %dma_wait3A_122] : memref<128x128xf32, #tpu.memory_space<vmem>> -> memref<128x128xf32, #tpu.memory_space<vmem>>
    %dma_wait3A_124 = arith.constant 0 : i32
    %dma_wait3A_125 = tpu.memref_slice %arg10[%add3A_120, %dma_wait3A_124] : memref<10112x128xf32, #tpu.memory_space<vmem_shared>> -> memref<128x128xf32, #tpu.memory_space<vmem_shared>>
    %dma_wait3A_126 = arith.constant 0 : i32
    %dma_wait3A_127 = tpu.memref_slice %arg10[%add3A_120, %dma_wait3A_126] : memref<10112x128xf32, #tpu.memory_space<vmem_shared>> -> memref<128x128xf32, #tpu.memory_space<vmem_shared>>
    %dma_wait3A_128 = arith.constant 0 : i32
    %dma_wait3A_129 = arith.constant 0 : i32
    %dma_wait3A_130 = tpu.memref_slice %arg8[%dma_wait3A_128, %dma_wait3A_129] : memref<128x128xf32, #tpu.memory_space<vmem>> -> memref<128x128xf32, #tpu.memory_space<vmem>>
    tpu.wait_dma2 semaphore(%arg11 : memref<!tpu.dma_semaphore, #tpu.memory_space<semaphore_mem>>) src(%dma_wait3A_130 : memref<128x128xf32, #tpu.memory_space<vmem>>) dst(%dma_wait3A_127 : memref<128x128xf32, #tpu.memory_space<vmem_shared>>)
    %mul3A_131 = arith.constant 632 : i32
    %mul3A_132 = arith.muli %arg1, %mul3A_131 : i32
    %add3A_133 = arith.constant 512 : i32
    %add3A_134 = arith.addi %mul3A_132, %add3A_133 : i32
    %dma_wait3A_135 = arith.constant 0 : i32
    %dma_wait3A_136 = arith.constant 0 : i32
    %dma_wait3A_137 = tpu.memref_slice %arg8[%dma_wait3A_135, %dma_wait3A_136] : memref<128x128xf32, #tpu.memory_space<vmem>> -> memref<120x128xf32, #tpu.memory_space<vmem>>
    %dma_wait3A_138 = arith.constant 0 : i32
    %dma_wait3A_139 = tpu.memref_slice %arg10[%add3A_134, %dma_wait3A_138] : memref<10112x128xf32, #tpu.memory_space<vmem_shared>> -> memref<120x128xf32, #tpu.memory_space<vmem_shared>>
    %dma_wait3A_140 = arith.constant 0 : i32
    %dma_wait3A_141 = tpu.memref_slice %arg10[%add3A_134, %dma_wait3A_140] : memref<10112x128xf32, #tpu.memory_space<vmem_shared>> -> memref<120x128xf32, #tpu.memory_space<vmem_shared>>
    %dma_wait3A_142 = arith.constant 0 : i32
    %dma_wait3A_143 = arith.constant 0 : i32
    %dma_wait3A_144 = tpu.memref_slice %arg8[%dma_wait3A_142, %dma_wait3A_143] : memref<128x128xf32, #tpu.memory_space<vmem>> -> memref<120x128xf32, #tpu.memory_space<vmem>>
    tpu.wait_dma2 semaphore(%arg11 : memref<!tpu.dma_semaphore, #tpu.memory_space<semaphore_mem>>) src(%dma_wait3A_144 : memref<120x128xf32, #tpu.memory_space<vmem>>) dst(%dma_wait3A_141 : memref<120x128xf32, #tpu.memory_space<vmem_shared>>)
    %barrier3A = arith.constant 0 : index
    tpu.barrier barrier_id(%barrier3A)
    %get3A = arith.constant 0 : i32
    %get3A_145 = arith.index_cast %get3A : i32 to index
    %get3A_146 = arith.constant 0 : index
    %get3A_147 = tpu.vector_load %arg5[%get3A_145, %get3A_146] {strides = array<i32>} : memref<81x128xi32, #tpu.memory_space<vmem>>, vector<16xi32>,
    %and3A = arith.constant 65535 : i32
    %and3A_148 = vector.broadcast %and3A : i32 to vector<16xi32>
    %and3A_149 = arith.andi %get3A_147, %and3A_148 : vector<16xi32>
    %swap3A = arith.constant 0 : i32
    %swap3A_150 = arith.index_cast %swap3A : i32 to index
    %swap3A_151 = arith.constant 0 : index
    %swap3A_152 = tpu.vector_load %arg6[%swap3A_150, %swap3A_151] {strides = array<i32>} : memref<2x128xi32, #tpu.memory_space<vmem>>, vector<16xi32>,
    tpu.vector_store %arg6[%swap3A_150, %swap3A_151], %and3A_149 {strides = array<i32>} : memref<2x128xi32, #tpu.memory_space<vmem>>, vector<16xi32>,
    %get3A_153 = arith.constant 0 : i32
    %get3A_154 = arith.index_cast %get3A_153 : i32 to index
    %get3A_155 = arith.constant 16 : index
    %get3A_156 = tpu.vector_load %arg5[%get3A_154, %get3A_155] {strides = array<i32>} : memref<81x128xi32, #tpu.memory_space<vmem>>, vector<16xi32>,
    %and3A_157 = arith.constant 65535 : i32
    %and3A_158 = vector.broadcast %and3A_157 : i32 to vector<16xi32>
    %and3A_159 = arith.andi %get3A_156, %and3A_158 : vector<16xi32>
    %swap3A_160 = arith.constant 0 : i32
    %swap3A_161 = arith.index_cast %swap3A_160 : i32 to index
    %swap3A_162 = arith.constant 16 : index
    %swap3A_163 = tpu.vector_load %arg6[%swap3A_161, %swap3A_162] {strides = array<i32>} : memref<2x128xi32, #tpu.memory_space<vmem>>, vector<16xi32>,
    tpu.vector_store %arg6[%swap3A_161, %swap3A_162], %and3A_159 {strides = array<i32>} : memref<2x128xi32, #tpu.memory_space<vmem>>, vector<16xi32>,
    %get3A_164 = arith.constant 0 : i32
    %get3A_165 = arith.index_cast %get3A_164 : i32 to index
    %get3A_166 = arith.constant 32 : index
    %get3A_167 = tpu.vector_load %arg5[%get3A_165, %get3A_166] {strides = array<i32>} : memref<81x128xi32, #tpu.memory_space<vmem>>, vector<16xi32>,
    %and3A_168 = arith.constant 65535 : i32
    %and3A_169 = vector.broadcast %and3A_168 : i32 to vector<16xi32>
    %and3A_170 = arith.andi %get3A_167, %and3A_169 : vector<16xi32>
    %swap3A_171 = arith.constant 0 : i32
    %swap3A_172 = arith.index_cast %swap3A_171 : i32 to index
    %swap3A_173 = arith.constant 32 : index
    %swap3A_174 = tpu.vector_load %arg6[%swap3A_172, %swap3A_173] {strides = array<i32>} : memref<2x128xi32, #tpu.memory_space<vmem>>, vector<16xi32>,
    tpu.vector_store %arg6[%swap3A_172, %swap3A_173], %and3A_170 {strides = array<i32>} : memref<2x128xi32, #tpu.memory_space<vmem>>, vector<16xi32>,
    %get3A_175 = arith.constant 0 : i32
    %get3A_176 = arith.index_cast %get3A_175 : i32 to index
    %get3A_177 = arith.constant 48 : index
    %get3A_178 = tpu.vector_load %arg5[%get3A_176, %get3A_177] {strides = array<i32>} : memref<81x128xi32, #tpu.memory_space<vmem>>, vector<16xi32>,
    %and3A_179 = arith.constant 65535 : i32
    %and3A_180 = vector.broadcast %and3A_179 : i32 to vector<16xi32>
    %and3A_181 = arith.andi %get3A_178, %and3A_180 : vector<16xi32>
    %swap3A_182 = arith.constant 0 : i32
    %swap3A_183 = arith.index_cast %swap3A_182 : i32 to index
    %swap3A_184 = arith.constant 48 : index
    %swap3A_185 = tpu.vector_load %arg6[%swap3A_183, %swap3A_184] {strides = array<i32>} : memref<2x128xi32, #tpu.memory_space<vmem>>, vector<16xi32>,
    tpu.vector_store %arg6[%swap3A_183, %swap3A_184], %and3A_181 {strides = array<i32>} : memref<2x128xi32, #tpu.memory_space<vmem>>, vector<16xi32>,
    %get3A_186 = arith.constant 0 : i32
    %get3A_187 = arith.index_cast %get3A_186 : i32 to index
    %get3A_188 = arith.constant 64 : index
    %get3A_189 = tpu.vector_load %arg5[%get3A_187, %get3A_188] {strides = array<i32>} : memref<81x128xi32, #tpu.memory_space<vmem>>, vector<16xi32>,
    %and3A_190 = arith.constant 65535 : i32
    %and3A_191 = vector.broadcast %and3A_190 : i32 to vector<16xi32>
    %and3A_192 = arith.andi %get3A_189, %and3A_191 : vector<16xi32>
    %swap3A_193 = arith.constant 0 : i32
    %swap3A_194 = arith.index_cast %swap3A_193 : i32 to index
    %swap3A_195 = arith.constant 64 : index
    %swap3A_196 = tpu.vector_load %arg6[%swap3A_194, %swap3A_195] {strides = array<i32>} : memref<2x128xi32, #tpu.memory_space<vmem>>, vector<16xi32>,
    tpu.vector_store %arg6[%swap3A_194, %swap3A_195], %and3A_192 {strides = array<i32>} : memref<2x128xi32, #tpu.memory_space<vmem>>, vector<16xi32>,
    %get3A_197 = arith.constant 0 : i32
    %get3A_198 = arith.index_cast %get3A_197 : i32 to index
    %get3A_199 = arith.constant 80 : index
    %get3A_200 = tpu.vector_load %arg5[%get3A_198, %get3A_199] {strides = array<i32>} : memref<81x128xi32, #tpu.memory_space<vmem>>, vector<16xi32>,
    %and3A_201 = arith.constant 65535 : i32
    %and3A_202 = vector.broadcast %and3A_201 : i32 to vector<16xi32>
    %and3A_203 = arith.andi %get3A_200, %and3A_202 : vector<16xi32>
    %swap3A_204 = arith.constant 0 : i32
    %swap3A_205 = arith.index_cast %swap3A_204 : i32 to index
    %swap3A_206 = arith.constant 80 : index
    %swap3A_207 = tpu.vector_load %arg6[%swap3A_205, %swap3A_206] {strides = array<i32>} : memref<2x128xi32, #tpu.memory_space<vmem>>, vector<16xi32>,
    tpu.vector_store %arg6[%swap3A_205, %swap3A_206], %and3A_203 {strides = array<i32>} : memref<2x128xi32, #tpu.memory_space<vmem>>, vector<16xi32>,
    %get3A_208 = arith.constant 0 : i32
    %get3A_209 = arith.index_cast %get3A_208 : i32 to index
    %get3A_210 = arith.constant 96 : index
    %get3A_211 = tpu.vector_load %arg5[%get3A_209, %get3A_210] {strides = array<i32>} : memref<81x128xi32, #tpu.memory_space<vmem>>, vector<16xi32>,
    %and3A_212 = arith.constant 65535 : i32
    %and3A_213 = vector.broadcast %and3A_212 : i32 to vector<16xi32>
    %and3A_214 = arith.andi %get3A_211, %and3A_213 : vector<16xi32>
    %swap3A_215 = arith.constant 0 : i32
    %swap3A_216 = arith.index_cast %swap3A_215 : i32 to index
    %swap3A_217 = arith.constant 96 : index
    %swap3A_218 = tpu.vector_load %arg6[%swap3A_216, %swap3A_217] {strides = array<i32>} : memref<2x128xi32, #tpu.memory_space<vmem>>, vector<16xi32>,
    tpu.vector_store %arg6[%swap3A_216, %swap3A_217], %and3A_214 {strides = array<i32>} : memref<2x128xi32, #tpu.memory_space<vmem>>, vector<16xi32>,
    %get3A_219 = arith.constant 0 : i32
    %get3A_220 = arith.index_cast %get3A_219 : i32 to index
    %get3A_221 = arith.constant 112 : index
    %get3A_222 = tpu.vector_load %arg5[%get3A_220, %get3A_221] {strides = array<i32>} : memref<81x128xi32, #tpu.memory_space<vmem>>, vector<16xi32>,
    %and3A_223 = arith.constant 65535 : i32
    %and3A_224 = vector.broadcast %and3A_223 : i32 to vector<16xi32>
    %and3A_225 = arith.andi %get3A_222, %and3A_224 : vector<16xi32>
    %swap3A_226 = arith.constant 0 : i32
    %swap3A_227 = arith.index_cast %swap3A_226 : i32 to index
    %swap3A_228 = arith.constant 112 : index
    %swap3A_229 = tpu.vector_load %arg6[%swap3A_227, %swap3A_228] {strides = array<i32>} : memref<2x128xi32, #tpu.memory_space<vmem>>, vector<16xi32>,
    tpu.vector_store %arg6[%swap3A_227, %swap3A_228], %and3A_225 {strides = array<i32>} : memref<2x128xi32, #tpu.memory_space<vmem>>, vector<16xi32>,
    %dma_start3A_230 = arith.constant 0 : i32
    %dma_start3A_231 = arith.constant 0 : i32
    %dma_start3A_232 = tpu.memref_slice %arg6[%dma_start3A_230, %dma_start3A_231] : memref<2x128xi32, #tpu.memory_space<vmem>> -> memref<1x128xi32, #tpu.memory_space<vmem>>
    %dma_start3A_233 = tpu.memref_squeeze %dma_start3A_232 : memref<1x128xi32, #tpu.memory_space<vmem>> -> memref<128xi32, #tpu.memory_space<vmem>>
    %dma_start3A_234 = arith.constant 0 : i32
    %dma_start3A_235 = arith.constant 0 : i32
    %dma_start3A_236 = tpu.memref_slice %arg2[%dma_start3A_234, %dma_start3A_235] : memref<10112x128xf32, #tpu.memory_space<hbm>> -> memref<10112x128xf32, #tpu.memory_space<hbm>>
    tpu.enqueue_indirect_dma source(%dma_start3A_236 : memref<10112x128xf32, #tpu.memory_space<hbm>>) target(%arg8 : memref<128x128xf32, #tpu.memory_space<vmem>>) offsets(%dma_start3A_233 : memref<128xi32, #tpu.memory_space<vmem>>) semaphore(%arg11 : memref<!tpu.dma_semaphore, #tpu.memory_space<semaphore_mem>>)
    %get3A_237 = arith.constant 1 : i32
    %get3A_238 = arith.index_cast %get3A_237 : i32 to index
    %get3A_239 = arith.constant 0 : index
    %get3A_240 = tpu.vector_load %arg5[%get3A_238, %get3A_239] {strides = array<i32>} : memref<81x128xi32, #tpu.memory_space<vmem>>, vector<16xi32>,
    %and3A_241 = arith.constant 65535 : i32
    %and3A_242 = vector.broadcast %and3A_241 : i32 to vector<16xi32>
    %and3A_243 = arith.andi %get3A_240, %and3A_242 : vector<16xi32>
    %swap3A_244 = arith.constant 1 : i32
    %swap3A_245 = arith.index_cast %swap3A_244 : i32 to index
    %swap3A_246 = arith.constant 0 : index
    %swap3A_247 = tpu.vector_load %arg6[%swap3A_245, %swap3A_246] {strides = array<i32>} : memref<2x128xi32, #tpu.memory_space<vmem>>, vector<16xi32>,
    tpu.vector_store %arg6[%swap3A_245, %swap3A_246], %and3A_243 {strides = array<i32>} : memref<2x128xi32, #tpu.memory_space<vmem>>, vector<16xi32>,
    %get3A_248 = arith.constant 1 : i32
    %get3A_249 = arith.index_cast %get3A_248 : i32 to index
    %get3A_250 = arith.constant 16 : index
    %get3A_251 = tpu.vector_load %arg5[%get3A_249, %get3A_250] {strides = array<i32>} : memref<81x128xi32, #tpu.memory_space<vmem>>, vector<16xi32>,
    %and3A_252 = arith.constant 65535 : i32
    %and3A_253 = vector.broadcast %and3A_252 : i32 to vector<16xi32>
    %and3A_254 = arith.andi %get3A_251, %and3A_253 : vector<16xi32>
    %swap3A_255 = arith.constant 1 : i32
    %swap3A_256 = arith.index_cast %swap3A_255 : i32 to index
    %swap3A_257 = arith.constant 16 : index
    %swap3A_258 = tpu.vector_load %arg6[%swap3A_256, %swap3A_257] {strides = array<i32>} : memref<2x128xi32, #tpu.memory_space<vmem>>, vector<16xi32>,
    tpu.vector_store %arg6[%swap3A_256, %swap3A_257], %and3A_254 {strides = array<i32>} : memref<2x128xi32, #tpu.memory_space<vmem>>, vector<16xi32>,
    %get3A_259 = arith.constant 1 : i32
    %get3A_260 = arith.index_cast %get3A_259 : i32 to index
    %get3A_261 = arith.constant 32 : index
    %get3A_262 = tpu.vector_load %arg5[%get3A_260, %get3A_261] {strides = array<i32>} : memref<81x128xi32, #tpu.memory_space<vmem>>, vector<16xi32>,
    %and3A_263 = arith.constant 65535 : i32
    %and3A_264 = vector.broadcast %and3A_263 : i32 to vector<16xi32>
    %and3A_265 = arith.andi %get3A_262, %and3A_264 : vector<16xi32>
    %swap3A_266 = arith.constant 1 : i32
    %swap3A_267 = arith.index_cast %swap3A_266 : i32 to index
    %swap3A_268 = arith.constant 32 : index
    %swap3A_269 = tpu.vector_load %arg6[%swap3A_267, %swap3A_268] {strides = array<i32>} : memref<2x128xi32, #tpu.memory_space<vmem>>, vector<16xi32>,
    tpu.vector_store %arg6[%swap3A_267, %swap3A_268], %and3A_265 {strides = array<i32>} : memref<2x128xi32, #tpu.memory_space<vmem>>, vector<16xi32>,
    %get3A_270 = arith.constant 1 : i32
    %get3A_271 = arith.index_cast %get3A_270 : i32 to index
    %get3A_272 = arith.constant 48 : index
    %get3A_273 = tpu.vector_load %arg5[%get3A_271, %get3A_272] {strides = array<i32>} : memref<81x128xi32, #tpu.memory_space<vmem>>, vector<16xi32>,
    %and3A_274 = arith.constant 65535 : i32
    %and3A_275 = vector.broadcast %and3A_274 : i32 to vector<16xi32>
    %and3A_276 = arith.andi %get3A_273, %and3A_275 : vector<16xi32>
    %swap3A_277 = arith.constant 1 : i32
    %swap3A_278 = arith.index_cast %swap3A_277 : i32 to index
    %swap3A_279 = arith.constant 48 : index
    %swap3A_280 = tpu.vector_load %arg6[%swap3A_278, %swap3A_279] {strides = array<i32>} : memref<2x128xi32, #tpu.memory_space<vmem>>, vector<16xi32>,
    tpu.vector_store %arg6[%swap3A_278, %swap3A_279], %and3A_276 {strides = array<i32>} : memref<2x128xi32, #tpu.memory_space<vmem>>, vector<16xi32>,
    %get3A_281 = arith.constant 1 : i32
    %get3A_282 = arith.index_cast %get3A_281 : i32 to index
    %get3A_283 = arith.constant 64 : index
    %get3A_284 = tpu.vector_load %arg5[%get3A_282, %get3A_283] {strides = array<i32>} : memref<81x128xi32, #tpu.memory_space<vmem>>, vector<16xi32>,
    %and3A_285 = arith.constant 65535 : i32
    %and3A_286 = vector.broadcast %and3A_285 : i32 to vector<16xi32>
    %and3A_287 = arith.andi %get3A_284, %and3A_286 : vector<16xi32>
    %swap3A_288 = arith.constant 1 : i32
    %swap3A_289 = arith.index_cast %swap3A_288 : i32 to index
    %swap3A_290 = arith.constant 64 : index
    %swap3A_291 = tpu.vector_load %arg6[%swap3A_289, %swap3A_290] {strides = array<i32>} : memref<2x128xi32, #tpu.memory_space<vmem>>, vector<16xi32>,
    tpu.vector_store %arg6[%swap3A_289, %swap3A_290], %and3A_287 {strides = array<i32>} : memref<2x128xi32, #tpu.memory_space<vmem>>, vector<16xi32>,
    %get3A_292 = arith.constant 1 : i32
    %get3A_293 = arith.index_cast %get3A_292 : i32 to index
    %get3A_294 = arith.constant 80 : index
    %get3A_295 = tpu.vector_load %arg5[%get3A_293, %get3A_294] {strides = array<i32>} : memref<81x128xi32, #tpu.memory_space<vmem>>, vector<16xi32>,
    %and3A_296 = arith.constant 65535 : i32
    %and3A_297 = vector.broadcast %and3A_296 : i32 to vector<16xi32>
    %and3A_298 = arith.andi %get3A_295, %and3A_297 : vector<16xi32>
    %swap3A_299 = arith.constant 1 : i32
    %swap3A_300 = arith.index_cast %swap3A_299 : i32 to index
    %swap3A_301 = arith.constant 80 : index
    %swap3A_302 = tpu.vector_load %arg6[%swap3A_300, %swap3A_301] {strides = array<i32>} : memref<2x128xi32, #tpu.memory_space<vmem>>, vector<16xi32>,
    tpu.vector_store %arg6[%swap3A_300, %swap3A_301], %and3A_298 {strides = array<i32>} : memref<2x128xi32, #tpu.memory_space<vmem>>, vector<16xi32>,
    %get3A_303 = arith.constant 1 : i32
    %get3A_304 = arith.index_cast %get3A_303 : i32 to index
    %get3A_305 = arith.constant 96 : index
    %get3A_306 = tpu.vector_load %arg5[%get3A_304, %get3A_305] {strides = array<i32>} : memref<81x128xi32, #tpu.memory_space<vmem>>, vector<16xi32>,
    %and3A_307 = arith.constant 65535 : i32
    %and3A_308 = vector.broadcast %and3A_307 : i32 to vector<16xi32>
    %and3A_309 = arith.andi %get3A_306, %and3A_308 : vector<16xi32>
    %swap3A_310 = arith.constant 1 : i32
    %swap3A_311 = arith.index_cast %swap3A_310 : i32 to index
    %swap3A_312 = arith.constant 96 : index
    %swap3A_313 = tpu.vector_load %arg6[%swap3A_311, %swap3A_312] {strides = array<i32>} : memref<2x128xi32, #tpu.memory_space<vmem>>, vector<16xi32>,
    tpu.vector_store %arg6[%swap3A_311, %swap3A_312], %and3A_309 {strides = array<i32>} : memref<2x128xi32, #tpu.memory_space<vmem>>, vector<16xi32>,
    %get3A_314 = arith.constant 1 : i32
    %get3A_315 = arith.index_cast %get3A_314 : i32 to index
    %get3A_316 = arith.constant 112 : index
    %get3A_317 = tpu.vector_load %arg5[%get3A_315, %get3A_316] {strides = array<i32>} : memref<81x128xi32, #tpu.memory_space<vmem>>, vector<16xi32>,
    %and3A_318 = arith.constant 65535 : i32
    %and3A_319 = vector.broadcast %and3A_318 : i32 to vector<16xi32>
    %and3A_320 = arith.andi %get3A_317, %and3A_319 : vector<16xi32>
    %swap3A_321 = arith.constant 1 : i32
    %swap3A_322 = arith.index_cast %swap3A_321 : i32 to index
    %swap3A_323 = arith.constant 112 : index
    %swap3A_324 = tpu.vector_load %arg6[%swap3A_322, %swap3A_323] {strides = array<i32>} : memref<2x128xi32, #tpu.memory_space<vmem>>, vector<16xi32>,
    tpu.vector_store %arg6[%swap3A_322, %swap3A_323], %and3A_320 {strides = array<i32>} : memref<2x128xi32, #tpu.memory_space<vmem>>, vector<16xi32>,
    %dma_start3A_325 = arith.constant 1 : i32
    %dma_start3A_326 = arith.constant 0 : i32
    %dma_start3A_327 = tpu.memref_slice %arg6[%dma_start3A_325, %dma_start3A_326] : memref<2x128xi32, #tpu.memory_space<vmem>> -> memref<1x128xi32, #tpu.memory_space<vmem>>
    %dma_start3A_328 = tpu.memref_squeeze %dma_start3A_327 : memref<1x128xi32, #tpu.memory_space<vmem>> -> memref<128xi32, #tpu.memory_space<vmem>>
    %dma_start3A_329 = arith.constant 0 : i32
    %dma_start3A_330 = arith.constant 0 : i32
    %dma_start3A_331 = tpu.memref_slice %arg2[%dma_start3A_329, %dma_start3A_330] : memref<10112x128xf32, #tpu.memory_space<hbm>> -> memref<10112x128xf32, #tpu.memory_space<hbm>>
    tpu.enqueue_indirect_dma source(%dma_start3A_331 : memref<10112x128xf32, #tpu.memory_space<hbm>>) target(%arg9 : memref<128x128xf32, #tpu.memory_space<vmem>>) offsets(%dma_start3A_328 : memref<128xi32, #tpu.memory_space<vmem>>) semaphore(%arg12 : memref<!tpu.dma_semaphore, #tpu.memory_space<semaphore_mem>>)
    %scan3A_332 = arith.constant 0 : i32
    %scan3A_333 = arith.constant 0 : i32
    %scan3A_334 = arith.constant 40 : i32
    %scan3A_335 = arith.addi %scan3A_333, %scan3A_334 : i32
    %scan3A_336 = arith.constant 1 : i32
    scf.for %scan3A_437 = %scan3A_333 to %scan3A_335 step %scan3A_336  : i32 {
      %mul3A_438 = arith.constant 2 : i32
      %mul3A_439 = arith.muli %mul3A_438, %scan3A_437 : i32
      %add3A_440 = arith.constant 0 : i32
      %add3A_441 = arith.addi %mul3A_439, %add3A_440 : i32
      %dma_wait3A_442 = arith.constant 0 : i32
      %dma_wait3A_443 = arith.constant 0 : i32
      %dma_wait3A_444 = tpu.memref_slice %arg6[%dma_wait3A_442, %dma_wait3A_443] : memref<2x128xi32, #tpu.memory_space<vmem>> -> memref<1x128xi32, #tpu.memory_space<vmem>>
      %dma_wait3A_445 = tpu.memref_squeeze %dma_wait3A_444 : memref<1x128xi32, #tpu.memory_space<vmem>> -> memref<128xi32, #tpu.memory_space<vmem>>
      %dma_wait3A_446 = arith.constant 0 : i32
      %dma_wait3A_447 = arith.constant 0 : i32
      %dma_wait3A_448 = tpu.memref_slice %arg2[%dma_wait3A_446, %dma_wait3A_447] : memref<10112x128xf32, #tpu.memory_space<hbm>> -> memref<10112x128xf32, #tpu.memory_space<hbm>>
      tpu.wait_indirect_dma semaphore(%arg11 : memref<!tpu.dma_semaphore, #tpu.memory_space<semaphore_mem>>) src(%dma_wait3A_448 : memref<10112x128xf32, #tpu.memory_space<hbm>>) dst(%arg8 : memref<128x128xf32, #tpu.memory_space<vmem>>)
      %get3A_449 = arith.index_cast %add3A_441 : i32 to index
      %get3A_450 = arith.constant 0 : index
      %get3A_451 = tpu.vector_load %arg5[%get3A_449, %get3A_450] {strides = array<i32>} : memref<81x128xi32, #tpu.memory_space<vmem>>, vector<16xi32>,
      %shift_right_logical3A_452 = arith.constant 16 : i32
      %shift_right_logical3A_453 = vector.broadcast %shift_right_logical3A_452 : i32 to vector<16xi32>
      %shift_right_logical3A_454 = arith.shrui %get3A_451, %shift_right_logical3A_453 : vector<16xi32>
      %swap3A_455 = arith.constant 0 : i32
      %swap3A_456 = arith.index_cast %swap3A_455 : i32 to index
      %swap3A_457 = arith.constant 0 : index
      %swap3A_458 = tpu.vector_load %arg7[%swap3A_456, %swap3A_457] {strides = array<i32>} : memref<1x128xi32, #tpu.memory_space<vmem>>, vector<16xi32>,
      tpu.vector_store %arg7[%swap3A_456, %swap3A_457], %shift_right_logical3A_454 {strides = array<i32>} : memref<1x128xi32, #tpu.memory_space<vmem>>, vector<16xi32>,
      %get3A_459 = arith.index_cast %add3A_441 : i32 to index
      %get3A_460 = arith.constant 16 : index
      %get3A_461 = tpu.vector_load %arg5[%get3A_459, %get3A_460] {strides = array<i32>} : memref<81x128xi32, #tpu.memory_space<vmem>>, vector<16xi32>,
      %shift_right_logical3A_462 = arith.constant 16 : i32
      %shift_right_logical3A_463 = vector.broadcast %shift_right_logical3A_462 : i32 to vector<16xi32>
      %shift_right_logical3A_464 = arith.shrui %get3A_461, %shift_right_logical3A_463 : vector<16xi32>
      %swap3A_465 = arith.constant 0 : i32
      %swap3A_466 = arith.index_cast %swap3A_465 : i32 to index
      %swap3A_467 = arith.constant 16 : index
      %swap3A_468 = tpu.vector_load %arg7[%swap3A_466, %swap3A_467] {strides = array<i32>} : memref<1x128xi32, #tpu.memory_space<vmem>>, vector<16xi32>,
      tpu.vector_store %arg7[%swap3A_466, %swap3A_467], %shift_right_logical3A_464 {strides = array<i32>} : memref<1x128xi32, #tpu.memory_space<vmem>>, vector<16xi32>,
      %get3A_469 = arith.index_cast %add3A_441 : i32 to index
      %get3A_470 = arith.constant 32 : index
      %get3A_471 = tpu.vector_load %arg5[%get3A_469, %get3A_470] {strides = array<i32>} : memref<81x128xi32, #tpu.memory_space<vmem>>, vector<16xi32>,
      %shift_right_logical3A_472 = arith.constant 16 : i32
      %shift_right_logical3A_473 = vector.broadcast %shift_right_logical3A_472 : i32 to vector<16xi32>
      %shift_right_logical3A_474 = arith.shrui %get3A_471, %shift_right_logical3A_473 : vector<16xi32>
      %swap3A_475 = arith.constant 0 : i32
      %swap3A_476 = arith.index_cast %swap3A_475 : i32 to index
      %swap3A_477 = arith.constant 32 : index
      %swap3A_478 = tpu.vector_load %arg7[%swap3A_476, %swap3A_477] {strides = array<i32>} : memref<1x128xi32, #tpu.memory_space<vmem>>, vector<16xi32>,
      tpu.vector_store %arg7[%swap3A_476, %swap3A_477], %shift_right_logical3A_474 {strides = array<i32>} : memref<1x128xi32, #tpu.memory_space<vmem>>, vector<16xi32>,
      %get3A_479 = arith.index_cast %add3A_441 : i32 to index
      %get3A_480 = arith.constant 48 : index
      %get3A_481 = tpu.vector_load %arg5[%get3A_479, %get3A_480] {strides = array<i32>} : memref<81x128xi32, #tpu.memory_space<vmem>>, vector<16xi32>,
      %shift_right_logical3A_482 = arith.constant 16 : i32
      %shift_right_logical3A_483 = vector.broadcast %shift_right_logical3A_482 : i32 to vector<16xi32>
      %shift_right_logical3A_484 = arith.shrui %get3A_481, %shift_right_logical3A_483 : vector<16xi32>
      %swap3A_485 = arith.constant 0 : i32
      %swap3A_486 = arith.index_cast %swap3A_485 : i32 to index
      %swap3A_487 = arith.constant 48 : index
      %swap3A_488 = tpu.vector_load %arg7[%swap3A_486, %swap3A_487] {strides = array<i32>} : memref<1x128xi32, #tpu.memory_space<vmem>>, vector<16xi32>,
      tpu.vector_store %arg7[%swap3A_486, %swap3A_487], %shift_right_logical3A_484 {strides = array<i32>} : memref<1x128xi32, #tpu.memory_space<vmem>>, vector<16xi32>,
      %get3A_489 = arith.index_cast %add3A_441 : i32 to index
      %get3A_490 = arith.constant 64 : index
      %get3A_491 = tpu.vector_load %arg5[%get3A_489, %get3A_490] {strides = array<i32>} : memref<81x128xi32, #tpu.memory_space<vmem>>, vector<16xi32>,
      %shift_right_logical3A_492 = arith.constant 16 : i32
      %shift_right_logical3A_493 = vector.broadcast %shift_right_logical3A_492 : i32 to vector<16xi32>
      %shift_right_logical3A_494 = arith.shrui %get3A_491, %shift_right_logical3A_493 : vector<16xi32>
      %swap3A_495 = arith.constant 0 : i32
      %swap3A_496 = arith.index_cast %swap3A_495 : i32 to index
      %swap3A_497 = arith.constant 64 : index
      %swap3A_498 = tpu.vector_load %arg7[%swap3A_496, %swap3A_497] {strides = array<i32>} : memref<1x128xi32, #tpu.memory_space<vmem>>, vector<16xi32>,
      tpu.vector_store %arg7[%swap3A_496, %swap3A_497], %shift_right_logical3A_494 {strides = array<i32>} : memref<1x128xi32, #tpu.memory_space<vmem>>, vector<16xi32>,
      %get3A_499 = arith.index_cast %add3A_441 : i32 to index
      %get3A_500 = arith.constant 80 : index
      %get3A_501 = tpu.vector_load %arg5[%get3A_499, %get3A_500] {strides = array<i32>} : memref<81x128xi32, #tpu.memory_space<vmem>>, vector<16xi32>,
      %shift_right_logical3A_502 = arith.constant 16 : i32
      %shift_right_logical3A_503 = vector.broadcast %shift_right_logical3A_502 : i32 to vector<16xi32>
      %shift_right_logical3A_504 = arith.shrui %get3A_501, %shift_right_logical3A_503 : vector<16xi32>
      %swap3A_505 = arith.constant 0 : i32
      %swap3A_506 = arith.index_cast %swap3A_505 : i32 to index
      %swap3A_507 = arith.constant 80 : index
      %swap3A_508 = tpu.vector_load %arg7[%swap3A_506, %swap3A_507] {strides = array<i32>} : memref<1x128xi32, #tpu.memory_space<vmem>>, vector<16xi32>,
      tpu.vector_store %arg7[%swap3A_506, %swap3A_507], %shift_right_logical3A_504 {strides = array<i32>} : memref<1x128xi32, #tpu.memory_space<vmem>>, vector<16xi32>,
      %get3A_509 = arith.index_cast %add3A_441 : i32 to index
      %get3A_510 = arith.constant 96 : index
      %get3A_511 = tpu.vector_load %arg5[%get3A_509, %get3A_510] {strides = array<i32>} : memref<81x128xi32, #tpu.memory_space<vmem>>, vector<16xi32>,
      %shift_right_logical3A_512 = arith.constant 16 : i32
      %shift_right_logical3A_513 = vector.broadcast %shift_right_logical3A_512 : i32 to vector<16xi32>
      %shift_right_logical3A_514 = arith.shrui %get3A_511, %shift_right_logical3A_513 : vector<16xi32>
      %swap3A_515 = arith.constant 0 : i32
      %swap3A_516 = arith.index_cast %swap3A_515 : i32 to index
      %swap3A_517 = arith.constant 96 : index
      %swap3A_518 = tpu.vector_load %arg7[%swap3A_516, %swap3A_517] {strides = array<i32>} : memref<1x128xi32, #tpu.memory_space<vmem>>, vector<16xi32>,
      tpu.vector_store %arg7[%swap3A_516, %swap3A_517], %shift_right_logical3A_514 {strides = array<i32>} : memref<1x128xi32, #tpu.memory_space<vmem>>, vector<16xi32>,
      %get3A_519 = arith.index_cast %add3A_441 : i32 to index
      %get3A_520 = arith.constant 112 : index
      %get3A_521 = tpu.vector_load %arg5[%get3A_519, %get3A_520] {strides = array<i32>} : memref<81x128xi32, #tpu.memory_space<vmem>>, vector<16xi32>,
      %shift_right_logical3A_522 = arith.constant 16 : i32
      %shift_right_logical3A_523 = vector.broadcast %shift_right_logical3A_522 : i32 to vector<16xi32>
      %shift_right_logical3A_524 = arith.shrui %get3A_521, %shift_right_logical3A_523 : vector<16xi32>
      %swap3A_525 = arith.constant 0 : i32
      %swap3A_526 = arith.index_cast %swap3A_525 : i32 to index
      %swap3A_527 = arith.constant 112 : index
      %swap3A_528 = tpu.vector_load %arg7[%swap3A_526, %swap3A_527] {strides = array<i32>} : memref<1x128xi32, #tpu.memory_space<vmem>>, vector<16xi32>,
      tpu.vector_store %arg7[%swap3A_526, %swap3A_527], %shift_right_logical3A_524 {strides = array<i32>} : memref<1x128xi32, #tpu.memory_space<vmem>>, vector<16xi32>,
      %run_scoped3A_529 = arith.constant 0 : i32
      "tpu.region"() ({
        %run_scoped3A_715 = tpu.sem_alloc : memref<!tpu.dma_semaphore, #tpu.memory_space<semaphore_mem>>
        %dma_start3A_716 = arith.constant 0 : i32
        %dma_start3A_717 = tpu.memref_slice %arg7[%run_scoped3A_529, %dma_start3A_716] : memref<1x128xi32, #tpu.memory_space<vmem>> -> memref<1x128xi32, #tpu.memory_space<vmem>>
        %dma_start3A_718 = tpu.memref_squeeze %dma_start3A_717 : memref<1x128xi32, #tpu.memory_space<vmem>> -> memref<128xi32, #tpu.memory_space<vmem>>
        %dma_start3A_719 = arith.constant 0 : i32
        %dma_start3A_720 = arith.constant 0 : i32
        %dma_start3A_721 = tpu.memref_slice %arg10[%dma_start3A_719, %dma_start3A_720] : memref<10112x128xf32, #tpu.memory_space<vmem_shared>> -> memref<10112x128xf32, #tpu.memory_space<vmem_shared>>
        tpu.enqueue_indirect_dma source(%arg8 : memref<128x128xf32, #tpu.memory_space<vmem>>) target(%dma_start3A_721 : memref<10112x128xf32, #tpu.memory_space<vmem_shared>>) offsets(%dma_start3A_718 : memref<128xi32, #tpu.memory_space<vmem>>) semaphore(%run_scoped3A_715 : memref<!tpu.dma_semaphore, #tpu.memory_space<semaphore_mem>>) {add = true}
        %dma_wait3A_722 = arith.constant 0 : i32
        %dma_wait3A_723 = tpu.memref_slice %arg7[%run_scoped3A_529, %dma_wait3A_722] : memref<1x128xi32, #tpu.memory_space<vmem>> -> memref<1x128xi32, #tpu.memory_space<vmem>>
        %dma_wait3A_724 = tpu.memref_squeeze %dma_wait3A_723 : memref<1x128xi32, #tpu.memory_space<vmem>> -> memref<128xi32, #tpu.memory_space<vmem>>
        %dma_wait3A_725 = arith.constant 0 : i32
        %dma_wait3A_726 = arith.constant 0 : i32
        %dma_wait3A_727 = tpu.memref_slice %arg10[%dma_wait3A_725, %dma_wait3A_726] : memref<10112x128xf32, #tpu.memory_space<vmem_shared>> -> memref<10112x128xf32, #tpu.memory_space<vmem_shared>>
        tpu.wait_indirect_dma semaphore(%run_scoped3A_715 : memref<!tpu.dma_semaphore, #tpu.memory_space<semaphore_mem>>) src(%arg8 : memref<128x128xf32, #tpu.memory_space<vmem>>) dst(%dma_wait3A_727 : memref<10112x128xf32, #tpu.memory_space<vmem_shared>>)
        tpu.yield
      }) : () -> ()
      %add3A_530 = arith.constant 2 : i32
      %add3A_531 = arith.addi %add3A_441, %add3A_530 : i32
      %get3A_532 = arith.index_cast %add3A_531 : i32 to index
      %get3A_533 = arith.constant 0 : index
      %get3A_534 = tpu.vector_load %arg5[%get3A_532, %get3A_533] {strides = array<i32>} : memref<81x128xi32, #tpu.memory_space<vmem>>, vector<16xi32>,
      %and3A_535 = arith.constant 65535 : i32
      %and3A_536 = vector.broadcast %and3A_535 : i32 to vector<16xi32>
      %and3A_537 = arith.andi %get3A_534, %and3A_536 : vector<16xi32>
      %swap3A_538 = arith.constant 0 : i32
      %swap3A_539 = arith.index_cast %swap3A_538 : i32 to index
      %swap3A_540 = arith.constant 0 : index
      %swap3A_541 = tpu.vector_load %arg6[%swap3A_539, %swap3A_540] {strides = array<i32>} : memref<2x128xi32, #tpu.memory_space<vmem>>, vector<16xi32>,
      tpu.vector_store %arg6[%swap3A_539, %swap3A_540], %and3A_537 {strides = array<i32>} : memref<2x128xi32, #tpu.memory_space<vmem>>, vector<16xi32>,
      %get3A_542 = arith.index_cast %add3A_531 : i32 to index
      %get3A_543 = arith.constant 16 : index
      %get3A_544 = tpu.vector_load %arg5[%get3A_542, %get3A_543] {strides = array<i32>} : memref<81x128xi32, #tpu.memory_space<vmem>>, vector<16xi32>,
      %and3A_545 = arith.constant 65535 : i32
      %and3A_546 = vector.broadcast %and3A_545 : i32 to vector<16xi32>
      %and3A_547 = arith.andi %get3A_544, %and3A_546 : vector<16xi32>
      %swap3A_548 = arith.constant 0 : i32
      %swap3A_549 = arith.index_cast %swap3A_548 : i32 to index
      %swap3A_550 = arith.constant 16 : index
      %swap3A_551 = tpu.vector_load %arg6[%swap3A_549, %swap3A_550] {strides = array<i32>} : memref<2x128xi32, #tpu.memory_space<vmem>>, vector<16xi32>,
      tpu.vector_store %arg6[%swap3A_549, %swap3A_550], %and3A_547 {strides = array<i32>} : memref<2x128xi32, #tpu.memory_space<vmem>>, vector<16xi32>,
      %get3A_552 = arith.index_cast %add3A_531 : i32 to index
      %get3A_553 = arith.constant 32 : index
      %get3A_554 = tpu.vector_load %arg5[%get3A_552, %get3A_553] {strides = array<i32>} : memref<81x128xi32, #tpu.memory_space<vmem>>, vector<16xi32>,
      %and3A_555 = arith.constant 65535 : i32
      %and3A_556 = vector.broadcast %and3A_555 : i32 to vector<16xi32>
      %and3A_557 = arith.andi %get3A_554, %and3A_556 : vector<16xi32>
      %swap3A_558 = arith.constant 0 : i32
      %swap3A_559 = arith.index_cast %swap3A_558 : i32 to index
      %swap3A_560 = arith.constant 32 : index
      %swap3A_561 = tpu.vector_load %arg6[%swap3A_559, %swap3A_560] {strides = array<i32>} : memref<2x128xi32, #tpu.memory_space<vmem>>, vector<16xi32>,
      tpu.vector_store %arg6[%swap3A_559, %swap3A_560], %and3A_557 {strides = array<i32>} : memref<2x128xi32, #tpu.memory_space<vmem>>, vector<16xi32>,
      %get3A_562 = arith.index_cast %add3A_531 : i32 to index
      %get3A_563 = arith.constant 48 : index
      %get3A_564 = tpu.vector_load %arg5[%get3A_562, %get3A_563] {strides = array<i32>} : memref<81x128xi32, #tpu.memory_space<vmem>>, vector<16xi32>,
      %and3A_565 = arith.constant 65535 : i32
      %and3A_566 = vector.broadcast %and3A_565 : i32 to vector<16xi32>
      %and3A_567 = arith.andi %get3A_564, %and3A_566 : vector<16xi32>
      %swap3A_568 = arith.constant 0 : i32
      %swap3A_569 = arith.index_cast %swap3A_568 : i32 to index
      %swap3A_570 = arith.constant 48 : index
      %swap3A_571 = tpu.vector_load %arg6[%swap3A_569, %swap3A_570] {strides = array<i32>} : memref<2x128xi32, #tpu.memory_space<vmem>>, vector<16xi32>,
      tpu.vector_store %arg6[%swap3A_569, %swap3A_570], %and3A_567 {strides = array<i32>} : memref<2x128xi32, #tpu.memory_space<vmem>>, vector<16xi32>,
      %get3A_572 = arith.index_cast %add3A_531 : i32 to index
      %get3A_573 = arith.constant 64 : index
      %get3A_574 = tpu.vector_load %arg5[%get3A_572, %get3A_573] {strides = array<i32>} : memref<81x128xi32, #tpu.memory_space<vmem>>, vector<16xi32>,
      %and3A_575 = arith.constant 65535 : i32
      %and3A_576 = vector.broadcast %and3A_575 : i32 to vector<16xi32>
      %and3A_577 = arith.andi %get3A_574, %and3A_576 : vector<16xi32>
      %swap3A_578 = arith.constant 0 : i32
      %swap3A_579 = arith.index_cast %swap3A_578 : i32 to index
      %swap3A_580 = arith.constant 64 : index
      %swap3A_581 = tpu.vector_load %arg6[%swap3A_579, %swap3A_580] {strides = array<i32>} : memref<2x128xi32, #tpu.memory_space<vmem>>, vector<16xi32>,
      tpu.vector_store %arg6[%swap3A_579, %swap3A_580], %and3A_577 {strides = array<i32>} : memref<2x128xi32, #tpu.memory_space<vmem>>, vector<16xi32>,
      %get3A_582 = arith.index_cast %add3A_531 : i32 to index
      %get3A_583 = arith.constant 80 : index
      %get3A_584 = tpu.vector_load %arg5[%get3A_582, %get3A_583] {strides = array<i32>} : memref<81x128xi32, #tpu.memory_space<vmem>>, vector<16xi32>,
      %and3A_585 = arith.constant 65535 : i32
      %and3A_586 = vector.broadcast %and3A_585 : i32 to vector<16xi32>
      %and3A_587 = arith.andi %get3A_584, %and3A_586 : vector<16xi32>
      %swap3A_588 = arith.constant 0 : i32
      %swap3A_589 = arith.index_cast %swap3A_588 : i32 to index
      %swap3A_590 = arith.constant 80 : index
      %swap3A_591 = tpu.vector_load %arg6[%swap3A_589, %swap3A_590] {strides = array<i32>} : memref<2x128xi32, #tpu.memory_space<vmem>>, vector<16xi32>,
      tpu.vector_store %arg6[%swap3A_589, %swap3A_590], %and3A_587 {strides = array<i32>} : memref<2x128xi32, #tpu.memory_space<vmem>>, vector<16xi32>,
      %get3A_592 = arith.index_cast %add3A_531 : i32 to index
      %get3A_593 = arith.constant 96 : index
      %get3A_594 = tpu.vector_load %arg5[%get3A_592, %get3A_593] {strides = array<i32>} : memref<81x128xi32, #tpu.memory_space<vmem>>, vector<16xi32>,
      %and3A_595 = arith.constant 65535 : i32
      %and3A_596 = vector.broadcast %and3A_595 : i32 to vector<16xi32>
      %and3A_597 = arith.andi %get3A_594, %and3A_596 : vector<16xi32>
      %swap3A_598 = arith.constant 0 : i32
      %swap3A_599 = arith.index_cast %swap3A_598 : i32 to index
      %swap3A_600 = arith.constant 96 : index
      %swap3A_601 = tpu.vector_load %arg6[%swap3A_599, %swap3A_600] {strides = array<i32>} : memref<2x128xi32, #tpu.memory_space<vmem>>, vector<16xi32>,
      tpu.vector_store %arg6[%swap3A_599, %swap3A_600], %and3A_597 {strides = array<i32>} : memref<2x128xi32, #tpu.memory_space<vmem>>, vector<16xi32>,
      %get3A_602 = arith.index_cast %add3A_531 : i32 to index
      %get3A_603 = arith.constant 112 : index
      %get3A_604 = tpu.vector_load %arg5[%get3A_602, %get3A_603] {strides = array<i32>} : memref<81x128xi32, #tpu.memory_space<vmem>>, vector<16xi32>,
      %and3A_605 = arith.constant 65535 : i32
      %and3A_606 = vector.broadcast %and3A_605 : i32 to vector<16xi32>
      %and3A_607 = arith.andi %get3A_604, %and3A_606 : vector<16xi32>
      %swap3A_608 = arith.constant 0 : i32
      %swap3A_609 = arith.index_cast %swap3A_608 : i32 to index
      %swap3A_610 = arith.constant 112 : index
      %swap3A_611 = tpu.vector_load %arg6[%swap3A_609, %swap3A_610] {strides = array<i32>} : memref<2x128xi32, #tpu.memory_space<vmem>>, vector<16xi32>,
      tpu.vector_store %arg6[%swap3A_609, %swap3A_610], %and3A_607 {strides = array<i32>} : memref<2x128xi32, #tpu.memory_space<vmem>>, vector<16xi32>,
      %dma_start3A_612 = arith.constant 0 : i32
      %dma_start3A_613 = arith.constant 0 : i32
      %dma_start3A_614 = tpu.memref_slice %arg6[%dma_start3A_612, %dma_start3A_613] : memref<2x128xi32, #tpu.memory_space<vmem>> -> memref<1x128xi32, #tpu.memory_space<vmem>>
      %dma_start3A_615 = tpu.memref_squeeze %dma_start3A_614 : memref<1x128xi32, #tpu.memory_space<vmem>> -> memref<128xi32, #tpu.memory_space<vmem>>
      %dma_start3A_616 = arith.constant 0 : i32
      %dma_start3A_617 = arith.constant 0 : i32
      %dma_start3A_618 = tpu.memref_slice %arg2[%dma_start3A_616, %dma_start3A_617] : memref<10112x128xf32, #tpu.memory_space<hbm>> -> memref<10112x128xf32, #tpu.memory_space<hbm>>
      tpu.enqueue_indirect_dma source(%dma_start3A_618 : memref<10112x128xf32, #tpu.memory_space<hbm>>) target(%arg8 : memref<128x128xf32, #tpu.memory_space<vmem>>) offsets(%dma_start3A_615 : memref<128xi32, #tpu.memory_space<vmem>>) semaphore(%arg11 : memref<!tpu.dma_semaphore, #tpu.memory_space<semaphore_mem>>)
      %mul3A_619 = arith.constant 2 : i32
      %mul3A_620 = arith.muli %mul3A_619, %scan3A_437 : i32
      %add3A_621 = arith.constant 1 : i32
      %add3A_622 = arith.addi %mul3A_620, %add3A_621 : i32
      %dma_wait3A_623 = arith.constant 1 : i32
      %dma_wait3A_624 = arith.constant 0 : i32
      %dma_wait3A_625 = tpu.memref_slice %arg6[%dma_wait3A_623, %dma_wait3A_624] : memref<2x128xi32, #tpu.memory_space<vmem>> -> memref<1x128xi32, #tpu.memory_space<vmem>>
      %dma_wait3A_626 = tpu.memref_squeeze %dma_wait3A_625 : memref<1x128xi32, #tpu.memory_space<vmem>> -> memref<128xi32, #tpu.memory_space<vmem>>
      %dma_wait3A_627 = arith.constant 0 : i32
      %dma_wait3A_628 = arith.constant 0 : i32
      %dma_wait3A_629 = tpu.memref_slice %arg2[%dma_wait3A_627, %dma_wait3A_628] : memref<10112x128xf32, #tpu.memory_space<hbm>> -> memref<10112x128xf32, #tpu.memory_space<hbm>>
      tpu.wait_indirect_dma semaphore(%arg12 : memref<!tpu.dma_semaphore, #tpu.memory_space<semaphore_mem>>) src(%dma_wait3A_629 : memref<10112x128xf32, #tpu.memory_space<hbm>>) dst(%arg9 : memref<128x128xf32, #tpu.memory_space<vmem>>)
      %get3A_630 = arith.index_cast %add3A_622 : i32 to index
      %get3A_631 = arith.constant 0 : index
      %get3A_632 = tpu.vector_load %arg5[%get3A_630, %get3A_631] {strides = array<i32>} : memref<81x128xi32, #tpu.memory_space<vmem>>, vector<16xi32>,
      %shift_right_logical3A_633 = arith.constant 16 : i32
      %shift_right_logical3A_634 = vector.broadcast %shift_right_logical3A_633 : i32 to vector<16xi32>
      %shift_right_logical3A_635 = arith.shrui %get3A_632, %shift_right_logical3A_634 : vector<16xi32>
      %swap3A_636 = arith.constant 0 : i32
      %swap3A_637 = arith.index_cast %swap3A_636 : i32 to index
      %swap3A_638 = arith.constant 0 : index
      %swap3A_639 = tpu.vector_load %arg7[%swap3A_637, %swap3A_638] {strides = array<i32>} : memref<1x128xi32, #tpu.memory_space<vmem>>, vector<16xi32>,
      tpu.vector_store %arg7[%swap3A_637, %swap3A_638], %shift_right_logical3A_635 {strides = array<i32>} : memref<1x128xi32, #tpu.memory_space<vmem>>, vector<16xi32>,
      %get3A_640 = arith.index_cast %add3A_622 : i32 to index
      %get3A_641 = arith.constant 16 : index
      %get3A_642 = tpu.vector_load %arg5[%get3A_640, %get3A_641] {strides = array<i32>} : memref<81x128xi32, #tpu.memory_space<vmem>>, vector<16xi32>,
      %shift_right_logical3A_643 = arith.constant 16 : i32
      %shift_right_logical3A_644 = vector.broadcast %shift_right_logical3A_643 : i32 to vector<16xi32>
      %shift_right_logical3A_645 = arith.shrui %get3A_642, %shift_right_logical3A_644 : vector<16xi32>
      %swap3A_646 = arith.constant 0 : i32
      %swap3A_647 = arith.index_cast %swap3A_646 : i32 to index
      %swap3A_648 = arith.constant 16 : index
      %swap3A_649 = tpu.vector_load %arg7[%swap3A_647, %swap3A_648] {strides = array<i32>} : memref<1x128xi32, #tpu.memory_space<vmem>>, vector<16xi32>,
      tpu.vector_store %arg7[%swap3A_647, %swap3A_648], %shift_right_logical3A_645 {strides = array<i32>} : memref<1x128xi32, #tpu.memory_space<vmem>>, vector<16xi32>,
      %get3A_650 = arith.index_cast %add3A_622 : i32 to index
      %get3A_651 = arith.constant 32 : index
      %get3A_652 = tpu.vector_load %arg5[%get3A_650, %get3A_651] {strides = array<i32>} : memref<81x128xi32, #tpu.memory_space<vmem>>, vector<16xi32>,
      %shift_right_logical3A_653 = arith.constant 16 : i32
      %shift_right_logical3A_654 = vector.broadcast %shift_right_logical3A_653 : i32 to vector<16xi32>
      %shift_right_logical3A_655 = arith.shrui %get3A_652, %shift_right_logical3A_654 : vector<16xi32>
      %swap3A_656 = arith.constant 0 : i32
      %swap3A_657 = arith.index_cast %swap3A_656 : i32 to index
      %swap3A_658 = arith.constant 32 : index
      %swap3A_659 = tpu.vector_load %arg7[%swap3A_657, %swap3A_658] {strides = array<i32>} : memref<1x128xi32, #tpu.memory_space<vmem>>, vector<16xi32>,
      tpu.vector_store %arg7[%swap3A_657, %swap3A_658], %shift_right_logical3A_655 {strides = array<i32>} : memref<1x128xi32, #tpu.memory_space<vmem>>, vector<16xi32>,
      %get3A_660 = arith.index_cast %add3A_622 : i32 to index
      %get3A_661 = arith.constant 48 : index
      %get3A_662 = tpu.vector_load %arg5[%get3A_660, %get3A_661] {strides = array<i32>} : memref<81x128xi32, #tpu.memory_space<vmem>>, vector<16xi32>,
      %shift_right_logical3A_663 = arith.constant 16 : i32
      %shift_right_logical3A_664 = vector.broadcast %shift_right_logical3A_663 : i32 to vector<16xi32>
      %shift_right_logical3A_665 = arith.shrui %get3A_662, %shift_right_logical3A_664 : vector<16xi32>
      %swap3A_666 = arith.constant 0 : i32
      %swap3A_667 = arith.index_cast %swap3A_666 : i32 to index
      %swap3A_668 = arith.constant 48 : index
      %swap3A_669 = tpu.vector_load %arg7[%swap3A_667, %swap3A_668] {strides = array<i32>} : memref<1x128xi32, #tpu.memory_space<vmem>>, vector<16xi32>,
      tpu.vector_store %arg7[%swap3A_667, %swap3A_668], %shift_right_logical3A_665 {strides = array<i32>} : memref<1x128xi32, #tpu.memory_space<vmem>>, vector<16xi32>,
      %get3A_670 = arith.index_cast %add3A_622 : i32 to index
      %get3A_671 = arith.constant 64 : index
      %get3A_672 = tpu.vector_load %arg5[%get3A_670, %get3A_671] {strides = array<i32>} : memref<81x128xi32, #tpu.memory_space<vmem>>, vector<16xi32>,
      %shift_right_logical3A_673 = arith.constant 16 : i32
      %shift_right_logical3A_674 = vector.broadcast %shift_right_logical3A_673 : i32 to vector<16xi32>
      %shift_right_logical3A_675 = arith.shrui %get3A_672, %shift_right_logical3A_674 : vector<16xi32>
      %swap3A_676 = arith.constant 0 : i32
      %swap3A_677 = arith.index_cast %swap3A_676 : i32 to index
      %swap3A_678 = arith.constant 64 : index
      %swap3A_679 = tpu.vector_load %arg7[%swap3A_677, %swap3A_678] {strides = array<i32>} : memref<1x128xi32, #tpu.memory_space<vmem>>, vector<16xi32>,
      tpu.vector_store %arg7[%swap3A_677, %swap3A_678], %shift_right_logical3A_675 {strides = array<i32>} : memref<1x128xi32, #tpu.memory_space<vmem>>, vector<16xi32>,
      %get3A_680 = arith.index_cast %add3A_622 : i32 to index
      %get3A_681 = arith.constant 80 : index
      %get3A_682 = tpu.vector_load %arg5[%get3A_680, %get3A_681] {strides = array<i32>} : memref<81x128xi32, #tpu.memory_space<vmem>>, vector<16xi32>,
      %shift_right_logical3A_683 = arith.constant 16 : i32
      %shift_right_logical3A_684 = vector.broadcast %shift_right_logical3A_683 : i32 to vector<16xi32>
      %shift_right_logical3A_685 = arith.shrui %get3A_682, %shift_right_logical3A_684 : vector<16xi32>
      %swap3A_686 = arith.constant 0 : i32
      %swap3A_687 = arith.index_cast %swap3A_686 : i32 to index
      %swap3A_688 = arith.constant 80 : index
      %swap3A_689 = tpu.vector_load %arg7[%swap3A_687, %swap3A_688] {strides = array<i32>} : memref<1x128xi32, #tpu.memory_space<vmem>>, vector<16xi32>,
      tpu.vector_store %arg7[%swap3A_687, %swap3A_688], %shift_right_logical3A_685 {strides = array<i32>} : memref<1x128xi32, #tpu.memory_space<vmem>>, vector<16xi32>,
      %get3A_690 = arith.index_cast %add3A_622 : i32 to index
      %get3A_691 = arith.constant 96 : index
      %get3A_692 = tpu.vector_load %arg5[%get3A_690, %get3A_691] {strides = array<i32>} : memref<81x128xi32, #tpu.memory_space<vmem>>, vector<16xi32>,
      %shift_right_logical3A_693 = arith.constant 16 : i32
      %shift_right_logical3A_694 = vector.broadcast %shift_right_logical3A_693 : i32 to vector<16xi32>
      %shift_right_logical3A_695 = arith.shrui %get3A_692, %shift_right_logical3A_694 : vector<16xi32>
      %swap3A_696 = arith.constant 0 : i32
      %swap3A_697 = arith.index_cast %swap3A_696 : i32 to index
      %swap3A_698 = arith.constant 96 : index
      %swap3A_699 = tpu.vector_load %arg7[%swap3A_697, %swap3A_698] {strides = array<i32>} : memref<1x128xi32, #tpu.memory_space<vmem>>, vector<16xi32>,
      tpu.vector_store %arg7[%swap3A_697, %swap3A_698], %shift_right_logical3A_695 {strides = array<i32>} : memref<1x128xi32, #tpu.memory_space<vmem>>, vector<16xi32>,
      %get3A_700 = arith.index_cast %add3A_622 : i32 to index
      %get3A_701 = arith.constant 112 : index
      %get3A_702 = tpu.vector_load %arg5[%get3A_700, %get3A_701] {strides = array<i32>} : memref<81x128xi32, #tpu.memory_space<vmem>>, vector<16xi32>,
      %shift_right_logical3A_703 = arith.constant 16 : i32
      %shift_right_logical3A_704 = vector.broadcast %shift_right_logical3A_703 : i32 to vector<16xi32>
      %shift_right_logical3A_705 = arith.shrui %get3A_702, %shift_right_logical3A_704 : vector<16xi32>
      %swap3A_706 = arith.constant 0 : i32
      %swap3A_707 = arith.index_cast %swap3A_706 : i32 to index
      %swap3A_708 = arith.constant 112 : index
      %swap3A_709 = tpu.vector_load %arg7[%swap3A_707, %swap3A_708] {strides = array<i32>} : memref<1x128xi32, #tpu.memory_space<vmem>>, vector<16xi32>,
      tpu.vector_store %arg7[%swap3A_707, %swap3A_708], %shift_right_logical3A_705 {strides = array<i32>} : memref<1x128xi32, #tpu.memory_space<vmem>>, vector<16xi32>,
      %run_scoped3A_710 = arith.constant 0 : i32
      "tpu.region"() ({
        %run_scoped3A_715 = tpu.sem_alloc : memref<!tpu.dma_semaphore, #tpu.memory_space<semaphore_mem>>
        %dma_start3A_716 = arith.constant 0 : i32
        %dma_start3A_717 = tpu.memref_slice %arg7[%run_scoped3A_710, %dma_start3A_716] : memref<1x128xi32, #tpu.memory_space<vmem>> -> memref<1x128xi32, #tpu.memory_space<vmem>>
        %dma_start3A_718 = tpu.memref_squeeze %dma_start3A_717 : memref<1x128xi32, #tpu.memory_space<vmem>> -> memref<128xi32, #tpu.memory_space<vmem>>
        %dma_start3A_719 = arith.constant 0 : i32
        %dma_start3A_720 = arith.constant 0 : i32
        %dma_start3A_721 = tpu.memref_slice %arg10[%dma_start3A_719, %dma_start3A_720] : memref<10112x128xf32, #tpu.memory_space<vmem_shared>> -> memref<10112x128xf32, #tpu.memory_space<vmem_shared>>
        tpu.enqueue_indirect_dma source(%arg9 : memref<128x128xf32, #tpu.memory_space<vmem>>) target(%dma_start3A_721 : memref<10112x128xf32, #tpu.memory_space<vmem_shared>>) offsets(%dma_start3A_718 : memref<128xi32, #tpu.memory_space<vmem>>) semaphore(%run_scoped3A_715 : memref<!tpu.dma_semaphore, #tpu.memory_space<semaphore_mem>>) {add = true}
        %dma_wait3A_722 = arith.constant 0 : i32
        %dma_wait3A_723 = tpu.memref_slice %arg7[%run_scoped3A_710, %dma_wait3A_722] : memref<1x128xi32, #tpu.memory_space<vmem>> -> memref<1x128xi32, #tpu.memory_space<vmem>>
        %dma_wait3A_724 = tpu.memref_squeeze %dma_wait3A_723 : memref<1x128xi32, #tpu.memory_space<vmem>> -> memref<128xi32, #tpu.memory_space<vmem>>
        %dma_wait3A_725 = arith.constant 0 : i32
        %dma_wait3A_726 = arith.constant 0 : i32
        %dma_wait3A_727 = tpu.memref_slice %arg10[%dma_wait3A_725, %dma_wait3A_726] : memref<10112x128xf32, #tpu.memory_space<vmem_shared>> -> memref<10112x128xf32, #tpu.memory_space<vmem_shared>>
        tpu.wait_indirect_dma semaphore(%run_scoped3A_715 : memref<!tpu.dma_semaphore, #tpu.memory_space<semaphore_mem>>) src(%arg9 : memref<128x128xf32, #tpu.memory_space<vmem>>) dst(%dma_wait3A_727 : memref<10112x128xf32, #tpu.memory_space<vmem_shared>>)
        tpu.yield
      }) : () -> ()
      %add3A_711 = arith.constant 2 : i32
      %add3A_712 = arith.addi %add3A_622, %add3A_711 : i32
      %lt3A = arith.constant 81 : i32
      %lt3A_713 = arith.cmpi slt, %add3A_712, %lt3A : i32
      %convert_element_type3A = arith.extui %lt3A_713 : i1 to i32
      %cond3A = arith.constant 0 : i32
      %cond3A_714 = arith.cmpi ne, %convert_element_type3A, %cond3A : i32
      scf.if %cond3A_714 {
        %add3A_715 = arith.constant 2 : i32
        %add3A_716 = arith.addi %add3A_622, %add3A_715 : i32
        %get3A_717 = arith.index_cast %add3A_716 : i32 to index
        %get3A_718 = arith.constant 0 : index
        %get3A_719 = tpu.vector_load %arg5[%get3A_717, %get3A_718] {strides = array<i32>} : memref<81x128xi32, #tpu.memory_space<vmem>>, vector<16xi32>,
        %and3A_720 = arith.constant 65535 : i32
        %and3A_721 = vector.broadcast %and3A_720 : i32 to vector<16xi32>
        %and3A_722 = arith.andi %get3A_719, %and3A_721 : vector<16xi32>
        %swap3A_723 = arith.constant 1 : i32
        %swap3A_724 = arith.index_cast %swap3A_723 : i32 to index
        %swap3A_725 = arith.constant 0 : index
        %swap3A_726 = tpu.vector_load %arg6[%swap3A_724, %swap3A_725] {strides = array<i32>} : memref<2x128xi32, #tpu.memory_space<vmem>>, vector<16xi32>,
        tpu.vector_store %arg6[%swap3A_724, %swap3A_725], %and3A_722 {strides = array<i32>} : memref<2x128xi32, #tpu.memory_space<vmem>>, vector<16xi32>,
        %get3A_727 = arith.index_cast %add3A_716 : i32 to index
        %get3A_728 = arith.constant 16 : index
        %get3A_729 = tpu.vector_load %arg5[%get3A_727, %get3A_728] {strides = array<i32>} : memref<81x128xi32, #tpu.memory_space<vmem>>, vector<16xi32>,
        %and3A_730 = arith.constant 65535 : i32
        %and3A_731 = vector.broadcast %and3A_730 : i32 to vector<16xi32>
        %and3A_732 = arith.andi %get3A_729, %and3A_731 : vector<16xi32>
        %swap3A_733 = arith.constant 1 : i32
        %swap3A_734 = arith.index_cast %swap3A_733 : i32 to index
        %swap3A_735 = arith.constant 16 : index
        %swap3A_736 = tpu.vector_load %arg6[%swap3A_734, %swap3A_735] {strides = array<i32>} : memref<2x128xi32, #tpu.memory_space<vmem>>, vector<16xi32>,
        tpu.vector_store %arg6[%swap3A_734, %swap3A_735], %and3A_732 {strides = array<i32>} : memref<2x128xi32, #tpu.memory_space<vmem>>, vector<16xi32>,
        %get3A_737 = arith.index_cast %add3A_716 : i32 to index
        %get3A_738 = arith.constant 32 : index
        %get3A_739 = tpu.vector_load %arg5[%get3A_737, %get3A_738] {strides = array<i32>} : memref<81x128xi32, #tpu.memory_space<vmem>>, vector<16xi32>,
        %and3A_740 = arith.constant 65535 : i32
        %and3A_741 = vector.broadcast %and3A_740 : i32 to vector<16xi32>
        %and3A_742 = arith.andi %get3A_739, %and3A_741 : vector<16xi32>
        %swap3A_743 = arith.constant 1 : i32
        %swap3A_744 = arith.index_cast %swap3A_743 : i32 to index
        %swap3A_745 = arith.constant 32 : index
        %swap3A_746 = tpu.vector_load %arg6[%swap3A_744, %swap3A_745] {strides = array<i32>} : memref<2x128xi32, #tpu.memory_space<vmem>>, vector<16xi32>,
        tpu.vector_store %arg6[%swap3A_744, %swap3A_745], %and3A_742 {strides = array<i32>} : memref<2x128xi32, #tpu.memory_space<vmem>>, vector<16xi32>,
        %get3A_747 = arith.index_cast %add3A_716 : i32 to index
        %get3A_748 = arith.constant 48 : index
        %get3A_749 = tpu.vector_load %arg5[%get3A_747, %get3A_748] {strides = array<i32>} : memref<81x128xi32, #tpu.memory_space<vmem>>, vector<16xi32>,
        %and3A_750 = arith.constant 65535 : i32
        %and3A_751 = vector.broadcast %and3A_750 : i32 to vector<16xi32>
        %and3A_752 = arith.andi %get3A_749, %and3A_751 : vector<16xi32>
        %swap3A_753 = arith.constant 1 : i32
        %swap3A_754 = arith.index_cast %swap3A_753 : i32 to index
        %swap3A_755 = arith.constant 48 : index
        %swap3A_756 = tpu.vector_load %arg6[%swap3A_754, %swap3A_755] {strides = array<i32>} : memref<2x128xi32, #tpu.memory_space<vmem>>, vector<16xi32>,
        tpu.vector_store %arg6[%swap3A_754, %swap3A_755], %and3A_752 {strides = array<i32>} : memref<2x128xi32, #tpu.memory_space<vmem>>, vector<16xi32>,
        %get3A_757 = arith.index_cast %add3A_716 : i32 to index
        %get3A_758 = arith.constant 64 : index
        %get3A_759 = tpu.vector_load %arg5[%get3A_757, %get3A_758] {strides = array<i32>} : memref<81x128xi32, #tpu.memory_space<vmem>>, vector<16xi32>,
        %and3A_760 = arith.constant 65535 : i32
        %and3A_761 = vector.broadcast %and3A_760 : i32 to vector<16xi32>
        %and3A_762 = arith.andi %get3A_759, %and3A_761 : vector<16xi32>
        %swap3A_763 = arith.constant 1 : i32
        %swap3A_764 = arith.index_cast %swap3A_763 : i32 to index
        %swap3A_765 = arith.constant 64 : index
        %swap3A_766 = tpu.vector_load %arg6[%swap3A_764, %swap3A_765] {strides = array<i32>} : memref<2x128xi32, #tpu.memory_space<vmem>>, vector<16xi32>,
        tpu.vector_store %arg6[%swap3A_764, %swap3A_765], %and3A_762 {strides = array<i32>} : memref<2x128xi32, #tpu.memory_space<vmem>>, vector<16xi32>,
        %get3A_767 = arith.index_cast %add3A_716 : i32 to index
        %get3A_768 = arith.constant 80 : index
        %get3A_769 = tpu.vector_load %arg5[%get3A_767, %get3A_768] {strides = array<i32>} : memref<81x128xi32, #tpu.memory_space<vmem>>, vector<16xi32>,
        %and3A_770 = arith.constant 65535 : i32
        %and3A_771 = vector.broadcast %and3A_770 : i32 to vector<16xi32>
        %and3A_772 = arith.andi %get3A_769, %and3A_771 : vector<16xi32>
        %swap3A_773 = arith.constant 1 : i32
        %swap3A_774 = arith.index_cast %swap3A_773 : i32 to index
        %swap3A_775 = arith.constant 80 : index
        %swap3A_776 = tpu.vector_load %arg6[%swap3A_774, %swap3A_775] {strides = array<i32>} : memref<2x128xi32, #tpu.memory_space<vmem>>, vector<16xi32>,
        tpu.vector_store %arg6[%swap3A_774, %swap3A_775], %and3A_772 {strides = array<i32>} : memref<2x128xi32, #tpu.memory_space<vmem>>, vector<16xi32>,
        %get3A_777 = arith.index_cast %add3A_716 : i32 to index
        %get3A_778 = arith.constant 96 : index
        %get3A_779 = tpu.vector_load %arg5[%get3A_777, %get3A_778] {strides = array<i32>} : memref<81x128xi32, #tpu.memory_space<vmem>>, vector<16xi32>,
        %and3A_780 = arith.constant 65535 : i32
        %and3A_781 = vector.broadcast %and3A_780 : i32 to vector<16xi32>
        %and3A_782 = arith.andi %get3A_779, %and3A_781 : vector<16xi32>
        %swap3A_783 = arith.constant 1 : i32
        %swap3A_784 = arith.index_cast %swap3A_783 : i32 to index
        %swap3A_785 = arith.constant 96 : index
        %swap3A_786 = tpu.vector_load %arg6[%swap3A_784, %swap3A_785] {strides = array<i32>} : memref<2x128xi32, #tpu.memory_space<vmem>>, vector<16xi32>,
        tpu.vector_store %arg6[%swap3A_784, %swap3A_785], %and3A_782 {strides = array<i32>} : memref<2x128xi32, #tpu.memory_space<vmem>>, vector<16xi32>,
        %get3A_787 = arith.index_cast %add3A_716 : i32 to index
        %get3A_788 = arith.constant 112 : index
        %get3A_789 = tpu.vector_load %arg5[%get3A_787, %get3A_788] {strides = array<i32>} : memref<81x128xi32, #tpu.memory_space<vmem>>, vector<16xi32>,
        %and3A_790 = arith.constant 65535 : i32
        %and3A_791 = vector.broadcast %and3A_790 : i32 to vector<16xi32>
        %and3A_792 = arith.andi %get3A_789, %and3A_791 : vector<16xi32>
        %swap3A_793 = arith.constant 1 : i32
        %swap3A_794 = arith.index_cast %swap3A_793 : i32 to index
        %swap3A_795 = arith.constant 112 : index
        %swap3A_796 = tpu.vector_load %arg6[%swap3A_794, %swap3A_795] {strides = array<i32>} : memref<2x128xi32, #tpu.memory_space<vmem>>, vector<16xi32>,
        tpu.vector_store %arg6[%swap3A_794, %swap3A_795], %and3A_792 {strides = array<i32>} : memref<2x128xi32, #tpu.memory_space<vmem>>, vector<16xi32>,
        %dma_start3A_797 = arith.constant 1 : i32
        %dma_start3A_798 = arith.constant 0 : i32
        %dma_start3A_799 = tpu.memref_slice %arg6[%dma_start3A_797, %dma_start3A_798] : memref<2x128xi32, #tpu.memory_space<vmem>> -> memref<1x128xi32, #tpu.memory_space<vmem>>
        %dma_start3A_800 = tpu.memref_squeeze %dma_start3A_799 : memref<1x128xi32, #tpu.memory_space<vmem>> -> memref<128xi32, #tpu.memory_space<vmem>>
        %dma_start3A_801 = arith.constant 0 : i32
        %dma_start3A_802 = arith.constant 0 : i32
        %dma_start3A_803 = tpu.memref_slice %arg2[%dma_start3A_801, %dma_start3A_802] : memref<10112x128xf32, #tpu.memory_space<hbm>> -> memref<10112x128xf32, #tpu.memory_space<hbm>>
        tpu.enqueue_indirect_dma source(%dma_start3A_803 : memref<10112x128xf32, #tpu.memory_space<hbm>>) target(%arg9 : memref<128x128xf32, #tpu.memory_space<vmem>>) offsets(%dma_start3A_800 : memref<128xi32, #tpu.memory_space<vmem>>) semaphore(%arg12 : memref<!tpu.dma_semaphore, #tpu.memory_space<semaphore_mem>>)
      } else {
      }
    }
    %scan3A_337 = arith.constant 40 : i32
    %dma_wait3A_338 = arith.constant 0 : i32
    %dma_wait3A_339 = arith.constant 0 : i32
    %dma_wait3A_340 = tpu.memref_slice %arg6[%dma_wait3A_338, %dma_wait3A_339] : memref<2x128xi32, #tpu.memory_space<vmem>> -> memref<1x128xi32, #tpu.memory_space<vmem>>
    %dma_wait3A_341 = tpu.memref_squeeze %dma_wait3A_340 : memref<1x128xi32, #tpu.memory_space<vmem>> -> memref<128xi32, #tpu.memory_space<vmem>>
    %dma_wait3A_342 = arith.constant 0 : i32
    %dma_wait3A_343 = arith.constant 0 : i32
    %dma_wait3A_344 = tpu.memref_slice %arg2[%dma_wait3A_342, %dma_wait3A_343] : memref<10112x128xf32, #tpu.memory_space<hbm>> -> memref<10112x128xf32, #tpu.memory_space<hbm>>
    tpu.wait_indirect_dma semaphore(%arg11 : memref<!tpu.dma_semaphore, #tpu.memory_space<semaphore_mem>>) src(%dma_wait3A_344 : memref<10112x128xf32, #tpu.memory_space<hbm>>) dst(%arg8 : memref<128x128xf32, #tpu.memory_space<vmem>>)
    %get3A_345 = arith.constant 80 : i32
    %get3A_346 = arith.index_cast %get3A_345 : i32 to index
    %get3A_347 = arith.constant 0 : index
    %get3A_348 = tpu.vector_load %arg5[%get3A_346, %get3A_347] {strides = array<i32>} : memref<81x128xi32, #tpu.memory_space<vmem>>, vector<16xi32>,
    %shift_right_logical3A = arith.constant 16 : i32
    %shift_right_logical3A_349 = vector.broadcast %shift_right_logical3A : i32 to vector<16xi32>
    %shift_right_logical3A_350 = arith.shrui %get3A_348, %shift_right_logical3A_349 : vector<16xi32>
    %swap3A_351 = arith.constant 0 : i32
    %swap3A_352 = arith.index_cast %swap3A_351 : i32 to index
    %swap3A_353 = arith.constant 0 : index
    %swap3A_354 = tpu.vector_load %arg7[%swap3A_352, %swap3A_353] {strides = array<i32>} : memref<1x128xi32, #tpu.memory_space<vmem>>, vector<16xi32>,
    tpu.vector_store %arg7[%swap3A_352, %swap3A_353], %shift_right_logical3A_350 {strides = array<i32>} : memref<1x128xi32, #tpu.memory_space<vmem>>, vector<16xi32>,
    %get3A_355 = arith.constant 80 : i32
    %get3A_356 = arith.index_cast %get3A_355 : i32 to index
    %get3A_357 = arith.constant 16 : index
    %get3A_358 = tpu.vector_load %arg5[%get3A_356, %get3A_357] {strides = array<i32>} : memref<81x128xi32, #tpu.memory_space<vmem>>, vector<16xi32>,
    %shift_right_logical3A_359 = arith.constant 16 : i32
    %shift_right_logical3A_360 = vector.broadcast %shift_right_logical3A_359 : i32 to vector<16xi32>
    %shift_right_logical3A_361 = arith.shrui %get3A_358, %shift_right_logical3A_360 : vector<16xi32>
    %swap3A_362 = arith.constant 0 : i32
    %swap3A_363 = arith.index_cast %swap3A_362 : i32 to index
    %swap3A_364 = arith.constant 16 : index
    %swap3A_365 = tpu.vector_load %arg7[%swap3A_363, %swap3A_364] {strides = array<i32>} : memref<1x128xi32, #tpu.memory_space<vmem>>, vector<16xi32>,
    tpu.vector_store %arg7[%swap3A_363, %swap3A_364], %shift_right_logical3A_361 {strides = array<i32>} : memref<1x128xi32, #tpu.memory_space<vmem>>, vector<16xi32>,
    %get3A_366 = arith.constant 80 : i32
    %get3A_367 = arith.index_cast %get3A_366 : i32 to index
    %get3A_368 = arith.constant 32 : index
    %get3A_369 = tpu.vector_load %arg5[%get3A_367, %get3A_368] {strides = array<i32>} : memref<81x128xi32, #tpu.memory_space<vmem>>, vector<16xi32>,
    %shift_right_logical3A_370 = arith.constant 16 : i32
    %shift_right_logical3A_371 = vector.broadcast %shift_right_logical3A_370 : i32 to vector<16xi32>
    %shift_right_logical3A_372 = arith.shrui %get3A_369, %shift_right_logical3A_371 : vector<16xi32>
    %swap3A_373 = arith.constant 0 : i32
    %swap3A_374 = arith.index_cast %swap3A_373 : i32 to index
    %swap3A_375 = arith.constant 32 : index
    %swap3A_376 = tpu.vector_load %arg7[%swap3A_374, %swap3A_375] {strides = array<i32>} : memref<1x128xi32, #tpu.memory_space<vmem>>, vector<16xi32>,
    tpu.vector_store %arg7[%swap3A_374, %swap3A_375], %shift_right_logical3A_372 {strides = array<i32>} : memref<1x128xi32, #tpu.memory_space<vmem>>, vector<16xi32>,
    %get3A_377 = arith.constant 80 : i32
    %get3A_378 = arith.index_cast %get3A_377 : i32 to index
    %get3A_379 = arith.constant 48 : index
    %get3A_380 = tpu.vector_load %arg5[%get3A_378, %get3A_379] {strides = array<i32>} : memref<81x128xi32, #tpu.memory_space<vmem>>, vector<16xi32>,
    %shift_right_logical3A_381 = arith.constant 16 : i32
    %shift_right_logical3A_382 = vector.broadcast %shift_right_logical3A_381 : i32 to vector<16xi32>
    %shift_right_logical3A_383 = arith.shrui %get3A_380, %shift_right_logical3A_382 : vector<16xi32>
    %swap3A_384 = arith.constant 0 : i32
    %swap3A_385 = arith.index_cast %swap3A_384 : i32 to index
    %swap3A_386 = arith.constant 48 : index
    %swap3A_387 = tpu.vector_load %arg7[%swap3A_385, %swap3A_386] {strides = array<i32>} : memref<1x128xi32, #tpu.memory_space<vmem>>, vector<16xi32>,
    tpu.vector_store %arg7[%swap3A_385, %swap3A_386], %shift_right_logical3A_383 {strides = array<i32>} : memref<1x128xi32, #tpu.memory_space<vmem>>, vector<16xi32>,
    %get3A_388 = arith.constant 80 : i32
    %get3A_389 = arith.index_cast %get3A_388 : i32 to index
    %get3A_390 = arith.constant 64 : index
    %get3A_391 = tpu.vector_load %arg5[%get3A_389, %get3A_390] {strides = array<i32>} : memref<81x128xi32, #tpu.memory_space<vmem>>, vector<16xi32>,
    %shift_right_logical3A_392 = arith.constant 16 : i32
    %shift_right_logical3A_393 = vector.broadcast %shift_right_logical3A_392 : i32 to vector<16xi32>
    %shift_right_logical3A_394 = arith.shrui %get3A_391, %shift_right_logical3A_393 : vector<16xi32>
    %swap3A_395 = arith.constant 0 : i32
    %swap3A_396 = arith.index_cast %swap3A_395 : i32 to index
    %swap3A_397 = arith.constant 64 : index
    %swap3A_398 = tpu.vector_load %arg7[%swap3A_396, %swap3A_397] {strides = array<i32>} : memref<1x128xi32, #tpu.memory_space<vmem>>, vector<16xi32>,
    tpu.vector_store %arg7[%swap3A_396, %swap3A_397], %shift_right_logical3A_394 {strides = array<i32>} : memref<1x128xi32, #tpu.memory_space<vmem>>, vector<16xi32>,
    %get3A_399 = arith.constant 80 : i32
    %get3A_400 = arith.index_cast %get3A_399 : i32 to index
    %get3A_401 = arith.constant 80 : index
    %get3A_402 = tpu.vector_load %arg5[%get3A_400, %get3A_401] {strides = array<i32>} : memref<81x128xi32, #tpu.memory_space<vmem>>, vector<16xi32>,
    %shift_right_logical3A_403 = arith.constant 16 : i32
    %shift_right_logical3A_404 = vector.broadcast %shift_right_logical3A_403 : i32 to vector<16xi32>
    %shift_right_logical3A_405 = arith.shrui %get3A_402, %shift_right_logical3A_404 : vector<16xi32>
    %swap3A_406 = arith.constant 0 : i32
    %swap3A_407 = arith.index_cast %swap3A_406 : i32 to index
    %swap3A_408 = arith.constant 80 : index
    %swap3A_409 = tpu.vector_load %arg7[%swap3A_407, %swap3A_408] {strides = array<i32>} : memref<1x128xi32, #tpu.memory_space<vmem>>, vector<16xi32>,
    tpu.vector_store %arg7[%swap3A_407, %swap3A_408], %shift_right_logical3A_405 {strides = array<i32>} : memref<1x128xi32, #tpu.memory_space<vmem>>, vector<16xi32>,
    %get3A_410 = arith.constant 80 : i32
    %get3A_411 = arith.index_cast %get3A_410 : i32 to index
    %get3A_412 = arith.constant 96 : index
    %get3A_413 = tpu.vector_load %arg5[%get3A_411, %get3A_412] {strides = array<i32>} : memref<81x128xi32, #tpu.memory_space<vmem>>, vector<16xi32>,
    %shift_right_logical3A_414 = arith.constant 16 : i32
    %shift_right_logical3A_415 = vector.broadcast %shift_right_logical3A_414 : i32 to vector<16xi32>
    %shift_right_logical3A_416 = arith.shrui %get3A_413, %shift_right_logical3A_415 : vector<16xi32>
    %swap3A_417 = arith.constant 0 : i32
    %swap3A_418 = arith.index_cast %swap3A_417 : i32 to index
    %swap3A_419 = arith.constant 96 : index
    %swap3A_420 = tpu.vector_load %arg7[%swap3A_418, %swap3A_419] {strides = array<i32>} : memref<1x128xi32, #tpu.memory_space<vmem>>, vector<16xi32>,
    tpu.vector_store %arg7[%swap3A_418, %swap3A_419], %shift_right_logical3A_416 {strides = array<i32>} : memref<1x128xi32, #tpu.memory_space<vmem>>, vector<16xi32>,
    %get3A_421 = arith.constant 80 : i32
    %get3A_422 = arith.index_cast %get3A_421 : i32 to index
    %get3A_423 = arith.constant 112 : index
    %get3A_424 = tpu.vector_load %arg5[%get3A_422, %get3A_423] {strides = array<i32>} : memref<81x128xi32, #tpu.memory_space<vmem>>, vector<16xi32>,
    %shift_right_logical3A_425 = arith.constant 16 : i32
    %shift_right_logical3A_426 = vector.broadcast %shift_right_logical3A_425 : i32 to vector<16xi32>
    %shift_right_logical3A_427 = arith.shrui %get3A_424, %shift_right_logical3A_426 : vector<16xi32>
    %swap3A_428 = arith.constant 0 : i32
    %swap3A_429 = arith.index_cast %swap3A_428 : i32 to index
    %swap3A_430 = arith.constant 112 : index
    %swap3A_431 = tpu.vector_load %arg7[%swap3A_429, %swap3A_430] {strides = array<i32>} : memref<1x128xi32, #tpu.memory_space<vmem>>, vector<16xi32>,
    tpu.vector_store %arg7[%swap3A_429, %swap3A_430], %shift_right_logical3A_427 {strides = array<i32>} : memref<1x128xi32, #tpu.memory_space<vmem>>, vector<16xi32>,
    %run_scoped3A = arith.constant 0 : i32
    "tpu.region"() ({
      %run_scoped3A_437 = tpu.sem_alloc : memref<!tpu.dma_semaphore, #tpu.memory_space<semaphore_mem>>
      %dma_start3A_438 = arith.constant 0 : i32
      %dma_start3A_439 = tpu.memref_slice %arg7[%run_scoped3A, %dma_start3A_438] : memref<1x128xi32, #tpu.memory_space<vmem>> -> memref<1x128xi32, #tpu.memory_space<vmem>>
      %dma_start3A_440 = tpu.memref_squeeze %dma_start3A_439 : memref<1x128xi32, #tpu.memory_space<vmem>> -> memref<128xi32, #tpu.memory_space<vmem>>
      %dma_start3A_441 = arith.constant 0 : i32
      %dma_start3A_442 = arith.constant 0 : i32
      %dma_start3A_443 = tpu.memref_slice %arg10[%dma_start3A_441, %dma_start3A_442] : memref<10112x128xf32, #tpu.memory_space<vmem_shared>> -> memref<10112x128xf32, #tpu.memory_space<vmem_shared>>
      tpu.enqueue_indirect_dma source(%arg8 : memref<128x128xf32, #tpu.memory_space<vmem>>) target(%dma_start3A_443 : memref<10112x128xf32, #tpu.memory_space<vmem_shared>>) offsets(%dma_start3A_440 : memref<128xi32, #tpu.memory_space<vmem>>) semaphore(%run_scoped3A_437 : memref<!tpu.dma_semaphore, #tpu.memory_space<semaphore_mem>>) {add = true}
      %dma_wait3A_444 = arith.constant 0 : i32
      %dma_wait3A_445 = tpu.memref_slice %arg7[%run_scoped3A, %dma_wait3A_444] : memref<1x128xi32, #tpu.memory_space<vmem>> -> memref<1x128xi32, #tpu.memory_space<vmem>>
      %dma_wait3A_446 = tpu.memref_squeeze %dma_wait3A_445 : memref<1x128xi32, #tpu.memory_space<vmem>> -> memref<128xi32, #tpu.memory_space<vmem>>
      %dma_wait3A_447 = arith.constant 0 : i32
      %dma_wait3A_448 = arith.constant 0 : i32
      %dma_wait3A_449 = tpu.memref_slice %arg10[%dma_wait3A_447, %dma_wait3A_448] : memref<10112x128xf32, #tpu.memory_space<vmem_shared>> -> memref<10112x128xf32, #tpu.memory_space<vmem_shared>>
      tpu.wait_indirect_dma semaphore(%run_scoped3A_437 : memref<!tpu.dma_semaphore, #tpu.memory_space<semaphore_mem>>) src(%arg8 : memref<128x128xf32, #tpu.memory_space<vmem>>) dst(%dma_wait3A_449 : memref<10112x128xf32, #tpu.memory_space<vmem_shared>>)
      tpu.yield
    }) : () -> ()
    %barrier3A_432 = arith.constant 0 : index
    tpu.barrier barrier_id(%barrier3A_432)
    %mul3A_433 = arith.constant 632 : i32
    %mul3A_434 = arith.muli %arg1, %mul3A_433 : i32
    %mul3A_435 = arith.constant 632 : i32
    %mul3A_436 = arith.muli %arg1, %mul3A_435 : i32
    "tpu.region"() ({
      %run_scoped3A_437 = tpu.sem_alloc : memref<!tpu.dma_semaphore, #tpu.memory_space<semaphore_mem>>
      %dma_start3A_438 = arith.constant 0 : i32
      %dma_start3A_439 = tpu.memref_slice %arg4[%arg0, %mul3A_436, %dma_start3A_438] : memref<2x10112x128xf32, #tpu.memory_space<hbm>> -> memref<1x632x128xf32, #tpu.memory_space<hbm>>
      %dma_start3A_440 = tpu.memref_squeeze %dma_start3A_439 : memref<1x632x128xf32, #tpu.memory_space<hbm>> -> memref<632x128xf32, #tpu.memory_space<hbm>>
      %dma_start3A_441 = arith.constant 0 : i32
      %dma_start3A_442 = tpu.memref_slice %arg10[%mul3A_434, %dma_start3A_441] : memref<10112x128xf32, #tpu.memory_space<vmem_shared>> -> memref<632x128xf32, #tpu.memory_space<vmem_shared>>
      tpu.enqueue_dma source(%dma_start3A_442 : memref<632x128xf32, #tpu.memory_space<vmem_shared>>) target(%dma_start3A_440 : memref<632x128xf32, #tpu.memory_space<hbm>>) target_semaphore(%run_scoped3A_437 : memref<!tpu.dma_semaphore, #tpu.memory_space<semaphore_mem>>)
      %dma_wait3A_443 = arith.constant 0 : i32
      %dma_wait3A_444 = tpu.memref_slice %arg4[%arg0, %mul3A_436, %dma_wait3A_443] : memref<2x10112x128xf32, #tpu.memory_space<hbm>> -> memref<1x632x128xf32, #tpu.memory_space<hbm>>
      %dma_wait3A_445 = tpu.memref_squeeze %dma_wait3A_444 : memref<1x632x128xf32, #tpu.memory_space<hbm>> -> memref<632x128xf32, #tpu.memory_space<hbm>>
      %dma_wait3A_446 = arith.constant 0 : i32
      %dma_wait3A_447 = tpu.memref_slice %arg10[%mul3A_434, %dma_wait3A_446] : memref<10112x128xf32, #tpu.memory_space<vmem_shared>> -> memref<632x128xf32, #tpu.memory_space<vmem_shared>>
      tpu.wait_dma2 semaphore(%run_scoped3A_437 : memref<!tpu.dma_semaphore, #tpu.memory_space<semaphore_mem>>) src(%dma_wait3A_447 : memref<632x128xf32, #tpu.memory_space<vmem_shared>>) dst(%dma_wait3A_445 : memref<632x128xf32, #tpu.memory_space<hbm>>)
      tpu.yield
    }) : () -> ()
    return
  }
}

#map = affine_map<(d0, d1) -> (0, 0, 0)>
module attributes {stable_mosaic.version = 14 : i64} {
  func.func @_deg_body(%arg0: i32, %arg1: i32, %arg2: memref<32x81x128xi32, #tpu.memory_space<hbm>>, %arg3: memref<2x128x128xf32, #tpu.memory_space<hbm>>, %arg4: memref<81x128xi32, #tpu.memory_space<vmem>>, %arg5: memref<128x128xf32, #tpu.memory_space<vmem>>, %arg6: memref<1x128xi32, #tpu.memory_space<vmem>>, %arg7: memref<128x128xf32, #tpu.memory_space<vmem_shared>>) attributes {dimension_semantics = [#tpu.dimension_semantics<core_parallel>, #tpu.dimension_semantics<subcore_parallel>], iteration_bounds = array<i64: 2, 16>, scalar_prefetch = 0 : i64, scratch_operands = 4 : i64, tpu.core_type = #tpu.core_type<sc_vector_subcore>, window_params = [{transform_indices = #map}, {transform_indices = #map}]} {
    %mul3A = arith.constant 16 : i32
    %mul3A_0 = arith.muli %arg0, %mul3A : i32
    %add3A = arith.addi %mul3A_0, %arg1 : i32
    "tpu.region"() ({
      %run_scoped3A_84 = tpu.sem_alloc : memref<!tpu.dma_semaphore, #tpu.memory_space<semaphore_mem>>
      %dma_start3A = arith.constant 0 : i32
      %dma_start3A_85 = arith.constant 0 : i32
      %dma_start3A_86 = tpu.memref_slice %arg2[%add3A, %dma_start3A, %dma_start3A_85] : memref<32x81x128xi32, #tpu.memory_space<hbm>> -> memref<1x81x128xi32, #tpu.memory_space<hbm>>
      %dma_start3A_87 = tpu.memref_squeeze %dma_start3A_86 : memref<1x81x128xi32, #tpu.memory_space<hbm>> -> memref<81x128xi32, #tpu.memory_space<hbm>>
      %dma_start3A_88 = arith.constant 0 : i32
      %dma_start3A_89 = arith.constant 0 : i32
      %dma_start3A_90 = tpu.memref_slice %arg2[%add3A, %dma_start3A_88, %dma_start3A_89] : memref<32x81x128xi32, #tpu.memory_space<hbm>> -> memref<1x81x128xi32, #tpu.memory_space<hbm>>
      %dma_start3A_91 = tpu.memref_squeeze %dma_start3A_90 : memref<1x81x128xi32, #tpu.memory_space<hbm>> -> memref<81x128xi32, #tpu.memory_space<hbm>>
      tpu.enqueue_dma source(%dma_start3A_91 : memref<81x128xi32, #tpu.memory_space<hbm>>) target(%arg4 : memref<81x128xi32, #tpu.memory_space<vmem>>) target_semaphore(%run_scoped3A_84 : memref<!tpu.dma_semaphore, #tpu.memory_space<semaphore_mem>>)
      %dma_wait3A = arith.constant 0 : i32
      %dma_wait3A_92 = arith.constant 0 : i32
      %dma_wait3A_93 = tpu.memref_slice %arg2[%add3A, %dma_wait3A, %dma_wait3A_92] : memref<32x81x128xi32, #tpu.memory_space<hbm>> -> memref<1x81x128xi32, #tpu.memory_space<hbm>>
      %dma_wait3A_94 = tpu.memref_squeeze %dma_wait3A_93 : memref<1x81x128xi32, #tpu.memory_space<hbm>> -> memref<81x128xi32, #tpu.memory_space<hbm>>
      %dma_wait3A_95 = arith.constant 0 : i32
      %dma_wait3A_96 = arith.constant 0 : i32
      %dma_wait3A_97 = tpu.memref_slice %arg2[%add3A, %dma_wait3A_95, %dma_wait3A_96] : memref<32x81x128xi32, #tpu.memory_space<hbm>> -> memref<1x81x128xi32, #tpu.memory_space<hbm>>
      %dma_wait3A_98 = tpu.memref_squeeze %dma_wait3A_97 : memref<1x81x128xi32, #tpu.memory_space<hbm>> -> memref<81x128xi32, #tpu.memory_space<hbm>>
      tpu.wait_dma2 semaphore(%run_scoped3A_84 : memref<!tpu.dma_semaphore, #tpu.memory_space<semaphore_mem>>) src(%dma_wait3A_98 : memref<81x128xi32, #tpu.memory_space<hbm>>) dst(%arg4 : memref<81x128xi32, #tpu.memory_space<vmem>>)
      tpu.yield
    }) : () -> ()
    %broadcast_in_dim3A = arith.constant 0.000000e+00 : f32
    %broadcast_in_dim3A_1 = vector.broadcast %broadcast_in_dim3A : f32 to vector<16xf32>
    %scan3A = arith.constant 0 : i32
    %scan3A_2 = arith.constant 0 : i32
    %scan3A_3 = arith.constant 128 : i32
    %scan3A_4 = arith.addi %scan3A_2, %scan3A_3 : i32
    %scan3A_5 = arith.constant 1 : i32
    scf.for %scan3A_84 = %scan3A_2 to %scan3A_4 step %scan3A_5  : i32 {
      %swap3A_85 = arith.index_cast %scan3A_84 : i32 to index
      %swap3A_86 = arith.constant 0 : index
      %swap3A_87 = tpu.vector_load %arg5[%swap3A_85, %swap3A_86] {strides = array<i32>} : memref<128x128xf32, #tpu.memory_space<vmem>>, vector<16xf32>,
      tpu.vector_store %arg5[%swap3A_85, %swap3A_86], %broadcast_in_dim3A_1 {strides = array<i32>} : memref<128x128xf32, #tpu.memory_space<vmem>>, vector<16xf32>,
      %swap3A_88 = arith.index_cast %scan3A_84 : i32 to index
      %swap3A_89 = arith.constant 16 : index
      %swap3A_90 = tpu.vector_load %arg5[%swap3A_88, %swap3A_89] {strides = array<i32>} : memref<128x128xf32, #tpu.memory_space<vmem>>, vector<16xf32>,
      tpu.vector_store %arg5[%swap3A_88, %swap3A_89], %broadcast_in_dim3A_1 {strides = array<i32>} : memref<128x128xf32, #tpu.memory_space<vmem>>, vector<16xf32>,
      %swap3A_91 = arith.index_cast %scan3A_84 : i32 to index
      %swap3A_92 = arith.constant 32 : index
      %swap3A_93 = tpu.vector_load %arg5[%swap3A_91, %swap3A_92] {strides = array<i32>} : memref<128x128xf32, #tpu.memory_space<vmem>>, vector<16xf32>,
      tpu.vector_store %arg5[%swap3A_91, %swap3A_92], %broadcast_in_dim3A_1 {strides = array<i32>} : memref<128x128xf32, #tpu.memory_space<vmem>>, vector<16xf32>,
      %swap3A_94 = arith.index_cast %scan3A_84 : i32 to index
      %swap3A_95 = arith.constant 48 : index
      %swap3A_96 = tpu.vector_load %arg5[%swap3A_94, %swap3A_95] {strides = array<i32>} : memref<128x128xf32, #tpu.memory_space<vmem>>, vector<16xf32>,
      tpu.vector_store %arg5[%swap3A_94, %swap3A_95], %broadcast_in_dim3A_1 {strides = array<i32>} : memref<128x128xf32, #tpu.memory_space<vmem>>, vector<16xf32>,
      %swap3A_97 = arith.index_cast %scan3A_84 : i32 to index
      %swap3A_98 = arith.constant 64 : index
      %swap3A_99 = tpu.vector_load %arg5[%swap3A_97, %swap3A_98] {strides = array<i32>} : memref<128x128xf32, #tpu.memory_space<vmem>>, vector<16xf32>,
      tpu.vector_store %arg5[%swap3A_97, %swap3A_98], %broadcast_in_dim3A_1 {strides = array<i32>} : memref<128x128xf32, #tpu.memory_space<vmem>>, vector<16xf32>,
      %swap3A_100 = arith.index_cast %scan3A_84 : i32 to index
      %swap3A_101 = arith.constant 80 : index
      %swap3A_102 = tpu.vector_load %arg5[%swap3A_100, %swap3A_101] {strides = array<i32>} : memref<128x128xf32, #tpu.memory_space<vmem>>, vector<16xf32>,
      tpu.vector_store %arg5[%swap3A_100, %swap3A_101], %broadcast_in_dim3A_1 {strides = array<i32>} : memref<128x128xf32, #tpu.memory_space<vmem>>, vector<16xf32>,
      %swap3A_103 = arith.index_cast %scan3A_84 : i32 to index
      %swap3A_104 = arith.constant 96 : index
      %swap3A_105 = tpu.vector_load %arg5[%swap3A_103, %swap3A_104] {strides = array<i32>} : memref<128x128xf32, #tpu.memory_space<vmem>>, vector<16xf32>,
      tpu.vector_store %arg5[%swap3A_103, %swap3A_104], %broadcast_in_dim3A_1 {strides = array<i32>} : memref<128x128xf32, #tpu.memory_space<vmem>>, vector<16xf32>,
      %swap3A_106 = arith.index_cast %scan3A_84 : i32 to index
      %swap3A_107 = arith.constant 112 : index
      %swap3A_108 = tpu.vector_load %arg5[%swap3A_106, %swap3A_107] {strides = array<i32>} : memref<128x128xf32, #tpu.memory_space<vmem>>, vector<16xf32>,
      tpu.vector_store %arg5[%swap3A_106, %swap3A_107], %broadcast_in_dim3A_1 {strides = array<i32>} : memref<128x128xf32, #tpu.memory_space<vmem>>, vector<16xf32>,
    }
    %scan3A_6 = arith.constant 128 : i32
    %iota3A = tpu.iota {dimensions = array<i32: 0>} : vector<16xi32>
    %add3A_7 = arith.constant 0 : i32
    %add3A_8 = vector.broadcast %add3A_7 : i32 to vector<16xi32>
    %add3A_9 = arith.addi %iota3A, %add3A_8 : vector<16xi32>
    %swap3A = arith.constant 0 : i32
    %swap3A_10 = arith.index_cast %swap3A : i32 to index
    %swap3A_11 = arith.constant 0 : index
    %swap3A_12 = tpu.vector_load %arg6[%swap3A_10, %swap3A_11] {strides = array<i32>} : memref<1x128xi32, #tpu.memory_space<vmem>>, vector<16xi32>,
    tpu.vector_store %arg6[%swap3A_10, %swap3A_11], %add3A_9 {strides = array<i32>} : memref<1x128xi32, #tpu.memory_space<vmem>>, vector<16xi32>,
    %iota3A_13 = tpu.iota {dimensions = array<i32: 0>} : vector<16xi32>
    %add3A_14 = arith.constant 16 : i32
    %add3A_15 = vector.broadcast %add3A_14 : i32 to vector<16xi32>
    %add3A_16 = arith.addi %iota3A_13, %add3A_15 : vector<16xi32>
    %swap3A_17 = arith.constant 0 : i32
    %swap3A_18 = arith.index_cast %swap3A_17 : i32 to index
    %swap3A_19 = arith.constant 16 : index
    %swap3A_20 = tpu.vector_load %arg6[%swap3A_18, %swap3A_19] {strides = array<i32>} : memref<1x128xi32, #tpu.memory_space<vmem>>, vector<16xi32>,
    tpu.vector_store %arg6[%swap3A_18, %swap3A_19], %add3A_16 {strides = array<i32>} : memref<1x128xi32, #tpu.memory_space<vmem>>, vector<16xi32>,
    %iota3A_21 = tpu.iota {dimensions = array<i32: 0>} : vector<16xi32>
    %add3A_22 = arith.constant 32 : i32
    %add3A_23 = vector.broadcast %add3A_22 : i32 to vector<16xi32>
    %add3A_24 = arith.addi %iota3A_21, %add3A_23 : vector<16xi32>
    %swap3A_25 = arith.constant 0 : i32
    %swap3A_26 = arith.index_cast %swap3A_25 : i32 to index
    %swap3A_27 = arith.constant 32 : index
    %swap3A_28 = tpu.vector_load %arg6[%swap3A_26, %swap3A_27] {strides = array<i32>} : memref<1x128xi32, #tpu.memory_space<vmem>>, vector<16xi32>,
    tpu.vector_store %arg6[%swap3A_26, %swap3A_27], %add3A_24 {strides = array<i32>} : memref<1x128xi32, #tpu.memory_space<vmem>>, vector<16xi32>,
    %iota3A_29 = tpu.iota {dimensions = array<i32: 0>} : vector<16xi32>
    %add3A_30 = arith.constant 48 : i32
    %add3A_31 = vector.broadcast %add3A_30 : i32 to vector<16xi32>
    %add3A_32 = arith.addi %iota3A_29, %add3A_31 : vector<16xi32>
    %swap3A_33 = arith.constant 0 : i32
    %swap3A_34 = arith.index_cast %swap3A_33 : i32 to index
    %swap3A_35 = arith.constant 48 : index
    %swap3A_36 = tpu.vector_load %arg6[%swap3A_34, %swap3A_35] {strides = array<i32>} : memref<1x128xi32, #tpu.memory_space<vmem>>, vector<16xi32>,
    tpu.vector_store %arg6[%swap3A_34, %swap3A_35], %add3A_32 {strides = array<i32>} : memref<1x128xi32, #tpu.memory_space<vmem>>, vector<16xi32>,
    %iota3A_37 = tpu.iota {dimensions = array<i32: 0>} : vector<16xi32>
    %add3A_38 = arith.constant 64 : i32
    %add3A_39 = vector.broadcast %add3A_38 : i32 to vector<16xi32>
    %add3A_40 = arith.addi %iota3A_37, %add3A_39 : vector<16xi32>
    %swap3A_41 = arith.constant 0 : i32
    %swap3A_42 = arith.index_cast %swap3A_41 : i32 to index
    %swap3A_43 = arith.constant 64 : index
    %swap3A_44 = tpu.vector_load %arg6[%swap3A_42, %swap3A_43] {strides = array<i32>} : memref<1x128xi32, #tpu.memory_space<vmem>>, vector<16xi32>,
    tpu.vector_store %arg6[%swap3A_42, %swap3A_43], %add3A_40 {strides = array<i32>} : memref<1x128xi32, #tpu.memory_space<vmem>>, vector<16xi32>,
    %iota3A_45 = tpu.iota {dimensions = array<i32: 0>} : vector<16xi32>
    %add3A_46 = arith.constant 80 : i32
    %add3A_47 = vector.broadcast %add3A_46 : i32 to vector<16xi32>
    %add3A_48 = arith.addi %iota3A_45, %add3A_47 : vector<16xi32>
    %swap3A_49 = arith.constant 0 : i32
    %swap3A_50 = arith.index_cast %swap3A_49 : i32 to index
    %swap3A_51 = arith.constant 80 : index
    %swap3A_52 = tpu.vector_load %arg6[%swap3A_50, %swap3A_51] {strides = array<i32>} : memref<1x128xi32, #tpu.memory_space<vmem>>, vector<16xi32>,
    tpu.vector_store %arg6[%swap3A_50, %swap3A_51], %add3A_48 {strides = array<i32>} : memref<1x128xi32, #tpu.memory_space<vmem>>, vector<16xi32>,
    %iota3A_53 = tpu.iota {dimensions = array<i32: 0>} : vector<16xi32>
    %add3A_54 = arith.constant 96 : i32
    %add3A_55 = vector.broadcast %add3A_54 : i32 to vector<16xi32>
    %add3A_56 = arith.addi %iota3A_53, %add3A_55 : vector<16xi32>
    %swap3A_57 = arith.constant 0 : i32
    %swap3A_58 = arith.index_cast %swap3A_57 : i32 to index
    %swap3A_59 = arith.constant 96 : index
    %swap3A_60 = tpu.vector_load %arg6[%swap3A_58, %swap3A_59] {strides = array<i32>} : memref<1x128xi32, #tpu.memory_space<vmem>>, vector<16xi32>,
    tpu.vector_store %arg6[%swap3A_58, %swap3A_59], %add3A_56 {strides = array<i32>} : memref<1x128xi32, #tpu.memory_space<vmem>>, vector<16xi32>,
    %iota3A_61 = tpu.iota {dimensions = array<i32: 0>} : vector<16xi32>
    %add3A_62 = arith.constant 112 : i32
    %add3A_63 = vector.broadcast %add3A_62 : i32 to vector<16xi32>
    %add3A_64 = arith.addi %iota3A_61, %add3A_63 : vector<16xi32>
    %swap3A_65 = arith.constant 0 : i32
    %swap3A_66 = arith.index_cast %swap3A_65 : i32 to index
    %swap3A_67 = arith.constant 112 : index
    %swap3A_68 = tpu.vector_load %arg6[%swap3A_66, %swap3A_67] {strides = array<i32>} : memref<1x128xi32, #tpu.memory_space<vmem>>, vector<16xi32>,
    tpu.vector_store %arg6[%swap3A_66, %swap3A_67], %add3A_64 {strides = array<i32>} : memref<1x128xi32, #tpu.memory_space<vmem>>, vector<16xi32>,
    %mul3A_69 = arith.constant 8 : i32
    %mul3A_70 = arith.muli %arg1, %mul3A_69 : i32
    "tpu.region"() ({
      %run_scoped3A_84 = tpu.sem_alloc : memref<!tpu.dma_semaphore, #tpu.memory_space<semaphore_mem>>
      %dma_start3A = arith.constant 0 : i32
      %dma_start3A_85 = arith.constant 0 : i32
      %dma_start3A_86 = tpu.memref_slice %arg5[%dma_start3A, %dma_start3A_85] : memref<128x128xf32, #tpu.memory_space<vmem>> -> memref<8x128xf32, #tpu.memory_space<vmem>>
      %dma_start3A_87 = arith.constant 0 : i32
      %dma_start3A_88 = tpu.memref_slice %arg7[%mul3A_70, %dma_start3A_87] : memref<128x128xf32, #tpu.memory_space<vmem_shared>> -> memref<8x128xf32, #tpu.memory_space<vmem_shared>>
      %dma_start3A_89 = arith.constant 0 : i32
      %dma_start3A_90 = tpu.memref_slice %arg7[%mul3A_70, %dma_start3A_89] : memref<128x128xf32, #tpu.memory_space<vmem_shared>> -> memref<8x128xf32, #tpu.memory_space<vmem_shared>>
      %dma_start3A_91 = arith.constant 0 : i32
      %dma_start3A_92 = arith.constant 0 : i32
      %dma_start3A_93 = tpu.memref_slice %arg5[%dma_start3A_91, %dma_start3A_92] : memref<128x128xf32, #tpu.memory_space<vmem>> -> memref<8x128xf32, #tpu.memory_space<vmem>>
      tpu.enqueue_dma source(%dma_start3A_93 : memref<8x128xf32, #tpu.memory_space<vmem>>) target(%dma_start3A_90 : memref<8x128xf32, #tpu.memory_space<vmem_shared>>) target_semaphore(%run_scoped3A_84 : memref<!tpu.dma_semaphore, #tpu.memory_space<semaphore_mem>>)
      %dma_wait3A = arith.constant 0 : i32
      %dma_wait3A_94 = arith.constant 0 : i32
      %dma_wait3A_95 = tpu.memref_slice %arg5[%dma_wait3A, %dma_wait3A_94] : memref<128x128xf32, #tpu.memory_space<vmem>> -> memref<8x128xf32, #tpu.memory_space<vmem>>
      %dma_wait3A_96 = arith.constant 0 : i32
      %dma_wait3A_97 = tpu.memref_slice %arg7[%mul3A_70, %dma_wait3A_96] : memref<128x128xf32, #tpu.memory_space<vmem_shared>> -> memref<8x128xf32, #tpu.memory_space<vmem_shared>>
      %dma_wait3A_98 = arith.constant 0 : i32
      %dma_wait3A_99 = tpu.memref_slice %arg7[%mul3A_70, %dma_wait3A_98] : memref<128x128xf32, #tpu.memory_space<vmem_shared>> -> memref<8x128xf32, #tpu.memory_space<vmem_shared>>
      %dma_wait3A_100 = arith.constant 0 : i32
      %dma_wait3A_101 = arith.constant 0 : i32
      %dma_wait3A_102 = tpu.memref_slice %arg5[%dma_wait3A_100, %dma_wait3A_101] : memref<128x128xf32, #tpu.memory_space<vmem>> -> memref<8x128xf32, #tpu.memory_space<vmem>>
      tpu.wait_dma2 semaphore(%run_scoped3A_84 : memref<!tpu.dma_semaphore, #tpu.memory_space<semaphore_mem>>) src(%dma_wait3A_102 : memref<8x128xf32, #tpu.memory_space<vmem>>) dst(%dma_wait3A_99 : memref<8x128xf32, #tpu.memory_space<vmem_shared>>)
      tpu.yield
    }) : () -> ()
    %barrier3A = arith.constant 0 : index
    tpu.barrier barrier_id(%barrier3A)
    %broadcast_in_dim3A_71 = arith.constant 1.000000e+00 : f32
    %broadcast_in_dim3A_72 = vector.broadcast %broadcast_in_dim3A_71 : f32 to vector<16xf32>
    %scan3A_73 = arith.constant 0 : i32
    %scan3A_74 = arith.constant 0 : i32
    %scan3A_75 = arith.constant 81 : i32
    %scan3A_76 = arith.addi %scan3A_74, %scan3A_75 : i32
    %scan3A_77 = arith.constant 1 : i32
    scf.for %scan3A_84 = %scan3A_74 to %scan3A_76 step %scan3A_77  : i32 {
      %get3A = arith.index_cast %scan3A_84 : i32 to index
      %get3A_85 = arith.constant 0 : index
      %get3A_86 = tpu.vector_load %arg4[%get3A, %get3A_85] {strides = array<i32>} : memref<81x128xi32, #tpu.memory_space<vmem>>, vector<16xi32>,
      %shift_right_logical3A = arith.constant 16 : i32
      %shift_right_logical3A_87 = vector.broadcast %shift_right_logical3A : i32 to vector<16xi32>
      %shift_right_logical3A_88 = arith.shrui %get3A_86, %shift_right_logical3A_87 : vector<16xi32>
      %shift_right_logical3A_89 = arith.constant 7 : i32
      %shift_right_logical3A_90 = vector.broadcast %shift_right_logical3A_89 : i32 to vector<16xi32>
      %shift_right_logical3A_91 = arith.shrui %shift_right_logical3A_88, %shift_right_logical3A_90 : vector<16xi32>
      %and3A = arith.constant 127 : i32
      %and3A_92 = vector.broadcast %and3A : i32 to vector<16xi32>
      %and3A_93 = arith.andi %shift_right_logical3A_88, %and3A_92 : vector<16xi32>
      tpu.vector_store_idx %arg5[%shift_right_logical3A_91, %and3A_93], %broadcast_in_dim3A_72 {add = true} : memref<128x128xf32, #tpu.memory_space<vmem>>[vector<16xi32>, vector<16xi32>], vector<16xf32>,
      %get3A_94 = arith.index_cast %scan3A_84 : i32 to index
      %get3A_95 = arith.constant 16 : index
      %get3A_96 = tpu.vector_load %arg4[%get3A_94, %get3A_95] {strides = array<i32>} : memref<81x128xi32, #tpu.memory_space<vmem>>, vector<16xi32>,
      %shift_right_logical3A_97 = arith.constant 16 : i32
      %shift_right_logical3A_98 = vector.broadcast %shift_right_logical3A_97 : i32 to vector<16xi32>
      %shift_right_logical3A_99 = arith.shrui %get3A_96, %shift_right_logical3A_98 : vector<16xi32>
      %shift_right_logical3A_100 = arith.constant 7 : i32
      %shift_right_logical3A_101 = vector.broadcast %shift_right_logical3A_100 : i32 to vector<16xi32>
      %shift_right_logical3A_102 = arith.shrui %shift_right_logical3A_99, %shift_right_logical3A_101 : vector<16xi32>
      %and3A_103 = arith.constant 127 : i32
      %and3A_104 = vector.broadcast %and3A_103 : i32 to vector<16xi32>
      %and3A_105 = arith.andi %shift_right_logical3A_99, %and3A_104 : vector<16xi32>
      tpu.vector_store_idx %arg5[%shift_right_logical3A_102, %and3A_105], %broadcast_in_dim3A_72 {add = true} : memref<128x128xf32, #tpu.memory_space<vmem>>[vector<16xi32>, vector<16xi32>], vector<16xf32>,
      %get3A_106 = arith.index_cast %scan3A_84 : i32 to index
      %get3A_107 = arith.constant 32 : index
      %get3A_108 = tpu.vector_load %arg4[%get3A_106, %get3A_107] {strides = array<i32>} : memref<81x128xi32, #tpu.memory_space<vmem>>, vector<16xi32>,
      %shift_right_logical3A_109 = arith.constant 16 : i32
      %shift_right_logical3A_110 = vector.broadcast %shift_right_logical3A_109 : i32 to vector<16xi32>
      %shift_right_logical3A_111 = arith.shrui %get3A_108, %shift_right_logical3A_110 : vector<16xi32>
      %shift_right_logical3A_112 = arith.constant 7 : i32
      %shift_right_logical3A_113 = vector.broadcast %shift_right_logical3A_112 : i32 to vector<16xi32>
      %shift_right_logical3A_114 = arith.shrui %shift_right_logical3A_111, %shift_right_logical3A_113 : vector<16xi32>
      %and3A_115 = arith.constant 127 : i32
      %and3A_116 = vector.broadcast %and3A_115 : i32 to vector<16xi32>
      %and3A_117 = arith.andi %shift_right_logical3A_111, %and3A_116 : vector<16xi32>
      tpu.vector_store_idx %arg5[%shift_right_logical3A_114, %and3A_117], %broadcast_in_dim3A_72 {add = true} : memref<128x128xf32, #tpu.memory_space<vmem>>[vector<16xi32>, vector<16xi32>], vector<16xf32>,
      %get3A_118 = arith.index_cast %scan3A_84 : i32 to index
      %get3A_119 = arith.constant 48 : index
      %get3A_120 = tpu.vector_load %arg4[%get3A_118, %get3A_119] {strides = array<i32>} : memref<81x128xi32, #tpu.memory_space<vmem>>, vector<16xi32>,
      %shift_right_logical3A_121 = arith.constant 16 : i32
      %shift_right_logical3A_122 = vector.broadcast %shift_right_logical3A_121 : i32 to vector<16xi32>
      %shift_right_logical3A_123 = arith.shrui %get3A_120, %shift_right_logical3A_122 : vector<16xi32>
      %shift_right_logical3A_124 = arith.constant 7 : i32
      %shift_right_logical3A_125 = vector.broadcast %shift_right_logical3A_124 : i32 to vector<16xi32>
      %shift_right_logical3A_126 = arith.shrui %shift_right_logical3A_123, %shift_right_logical3A_125 : vector<16xi32>
      %and3A_127 = arith.constant 127 : i32
      %and3A_128 = vector.broadcast %and3A_127 : i32 to vector<16xi32>
      %and3A_129 = arith.andi %shift_right_logical3A_123, %and3A_128 : vector<16xi32>
      tpu.vector_store_idx %arg5[%shift_right_logical3A_126, %and3A_129], %broadcast_in_dim3A_72 {add = true} : memref<128x128xf32, #tpu.memory_space<vmem>>[vector<16xi32>, vector<16xi32>], vector<16xf32>,
      %get3A_130 = arith.index_cast %scan3A_84 : i32 to index
      %get3A_131 = arith.constant 64 : index
      %get3A_132 = tpu.vector_load %arg4[%get3A_130, %get3A_131] {strides = array<i32>} : memref<81x128xi32, #tpu.memory_space<vmem>>, vector<16xi32>,
      %shift_right_logical3A_133 = arith.constant 16 : i32
      %shift_right_logical3A_134 = vector.broadcast %shift_right_logical3A_133 : i32 to vector<16xi32>
      %shift_right_logical3A_135 = arith.shrui %get3A_132, %shift_right_logical3A_134 : vector<16xi32>
      %shift_right_logical3A_136 = arith.constant 7 : i32
      %shift_right_logical3A_137 = vector.broadcast %shift_right_logical3A_136 : i32 to vector<16xi32>
      %shift_right_logical3A_138 = arith.shrui %shift_right_logical3A_135, %shift_right_logical3A_137 : vector<16xi32>
      %and3A_139 = arith.constant 127 : i32
      %and3A_140 = vector.broadcast %and3A_139 : i32 to vector<16xi32>
      %and3A_141 = arith.andi %shift_right_logical3A_135, %and3A_140 : vector<16xi32>
      tpu.vector_store_idx %arg5[%shift_right_logical3A_138, %and3A_141], %broadcast_in_dim3A_72 {add = true} : memref<128x128xf32, #tpu.memory_space<vmem>>[vector<16xi32>, vector<16xi32>], vector<16xf32>,
      %get3A_142 = arith.index_cast %scan3A_84 : i32 to index
      %get3A_143 = arith.constant 80 : index
      %get3A_144 = tpu.vector_load %arg4[%get3A_142, %get3A_143] {strides = array<i32>} : memref<81x128xi32, #tpu.memory_space<vmem>>, vector<16xi32>,
      %shift_right_logical3A_145 = arith.constant 16 : i32
      %shift_right_logical3A_146 = vector.broadcast %shift_right_logical3A_145 : i32 to vector<16xi32>
      %shift_right_logical3A_147 = arith.shrui %get3A_144, %shift_right_logical3A_146 : vector<16xi32>
      %shift_right_logical3A_148 = arith.constant 7 : i32
      %shift_right_logical3A_149 = vector.broadcast %shift_right_logical3A_148 : i32 to vector<16xi32>
      %shift_right_logical3A_150 = arith.shrui %shift_right_logical3A_147, %shift_right_logical3A_149 : vector<16xi32>
      %and3A_151 = arith.constant 127 : i32
      %and3A_152 = vector.broadcast %and3A_151 : i32 to vector<16xi32>
      %and3A_153 = arith.andi %shift_right_logical3A_147, %and3A_152 : vector<16xi32>
      tpu.vector_store_idx %arg5[%shift_right_logical3A_150, %and3A_153], %broadcast_in_dim3A_72 {add = true} : memref<128x128xf32, #tpu.memory_space<vmem>>[vector<16xi32>, vector<16xi32>], vector<16xf32>,
      %get3A_154 = arith.index_cast %scan3A_84 : i32 to index
      %get3A_155 = arith.constant 96 : index
      %get3A_156 = tpu.vector_load %arg4[%get3A_154, %get3A_155] {strides = array<i32>} : memref<81x128xi32, #tpu.memory_space<vmem>>, vector<16xi32>,
      %shift_right_logical3A_157 = arith.constant 16 : i32
      %shift_right_logical3A_158 = vector.broadcast %shift_right_logical3A_157 : i32 to vector<16xi32>
      %shift_right_logical3A_159 = arith.shrui %get3A_156, %shift_right_logical3A_158 : vector<16xi32>
      %shift_right_logical3A_160 = arith.constant 7 : i32
      %shift_right_logical3A_161 = vector.broadcast %shift_right_logical3A_160 : i32 to vector<16xi32>
      %shift_right_logical3A_162 = arith.shrui %shift_right_logical3A_159, %shift_right_logical3A_161 : vector<16xi32>
      %and3A_163 = arith.constant 127 : i32
      %and3A_164 = vector.broadcast %and3A_163 : i32 to vector<16xi32>
      %and3A_165 = arith.andi %shift_right_logical3A_159, %and3A_164 : vector<16xi32>
      tpu.vector_store_idx %arg5[%shift_right_logical3A_162, %and3A_165], %broadcast_in_dim3A_72 {add = true} : memref<128x128xf32, #tpu.memory_space<vmem>>[vector<16xi32>, vector<16xi32>], vector<16xf32>,
      %get3A_166 = arith.index_cast %scan3A_84 : i32 to index
      %get3A_167 = arith.constant 112 : index
      %get3A_168 = tpu.vector_load %arg4[%get3A_166, %get3A_167] {strides = array<i32>} : memref<81x128xi32, #tpu.memory_space<vmem>>, vector<16xi32>,
      %shift_right_logical3A_169 = arith.constant 16 : i32
      %shift_right_logical3A_170 = vector.broadcast %shift_right_logical3A_169 : i32 to vector<16xi32>
      %shift_right_logical3A_171 = arith.shrui %get3A_168, %shift_right_logical3A_170 : vector<16xi32>
      %shift_right_logical3A_172 = arith.constant 7 : i32
      %shift_right_logical3A_173 = vector.broadcast %shift_right_logical3A_172 : i32 to vector<16xi32>
      %shift_right_logical3A_174 = arith.shrui %shift_right_logical3A_171, %shift_right_logical3A_173 : vector<16xi32>
      %and3A_175 = arith.constant 127 : i32
      %and3A_176 = vector.broadcast %and3A_175 : i32 to vector<16xi32>
      %and3A_177 = arith.andi %shift_right_logical3A_171, %and3A_176 : vector<16xi32>
      tpu.vector_store_idx %arg5[%shift_right_logical3A_174, %and3A_177], %broadcast_in_dim3A_72 {add = true} : memref<128x128xf32, #tpu.memory_space<vmem>>[vector<16xi32>, vector<16xi32>], vector<16xf32>,
    }
    %scan3A_78 = arith.constant 81 : i32
    %run_scoped3A = arith.constant 0 : i32
    "tpu.region"() ({
      %run_scoped3A_84 = tpu.sem_alloc : memref<!tpu.dma_semaphore, #tpu.memory_space<semaphore_mem>>
      %dma_start3A = arith.constant 0 : i32
      %dma_start3A_85 = tpu.memref_slice %arg6[%run_scoped3A, %dma_start3A] : memref<1x128xi32, #tpu.memory_space<vmem>> -> memref<1x128xi32, #tpu.memory_space<vmem>>
      %dma_start3A_86 = tpu.memref_squeeze %dma_start3A_85 : memref<1x128xi32, #tpu.memory_space<vmem>> -> memref<128xi32, #tpu.memory_space<vmem>>
      %dma_start3A_87 = arith.constant 0 : i32
      %dma_start3A_88 = arith.constant 0 : i32
      %dma_start3A_89 = tpu.memref_slice %arg7[%dma_start3A_87, %dma_start3A_88] : memref<128x128xf32, #tpu.memory_space<vmem_shared>> -> memref<128x128xf32, #tpu.memory_space<vmem_shared>>
      tpu.enqueue_indirect_dma source(%arg5 : memref<128x128xf32, #tpu.memory_space<vmem>>) target(%dma_start3A_89 : memref<128x128xf32, #tpu.memory_space<vmem_shared>>) offsets(%dma_start3A_86 : memref<128xi32, #tpu.memory_space<vmem>>) semaphore(%run_scoped3A_84 : memref<!tpu.dma_semaphore, #tpu.memory_space<semaphore_mem>>) {add = true}
      %dma_wait3A = arith.constant 0 : i32
      %dma_wait3A_90 = tpu.memref_slice %arg6[%run_scoped3A, %dma_wait3A] : memref<1x128xi32, #tpu.memory_space<vmem>> -> memref<1x128xi32, #tpu.memory_space<vmem>>
      %dma_wait3A_91 = tpu.memref_squeeze %dma_wait3A_90 : memref<1x128xi32, #tpu.memory_space<vmem>> -> memref<128xi32, #tpu.memory_space<vmem>>
      %dma_wait3A_92 = arith.constant 0 : i32
      %dma_wait3A_93 = arith.constant 0 : i32
      %dma_wait3A_94 = tpu.memref_slice %arg7[%dma_wait3A_92, %dma_wait3A_93] : memref<128x128xf32, #tpu.memory_space<vmem_shared>> -> memref<128x128xf32, #tpu.memory_space<vmem_shared>>
      tpu.wait_indirect_dma semaphore(%run_scoped3A_84 : memref<!tpu.dma_semaphore, #tpu.memory_space<semaphore_mem>>) src(%arg5 : memref<128x128xf32, #tpu.memory_space<vmem>>) dst(%dma_wait3A_94 : memref<128x128xf32, #tpu.memory_space<vmem_shared>>)
      tpu.yield
    }) : () -> ()
    %barrier3A_79 = arith.constant 0 : index
    tpu.barrier barrier_id(%barrier3A_79)
    %mul3A_80 = arith.constant 8 : i32
    %mul3A_81 = arith.muli %arg1, %mul3A_80 : i32
    %mul3A_82 = arith.constant 8 : i32
    %mul3A_83 = arith.muli %arg1, %mul3A_82 : i32
    "tpu.region"() ({
      %run_scoped3A_84 = tpu.sem_alloc : memref<!tpu.dma_semaphore, #tpu.memory_space<semaphore_mem>>
      %dma_start3A = arith.constant 0 : i32
      %dma_start3A_85 = tpu.memref_slice %arg3[%arg0, %mul3A_83, %dma_start3A] : memref<2x128x128xf32, #tpu.memory_space<hbm>> -> memref<1x8x128xf32, #tpu.memory_space<hbm>>
      %dma_start3A_86 = tpu.memref_squeeze %dma_start3A_85 : memref<1x8x128xf32, #tpu.memory_space<hbm>> -> memref<8x128xf32, #tpu.memory_space<hbm>>
      %dma_start3A_87 = arith.constant 0 : i32
      %dma_start3A_88 = tpu.memref_slice %arg7[%mul3A_81, %dma_start3A_87] : memref<128x128xf32, #tpu.memory_space<vmem_shared>> -> memref<8x128xf32, #tpu.memory_space<vmem_shared>>
      tpu.enqueue_dma source(%dma_start3A_88 : memref<8x128xf32, #tpu.memory_space<vmem_shared>>) target(%dma_start3A_86 : memref<8x128xf32, #tpu.memory_space<hbm>>) target_semaphore(%run_scoped3A_84 : memref<!tpu.dma_semaphore, #tpu.memory_space<semaphore_mem>>)
      %dma_wait3A = arith.constant 0 : i32
      %dma_wait3A_89 = tpu.memref_slice %arg3[%arg0, %mul3A_83, %dma_wait3A] : memref<2x128x128xf32, #tpu.memory_space<hbm>> -> memref<1x8x128xf32, #tpu.memory_space<hbm>>
      %dma_wait3A_90 = tpu.memref_squeeze %dma_wait3A_89 : memref<1x8x128xf32, #tpu.memory_space<hbm>> -> memref<8x128xf32, #tpu.memory_space<hbm>>
      %dma_wait3A_91 = arith.constant 0 : i32
      %dma_wait3A_92 = tpu.memref_slice %arg7[%mul3A_81, %dma_wait3A_91] : memref<128x128xf32, #tpu.memory_space<vmem_shared>> -> memref<8x128xf32, #tpu.memory_space<vmem_shared>>
      tpu.wait_dma2 semaphore(%run_scoped3A_84 : memref<!tpu.dma_semaphore, #tpu.memory_space<semaphore_mem>>) src(%dma_wait3A_92 : memref<8x128xf32, #tpu.memory_space<vmem_shared>>) dst(%dma_wait3A_90 : memref<8x128xf32, #tpu.memory_space<hbm>>)
      tpu.yield
    }) : () -> ()
    return
  }
}

#map = affine_map<(d0, d1) -> (0, 0)>
#map1 = affine_map<(d0, d1) -> (0, 0, 0)>
module attributes {stable_mosaic.version = 14 : i64} {
  func.func @_prop_body(%arg0: i32, %arg1: i32, %arg2: memref<10112x128xf32, #tpu.memory_space<hbm>>, %arg3: memref<32x81x128xi32, #tpu.memory_space<hbm>>, %arg4: memref<2x10112x128xf32, #tpu.memory_space<hbm>>, %arg5: memref<81x128xi32, #tpu.memory_space<vmem>>, %arg6: memref<2x128xi32, #tpu.memory_space<vmem>>, %arg7: memref<1x128xi32, #tpu.memory_space<vmem>>, %arg8: memref<128x128xf32, #tpu.memory_space<vmem>>, %arg9: memref<128x128xf32, #tpu.memory_space<vmem>>, %arg10: memref<10112x128xf32, #tpu.memory_space<vmem_shared>>, %arg11: memref<!tpu.dma_semaphore, #tpu.memory_space<semaphore_mem>>, %arg12: memref<!tpu.dma_semaphore, #tpu.memory_space<semaphore_mem>>) attributes {dimension_semantics = [#tpu.dimension_semantics<core_parallel>, #tpu.dimension_semantics<subcore_parallel>], iteration_bounds = array<i64: 2, 16>, scalar_prefetch = 0 : i64, scratch_operands = 8 : i64, tpu.core_type = #tpu.core_type<sc_vector_subcore>, window_params = [{transform_indices = #map}, {transform_indices = #map1}, {transform_indices = #map1}]} {
    %mul3A = arith.constant 16 : i32
    %mul3A_0 = arith.muli %arg0, %mul3A : i32
    %add3A = arith.addi %mul3A_0, %arg1 : i32
    "tpu.region"() ({
      %run_scoped3A_437 = tpu.sem_alloc : memref<!tpu.dma_semaphore, #tpu.memory_space<semaphore_mem>>
      %dma_start3A_438 = arith.constant 0 : i32
      %dma_start3A_439 = arith.constant 0 : i32
      %dma_start3A_440 = tpu.memref_slice %arg3[%add3A, %dma_start3A_438, %dma_start3A_439] : memref<32x81x128xi32, #tpu.memory_space<hbm>> -> memref<1x81x128xi32, #tpu.memory_space<hbm>>
      %dma_start3A_441 = tpu.memref_squeeze %dma_start3A_440 : memref<1x81x128xi32, #tpu.memory_space<hbm>> -> memref<81x128xi32, #tpu.memory_space<hbm>>
      %dma_start3A_442 = arith.constant 0 : i32
      %dma_start3A_443 = arith.constant 0 : i32
      %dma_start3A_444 = tpu.memref_slice %arg3[%add3A, %dma_start3A_442, %dma_start3A_443] : memref<32x81x128xi32, #tpu.memory_space<hbm>> -> memref<1x81x128xi32, #tpu.memory_space<hbm>>
      %dma_start3A_445 = tpu.memref_squeeze %dma_start3A_444 : memref<1x81x128xi32, #tpu.memory_space<hbm>> -> memref<81x128xi32, #tpu.memory_space<hbm>>
      tpu.enqueue_dma source(%dma_start3A_445 : memref<81x128xi32, #tpu.memory_space<hbm>>) target(%arg5 : memref<81x128xi32, #tpu.memory_space<vmem>>) target_semaphore(%run_scoped3A_437 : memref<!tpu.dma_semaphore, #tpu.memory_space<semaphore_mem>>)
      %dma_wait3A_446 = arith.constant 0 : i32
      %dma_wait3A_447 = arith.constant 0 : i32
      %dma_wait3A_448 = tpu.memref_slice %arg3[%add3A, %dma_wait3A_446, %dma_wait3A_447] : memref<32x81x128xi32, #tpu.memory_space<hbm>> -> memref<1x81x128xi32, #tpu.memory_space<hbm>>
      %dma_wait3A_449 = tpu.memref_squeeze %dma_wait3A_448 : memref<1x81x128xi32, #tpu.memory_space<hbm>> -> memref<81x128xi32, #tpu.memory_space<hbm>>
      %dma_wait3A_450 = arith.constant 0 : i32
      %dma_wait3A_451 = arith.constant 0 : i32
      %dma_wait3A_452 = tpu.memref_slice %arg3[%add3A, %dma_wait3A_450, %dma_wait3A_451] : memref<32x81x128xi32, #tpu.memory_space<hbm>> -> memref<1x81x128xi32, #tpu.memory_space<hbm>>
      %dma_wait3A_453 = tpu.memref_squeeze %dma_wait3A_452 : memref<1x81x128xi32, #tpu.memory_space<hbm>> -> memref<81x128xi32, #tpu.memory_space<hbm>>
      tpu.wait_dma2 semaphore(%run_scoped3A_437 : memref<!tpu.dma_semaphore, #tpu.memory_space<semaphore_mem>>) src(%dma_wait3A_453 : memref<81x128xi32, #tpu.memory_space<hbm>>) dst(%arg5 : memref<81x128xi32, #tpu.memory_space<vmem>>)
      tpu.yield
    }) : () -> ()
    %broadcast_in_dim3A = arith.constant 0.000000e+00 : f32
    %broadcast_in_dim3A_1 = vector.broadcast %broadcast_in_dim3A : f32 to vector<16xf32>
    %scan3A = arith.constant 0 : i32
    %scan3A_2 = arith.constant 0 : i32
    %scan3A_3 = arith.constant 128 : i32
    %scan3A_4 = arith.addi %scan3A_2, %scan3A_3 : i32
    %scan3A_5 = arith.constant 1 : i32
    scf.for %scan3A_437 = %scan3A_2 to %scan3A_4 step %scan3A_5  : i32 {
      %swap3A_438 = arith.index_cast %scan3A_437 : i32 to index
      %swap3A_439 = arith.constant 0 : index
      %swap3A_440 = tpu.vector_load %arg8[%swap3A_438, %swap3A_439] {strides = array<i32>} : memref<128x128xf32, #tpu.memory_space<vmem>>, vector<16xf32>,
      tpu.vector_store %arg8[%swap3A_438, %swap3A_439], %broadcast_in_dim3A_1 {strides = array<i32>} : memref<128x128xf32, #tpu.memory_space<vmem>>, vector<16xf32>,
      %swap3A_441 = arith.index_cast %scan3A_437 : i32 to index
      %swap3A_442 = arith.constant 16 : index
      %swap3A_443 = tpu.vector_load %arg8[%swap3A_441, %swap3A_442] {strides = array<i32>} : memref<128x128xf32, #tpu.memory_space<vmem>>, vector<16xf32>,
      tpu.vector_store %arg8[%swap3A_441, %swap3A_442], %broadcast_in_dim3A_1 {strides = array<i32>} : memref<128x128xf32, #tpu.memory_space<vmem>>, vector<16xf32>,
      %swap3A_444 = arith.index_cast %scan3A_437 : i32 to index
      %swap3A_445 = arith.constant 32 : index
      %swap3A_446 = tpu.vector_load %arg8[%swap3A_444, %swap3A_445] {strides = array<i32>} : memref<128x128xf32, #tpu.memory_space<vmem>>, vector<16xf32>,
      tpu.vector_store %arg8[%swap3A_444, %swap3A_445], %broadcast_in_dim3A_1 {strides = array<i32>} : memref<128x128xf32, #tpu.memory_space<vmem>>, vector<16xf32>,
      %swap3A_447 = arith.index_cast %scan3A_437 : i32 to index
      %swap3A_448 = arith.constant 48 : index
      %swap3A_449 = tpu.vector_load %arg8[%swap3A_447, %swap3A_448] {strides = array<i32>} : memref<128x128xf32, #tpu.memory_space<vmem>>, vector<16xf32>,
      tpu.vector_store %arg8[%swap3A_447, %swap3A_448], %broadcast_in_dim3A_1 {strides = array<i32>} : memref<128x128xf32, #tpu.memory_space<vmem>>, vector<16xf32>,
      %swap3A_450 = arith.index_cast %scan3A_437 : i32 to index
      %swap3A_451 = arith.constant 64 : index
      %swap3A_452 = tpu.vector_load %arg8[%swap3A_450, %swap3A_451] {strides = array<i32>} : memref<128x128xf32, #tpu.memory_space<vmem>>, vector<16xf32>,
      tpu.vector_store %arg8[%swap3A_450, %swap3A_451], %broadcast_in_dim3A_1 {strides = array<i32>} : memref<128x128xf32, #tpu.memory_space<vmem>>, vector<16xf32>,
      %swap3A_453 = arith.index_cast %scan3A_437 : i32 to index
      %swap3A_454 = arith.constant 80 : index
      %swap3A_455 = tpu.vector_load %arg8[%swap3A_453, %swap3A_454] {strides = array<i32>} : memref<128x128xf32, #tpu.memory_space<vmem>>, vector<16xf32>,
      tpu.vector_store %arg8[%swap3A_453, %swap3A_454], %broadcast_in_dim3A_1 {strides = array<i32>} : memref<128x128xf32, #tpu.memory_space<vmem>>, vector<16xf32>,
      %swap3A_456 = arith.index_cast %scan3A_437 : i32 to index
      %swap3A_457 = arith.constant 96 : index
      %swap3A_458 = tpu.vector_load %arg8[%swap3A_456, %swap3A_457] {strides = array<i32>} : memref<128x128xf32, #tpu.memory_space<vmem>>, vector<16xf32>,
      tpu.vector_store %arg8[%swap3A_456, %swap3A_457], %broadcast_in_dim3A_1 {strides = array<i32>} : memref<128x128xf32, #tpu.memory_space<vmem>>, vector<16xf32>,
      %swap3A_459 = arith.index_cast %scan3A_437 : i32 to index
      %swap3A_460 = arith.constant 112 : index
      %swap3A_461 = tpu.vector_load %arg8[%swap3A_459, %swap3A_460] {strides = array<i32>} : memref<128x128xf32, #tpu.memory_space<vmem>>, vector<16xf32>,
      tpu.vector_store %arg8[%swap3A_459, %swap3A_460], %broadcast_in_dim3A_1 {strides = array<i32>} : memref<128x128xf32, #tpu.memory_space<vmem>>, vector<16xf32>,
    }
    %scan3A_6 = arith.constant 128 : i32
    %mul3A_7 = arith.constant 632 : i32
    %mul3A_8 = arith.muli %arg1, %mul3A_7 : i32
    %add3A_9 = arith.constant 0 : i32
    %add3A_10 = arith.addi %mul3A_8, %add3A_9 : i32
    %dma_start3A = arith.constant 0 : i32
    %dma_start3A_11 = arith.constant 0 : i32
    %dma_start3A_12 = tpu.memref_slice %arg8[%dma_start3A, %dma_start3A_11] : memref<128x128xf32, #tpu.memory_space<vmem>> -> memref<128x128xf32, #tpu.memory_space<vmem>>
    %dma_start3A_13 = arith.constant 0 : i32
    %dma_start3A_14 = tpu.memref_slice %arg10[%add3A_10, %dma_start3A_13] : memref<10112x128xf32, #tpu.memory_space<vmem_shared>> -> memref<128x128xf32, #tpu.memory_space<vmem_shared>>
    %dma_start3A_15 = arith.constant 0 : i32
    %dma_start3A_16 = tpu.memref_slice %arg10[%add3A_10, %dma_start3A_15] : memref<10112x128xf32, #tpu.memory_space<vmem_shared>> -> memref<128x128xf32, #tpu.memory_space<vmem_shared>>
    %dma_start3A_17 = arith.constant 0 : i32
    %dma_start3A_18 = arith.constant 0 : i32
    %dma_start3A_19 = tpu.memref_slice %arg8[%dma_start3A_17, %dma_start3A_18] : memref<128x128xf32, #tpu.memory_space<vmem>> -> memref<128x128xf32, #tpu.memory_space<vmem>>
    tpu.enqueue_dma source(%dma_start3A_19 : memref<128x128xf32, #tpu.memory_space<vmem>>) target(%dma_start3A_16 : memref<128x128xf32, #tpu.memory_space<vmem_shared>>) target_semaphore(%arg11 : memref<!tpu.dma_semaphore, #tpu.memory_space<semaphore_mem>>)
    %mul3A_20 = arith.constant 632 : i32
    %mul3A_21 = arith.muli %arg1, %mul3A_20 : i32
    %add3A_22 = arith.constant 128 : i32
    %add3A_23 = arith.addi %mul3A_21, %add3A_22 : i32
    %dma_start3A_24 = arith.constant 0 : i32
    %dma_start3A_25 = arith.constant 0 : i32
    %dma_start3A_26 = tpu.memref_slice %arg8[%dma_start3A_24, %dma_start3A_25] : memref<128x128xf32, #tpu.memory_space<vmem>> -> memref<128x128xf32, #tpu.memory_space<vmem>>
    %dma_start3A_27 = arith.constant 0 : i32
    %dma_start3A_28 = tpu.memref_slice %arg10[%add3A_23, %dma_start3A_27] : memref<10112x128xf32, #tpu.memory_space<vmem_shared>> -> memref<128x128xf32, #tpu.memory_space<vmem_shared>>
    %dma_start3A_29 = arith.constant 0 : i32
    %dma_start3A_30 = tpu.memref_slice %arg10[%add3A_23, %dma_start3A_29] : memref<10112x128xf32, #tpu.memory_space<vmem_shared>> -> memref<128x128xf32, #tpu.memory_space<vmem_shared>>
    %dma_start3A_31 = arith.constant 0 : i32
    %dma_start3A_32 = arith.constant 0 : i32
    %dma_start3A_33 = tpu.memref_slice %arg8[%dma_start3A_31, %dma_start3A_32] : memref<128x128xf32, #tpu.memory_space<vmem>> -> memref<128x128xf32, #tpu.memory_space<vmem>>
    tpu.enqueue_dma source(%dma_start3A_33 : memref<128x128xf32, #tpu.memory_space<vmem>>) target(%dma_start3A_30 : memref<128x128xf32, #tpu.memory_space<vmem_shared>>) target_semaphore(%arg11 : memref<!tpu.dma_semaphore, #tpu.memory_space<semaphore_mem>>)
    %mul3A_34 = arith.constant 632 : i32
    %mul3A_35 = arith.muli %arg1, %mul3A_34 : i32
    %add3A_36 = arith.constant 256 : i32
    %add3A_37 = arith.addi %mul3A_35, %add3A_36 : i32
    %dma_start3A_38 = arith.constant 0 : i32
    %dma_start3A_39 = arith.constant 0 : i32
    %dma_start3A_40 = tpu.memref_slice %arg8[%dma_start3A_38, %dma_start3A_39] : memref<128x128xf32, #tpu.memory_space<vmem>> -> memref<128x128xf32, #tpu.memory_space<vmem>>
    %dma_start3A_41 = arith.constant 0 : i32
    %dma_start3A_42 = tpu.memref_slice %arg10[%add3A_37, %dma_start3A_41] : memref<10112x128xf32, #tpu.memory_space<vmem_shared>> -> memref<128x128xf32, #tpu.memory_space<vmem_shared>>
    %dma_start3A_43 = arith.constant 0 : i32
    %dma_start3A_44 = tpu.memref_slice %arg10[%add3A_37, %dma_start3A_43] : memref<10112x128xf32, #tpu.memory_space<vmem_shared>> -> memref<128x128xf32, #tpu.memory_space<vmem_shared>>
    %dma_start3A_45 = arith.constant 0 : i32
    %dma_start3A_46 = arith.constant 0 : i32
    %dma_start3A_47 = tpu.memref_slice %arg8[%dma_start3A_45, %dma_start3A_46] : memref<128x128xf32, #tpu.memory_space<vmem>> -> memref<128x128xf32, #tpu.memory_space<vmem>>
    tpu.enqueue_dma source(%dma_start3A_47 : memref<128x128xf32, #tpu.memory_space<vmem>>) target(%dma_start3A_44 : memref<128x128xf32, #tpu.memory_space<vmem_shared>>) target_semaphore(%arg11 : memref<!tpu.dma_semaphore, #tpu.memory_space<semaphore_mem>>)
    %mul3A_48 = arith.constant 632 : i32
    %mul3A_49 = arith.muli %arg1, %mul3A_48 : i32
    %add3A_50 = arith.constant 384 : i32
    %add3A_51 = arith.addi %mul3A_49, %add3A_50 : i32
    %dma_start3A_52 = arith.constant 0 : i32
    %dma_start3A_53 = arith.constant 0 : i32
    %dma_start3A_54 = tpu.memref_slice %arg8[%dma_start3A_52, %dma_start3A_53] : memref<128x128xf32, #tpu.memory_space<vmem>> -> memref<128x128xf32, #tpu.memory_space<vmem>>
    %dma_start3A_55 = arith.constant 0 : i32
    %dma_start3A_56 = tpu.memref_slice %arg10[%add3A_51, %dma_start3A_55] : memref<10112x128xf32, #tpu.memory_space<vmem_shared>> -> memref<128x128xf32, #tpu.memory_space<vmem_shared>>
    %dma_start3A_57 = arith.constant 0 : i32
    %dma_start3A_58 = tpu.memref_slice %arg10[%add3A_51, %dma_start3A_57] : memref<10112x128xf32, #tpu.memory_space<vmem_shared>> -> memref<128x128xf32, #tpu.memory_space<vmem_shared>>
    %dma_start3A_59 = arith.constant 0 : i32
    %dma_start3A_60 = arith.constant 0 : i32
    %dma_start3A_61 = tpu.memref_slice %arg8[%dma_start3A_59, %dma_start3A_60] : memref<128x128xf32, #tpu.memory_space<vmem>> -> memref<128x128xf32, #tpu.memory_space<vmem>>
    tpu.enqueue_dma source(%dma_start3A_61 : memref<128x128xf32, #tpu.memory_space<vmem>>) target(%dma_start3A_58 : memref<128x128xf32, #tpu.memory_space<vmem_shared>>) target_semaphore(%arg11 : memref<!tpu.dma_semaphore, #tpu.memory_space<semaphore_mem>>)
    %mul3A_62 = arith.constant 632 : i32
    %mul3A_63 = arith.muli %arg1, %mul3A_62 : i32
    %add3A_64 = arith.constant 512 : i32
    %add3A_65 = arith.addi %mul3A_63, %add3A_64 : i32
    %dma_start3A_66 = arith.constant 0 : i32
    %dma_start3A_67 = arith.constant 0 : i32
    %dma_start3A_68 = tpu.memref_slice %arg8[%dma_start3A_66, %dma_start3A_67] : memref<128x128xf32, #tpu.memory_space<vmem>> -> memref<120x128xf32, #tpu.memory_space<vmem>>
    %dma_start3A_69 = arith.constant 0 : i32
    %dma_start3A_70 = tpu.memref_slice %arg10[%add3A_65, %dma_start3A_69] : memref<10112x128xf32, #tpu.memory_space<vmem_shared>> -> memref<120x128xf32, #tpu.memory_space<vmem_shared>>
    %dma_start3A_71 = arith.constant 0 : i32
    %dma_start3A_72 = tpu.memref_slice %arg10[%add3A_65, %dma_start3A_71] : memref<10112x128xf32, #tpu.memory_space<vmem_shared>> -> memref<120x128xf32, #tpu.memory_space<vmem_shared>>
    %dma_start3A_73 = arith.constant 0 : i32
    %dma_start3A_74 = arith.constant 0 : i32
    %dma_start3A_75 = tpu.memref_slice %arg8[%dma_start3A_73, %dma_start3A_74] : memref<128x128xf32, #tpu.memory_space<vmem>> -> memref<120x128xf32, #tpu.memory_space<vmem>>
    tpu.enqueue_dma source(%dma_start3A_75 : memref<120x128xf32, #tpu.memory_space<vmem>>) target(%dma_start3A_72 : memref<120x128xf32, #tpu.memory_space<vmem_shared>>) target_semaphore(%arg11 : memref<!tpu.dma_semaphore, #tpu.memory_space<semaphore_mem>>)
    %mul3A_76 = arith.constant 632 : i32
    %mul3A_77 = arith.muli %arg1, %mul3A_76 : i32
    %add3A_78 = arith.constant 0 : i32
    %add3A_79 = arith.addi %mul3A_77, %add3A_78 : i32
    %dma_wait3A = arith.constant 0 : i32
    %dma_wait3A_80 = arith.constant 0 : i32
    %dma_wait3A_81 = tpu.memref_slice %arg8[%dma_wait3A, %dma_wait3A_80] : memref<128x128xf32, #tpu.memory_space<vmem>> -> memref<128x128xf32, #tpu.memory_space<vmem>>
    %dma_wait3A_82 = arith.constant 0 : i32
    %dma_wait3A_83 = tpu.memref_slice %arg10[%add3A_79, %dma_wait3A_82] : memref<10112x128xf32, #tpu.memory_space<vmem_shared>> -> memref<128x128xf32, #tpu.memory_space<vmem_shared>>
    %dma_wait3A_84 = arith.constant 0 : i32
    %dma_wait3A_85 = tpu.memref_slice %arg10[%add3A_79, %dma_wait3A_84] : memref<10112x128xf32, #tpu.memory_space<vmem_shared>> -> memref<128x128xf32, #tpu.memory_space<vmem_shared>>
    %dma_wait3A_86 = arith.constant 0 : i32
    %dma_wait3A_87 = arith.constant 0 : i32
    %dma_wait3A_88 = tpu.memref_slice %arg8[%dma_wait3A_86, %dma_wait3A_87] : memref<128x128xf32, #tpu.memory_space<vmem>> -> memref<128x128xf32, #tpu.memory_space<vmem>>
    tpu.wait_dma2 semaphore(%arg11 : memref<!tpu.dma_semaphore, #tpu.memory_space<semaphore_mem>>) src(%dma_wait3A_88 : memref<128x128xf32, #tpu.memory_space<vmem>>) dst(%dma_wait3A_85 : memref<128x128xf32, #tpu.memory_space<vmem_shared>>)
    %mul3A_89 = arith.constant 632 : i32
    %mul3A_90 = arith.muli %arg1, %mul3A_89 : i32
    %add3A_91 = arith.constant 128 : i32
    %add3A_92 = arith.addi %mul3A_90, %add3A_91 : i32
    %dma_wait3A_93 = arith.constant 0 : i32
    %dma_wait3A_94 = arith.constant 0 : i32
    %dma_wait3A_95 = tpu.memref_slice %arg8[%dma_wait3A_93, %dma_wait3A_94] : memref<128x128xf32, #tpu.memory_space<vmem>> -> memref<128x128xf32, #tpu.memory_space<vmem>>
    %dma_wait3A_96 = arith.constant 0 : i32
    %dma_wait3A_97 = tpu.memref_slice %arg10[%add3A_92, %dma_wait3A_96] : memref<10112x128xf32, #tpu.memory_space<vmem_shared>> -> memref<128x128xf32, #tpu.memory_space<vmem_shared>>
    %dma_wait3A_98 = arith.constant 0 : i32
    %dma_wait3A_99 = tpu.memref_slice %arg10[%add3A_92, %dma_wait3A_98] : memref<10112x128xf32, #tpu.memory_space<vmem_shared>> -> memref<128x128xf32, #tpu.memory_space<vmem_shared>>
    %dma_wait3A_100 = arith.constant 0 : i32
    %dma_wait3A_101 = arith.constant 0 : i32
    %dma_wait3A_102 = tpu.memref_slice %arg8[%dma_wait3A_100, %dma_wait3A_101] : memref<128x128xf32, #tpu.memory_space<vmem>> -> memref<128x128xf32, #tpu.memory_space<vmem>>
    tpu.wait_dma2 semaphore(%arg11 : memref<!tpu.dma_semaphore, #tpu.memory_space<semaphore_mem>>) src(%dma_wait3A_102 : memref<128x128xf32, #tpu.memory_space<vmem>>) dst(%dma_wait3A_99 : memref<128x128xf32, #tpu.memory_space<vmem_shared>>)
    %mul3A_103 = arith.constant 632 : i32
    %mul3A_104 = arith.muli %arg1, %mul3A_103 : i32
    %add3A_105 = arith.constant 256 : i32
    %add3A_106 = arith.addi %mul3A_104, %add3A_105 : i32
    %dma_wait3A_107 = arith.constant 0 : i32
    %dma_wait3A_108 = arith.constant 0 : i32
    %dma_wait3A_109 = tpu.memref_slice %arg8[%dma_wait3A_107, %dma_wait3A_108] : memref<128x128xf32, #tpu.memory_space<vmem>> -> memref<128x128xf32, #tpu.memory_space<vmem>>
    %dma_wait3A_110 = arith.constant 0 : i32
    %dma_wait3A_111 = tpu.memref_slice %arg10[%add3A_106, %dma_wait3A_110] : memref<10112x128xf32, #tpu.memory_space<vmem_shared>> -> memref<128x128xf32, #tpu.memory_space<vmem_shared>>
    %dma_wait3A_112 = arith.constant 0 : i32
    %dma_wait3A_113 = tpu.memref_slice %arg10[%add3A_106, %dma_wait3A_112] : memref<10112x128xf32, #tpu.memory_space<vmem_shared>> -> memref<128x128xf32, #tpu.memory_space<vmem_shared>>
    %dma_wait3A_114 = arith.constant 0 : i32
    %dma_wait3A_115 = arith.constant 0 : i32
    %dma_wait3A_116 = tpu.memref_slice %arg8[%dma_wait3A_114, %dma_wait3A_115] : memref<128x128xf32, #tpu.memory_space<vmem>> -> memref<128x128xf32, #tpu.memory_space<vmem>>
    tpu.wait_dma2 semaphore(%arg11 : memref<!tpu.dma_semaphore, #tpu.memory_space<semaphore_mem>>) src(%dma_wait3A_116 : memref<128x128xf32, #tpu.memory_space<vmem>>) dst(%dma_wait3A_113 : memref<128x128xf32, #tpu.memory_space<vmem_shared>>)
    %mul3A_117 = arith.constant 632 : i32
    %mul3A_118 = arith.muli %arg1, %mul3A_117 : i32
    %add3A_119 = arith.constant 384 : i32
    %add3A_120 = arith.addi %mul3A_118, %add3A_119 : i32
    %dma_wait3A_121 = arith.constant 0 : i32
    %dma_wait3A_122 = arith.constant 0 : i32
    %dma_wait3A_123 = tpu.memref_slice %arg8[%dma_wait3A_121, %dma_wait3A_122] : memref<128x128xf32, #tpu.memory_space<vmem>> -> memref<128x128xf32, #tpu.memory_space<vmem>>
    %dma_wait3A_124 = arith.constant 0 : i32
    %dma_wait3A_125 = tpu.memref_slice %arg10[%add3A_120, %dma_wait3A_124] : memref<10112x128xf32, #tpu.memory_space<vmem_shared>> -> memref<128x128xf32, #tpu.memory_space<vmem_shared>>
    %dma_wait3A_126 = arith.constant 0 : i32
    %dma_wait3A_127 = tpu.memref_slice %arg10[%add3A_120, %dma_wait3A_126] : memref<10112x128xf32, #tpu.memory_space<vmem_shared>> -> memref<128x128xf32, #tpu.memory_space<vmem_shared>>
    %dma_wait3A_128 = arith.constant 0 : i32
    %dma_wait3A_129 = arith.constant 0 : i32
    %dma_wait3A_130 = tpu.memref_slice %arg8[%dma_wait3A_128, %dma_wait3A_129] : memref<128x128xf32, #tpu.memory_space<vmem>> -> memref<128x128xf32, #tpu.memory_space<vmem>>
    tpu.wait_dma2 semaphore(%arg11 : memref<!tpu.dma_semaphore, #tpu.memory_space<semaphore_mem>>) src(%dma_wait3A_130 : memref<128x128xf32, #tpu.memory_space<vmem>>) dst(%dma_wait3A_127 : memref<128x128xf32, #tpu.memory_space<vmem_shared>>)
    %mul3A_131 = arith.constant 632 : i32
    %mul3A_132 = arith.muli %arg1, %mul3A_131 : i32
    %add3A_133 = arith.constant 512 : i32
    %add3A_134 = arith.addi %mul3A_132, %add3A_133 : i32
    %dma_wait3A_135 = arith.constant 0 : i32
    %dma_wait3A_136 = arith.constant 0 : i32
    %dma_wait3A_137 = tpu.memref_slice %arg8[%dma_wait3A_135, %dma_wait3A_136] : memref<128x128xf32, #tpu.memory_space<vmem>> -> memref<120x128xf32, #tpu.memory_space<vmem>>
    %dma_wait3A_138 = arith.constant 0 : i32
    %dma_wait3A_139 = tpu.memref_slice %arg10[%add3A_134, %dma_wait3A_138] : memref<10112x128xf32, #tpu.memory_space<vmem_shared>> -> memref<120x128xf32, #tpu.memory_space<vmem_shared>>
    %dma_wait3A_140 = arith.constant 0 : i32
    %dma_wait3A_141 = tpu.memref_slice %arg10[%add3A_134, %dma_wait3A_140] : memref<10112x128xf32, #tpu.memory_space<vmem_shared>> -> memref<120x128xf32, #tpu.memory_space<vmem_shared>>
    %dma_wait3A_142 = arith.constant 0 : i32
    %dma_wait3A_143 = arith.constant 0 : i32
    %dma_wait3A_144 = tpu.memref_slice %arg8[%dma_wait3A_142, %dma_wait3A_143] : memref<128x128xf32, #tpu.memory_space<vmem>> -> memref<120x128xf32, #tpu.memory_space<vmem>>
    tpu.wait_dma2 semaphore(%arg11 : memref<!tpu.dma_semaphore, #tpu.memory_space<semaphore_mem>>) src(%dma_wait3A_144 : memref<120x128xf32, #tpu.memory_space<vmem>>) dst(%dma_wait3A_141 : memref<120x128xf32, #tpu.memory_space<vmem_shared>>)
    %barrier3A = arith.constant 0 : index
    tpu.barrier barrier_id(%barrier3A)
    %get3A = arith.constant 0 : i32
    %get3A_145 = arith.index_cast %get3A : i32 to index
    %get3A_146 = arith.constant 0 : index
    %get3A_147 = tpu.vector_load %arg5[%get3A_145, %get3A_146] {strides = array<i32>} : memref<81x128xi32, #tpu.memory_space<vmem>>, vector<16xi32>,
    %and3A = arith.constant 65535 : i32
    %and3A_148 = vector.broadcast %and3A : i32 to vector<16xi32>
    %and3A_149 = arith.andi %get3A_147, %and3A_148 : vector<16xi32>
    %swap3A = arith.constant 0 : i32
    %swap3A_150 = arith.index_cast %swap3A : i32 to index
    %swap3A_151 = arith.constant 0 : index
    %swap3A_152 = tpu.vector_load %arg6[%swap3A_150, %swap3A_151] {strides = array<i32>} : memref<2x128xi32, #tpu.memory_space<vmem>>, vector<16xi32>,
    tpu.vector_store %arg6[%swap3A_150, %swap3A_151], %and3A_149 {strides = array<i32>} : memref<2x128xi32, #tpu.memory_space<vmem>>, vector<16xi32>,
    %get3A_153 = arith.constant 0 : i32
    %get3A_154 = arith.index_cast %get3A_153 : i32 to index
    %get3A_155 = arith.constant 16 : index
    %get3A_156 = tpu.vector_load %arg5[%get3A_154, %get3A_155] {strides = array<i32>} : memref<81x128xi32, #tpu.memory_space<vmem>>, vector<16xi32>,
    %and3A_157 = arith.constant 65535 : i32
    %and3A_158 = vector.broadcast %and3A_157 : i32 to vector<16xi32>
    %and3A_159 = arith.andi %get3A_156, %and3A_158 : vector<16xi32>
    %swap3A_160 = arith.constant 0 : i32
    %swap3A_161 = arith.index_cast %swap3A_160 : i32 to index
    %swap3A_162 = arith.constant 16 : index
    %swap3A_163 = tpu.vector_load %arg6[%swap3A_161, %swap3A_162] {strides = array<i32>} : memref<2x128xi32, #tpu.memory_space<vmem>>, vector<16xi32>,
    tpu.vector_store %arg6[%swap3A_161, %swap3A_162], %and3A_159 {strides = array<i32>} : memref<2x128xi32, #tpu.memory_space<vmem>>, vector<16xi32>,
    %get3A_164 = arith.constant 0 : i32
    %get3A_165 = arith.index_cast %get3A_164 : i32 to index
    %get3A_166 = arith.constant 32 : index
    %get3A_167 = tpu.vector_load %arg5[%get3A_165, %get3A_166] {strides = array<i32>} : memref<81x128xi32, #tpu.memory_space<vmem>>, vector<16xi32>,
    %and3A_168 = arith.constant 65535 : i32
    %and3A_169 = vector.broadcast %and3A_168 : i32 to vector<16xi32>
    %and3A_170 = arith.andi %get3A_167, %and3A_169 : vector<16xi32>
    %swap3A_171 = arith.constant 0 : i32
    %swap3A_172 = arith.index_cast %swap3A_171 : i32 to index
    %swap3A_173 = arith.constant 32 : index
    %swap3A_174 = tpu.vector_load %arg6[%swap3A_172, %swap3A_173] {strides = array<i32>} : memref<2x128xi32, #tpu.memory_space<vmem>>, vector<16xi32>,
    tpu.vector_store %arg6[%swap3A_172, %swap3A_173], %and3A_170 {strides = array<i32>} : memref<2x128xi32, #tpu.memory_space<vmem>>, vector<16xi32>,
    %get3A_175 = arith.constant 0 : i32
    %get3A_176 = arith.index_cast %get3A_175 : i32 to index
    %get3A_177 = arith.constant 48 : index
    %get3A_178 = tpu.vector_load %arg5[%get3A_176, %get3A_177] {strides = array<i32>} : memref<81x128xi32, #tpu.memory_space<vmem>>, vector<16xi32>,
    %and3A_179 = arith.constant 65535 : i32
    %and3A_180 = vector.broadcast %and3A_179 : i32 to vector<16xi32>
    %and3A_181 = arith.andi %get3A_178, %and3A_180 : vector<16xi32>
    %swap3A_182 = arith.constant 0 : i32
    %swap3A_183 = arith.index_cast %swap3A_182 : i32 to index
    %swap3A_184 = arith.constant 48 : index
    %swap3A_185 = tpu.vector_load %arg6[%swap3A_183, %swap3A_184] {strides = array<i32>} : memref<2x128xi32, #tpu.memory_space<vmem>>, vector<16xi32>,
    tpu.vector_store %arg6[%swap3A_183, %swap3A_184], %and3A_181 {strides = array<i32>} : memref<2x128xi32, #tpu.memory_space<vmem>>, vector<16xi32>,
    %get3A_186 = arith.constant 0 : i32
    %get3A_187 = arith.index_cast %get3A_186 : i32 to index
    %get3A_188 = arith.constant 64 : index
    %get3A_189 = tpu.vector_load %arg5[%get3A_187, %get3A_188] {strides = array<i32>} : memref<81x128xi32, #tpu.memory_space<vmem>>, vector<16xi32>,
    %and3A_190 = arith.constant 65535 : i32
    %and3A_191 = vector.broadcast %and3A_190 : i32 to vector<16xi32>
    %and3A_192 = arith.andi %get3A_189, %and3A_191 : vector<16xi32>
    %swap3A_193 = arith.constant 0 : i32
    %swap3A_194 = arith.index_cast %swap3A_193 : i32 to index
    %swap3A_195 = arith.constant 64 : index
    %swap3A_196 = tpu.vector_load %arg6[%swap3A_194, %swap3A_195] {strides = array<i32>} : memref<2x128xi32, #tpu.memory_space<vmem>>, vector<16xi32>,
    tpu.vector_store %arg6[%swap3A_194, %swap3A_195], %and3A_192 {strides = array<i32>} : memref<2x128xi32, #tpu.memory_space<vmem>>, vector<16xi32>,
    %get3A_197 = arith.constant 0 : i32
    %get3A_198 = arith.index_cast %get3A_197 : i32 to index
    %get3A_199 = arith.constant 80 : index
    %get3A_200 = tpu.vector_load %arg5[%get3A_198, %get3A_199] {strides = array<i32>} : memref<81x128xi32, #tpu.memory_space<vmem>>, vector<16xi32>,
    %and3A_201 = arith.constant 65535 : i32
    %and3A_202 = vector.broadcast %and3A_201 : i32 to vector<16xi32>
    %and3A_203 = arith.andi %get3A_200, %and3A_202 : vector<16xi32>
    %swap3A_204 = arith.constant 0 : i32
    %swap3A_205 = arith.index_cast %swap3A_204 : i32 to index
    %swap3A_206 = arith.constant 80 : index
    %swap3A_207 = tpu.vector_load %arg6[%swap3A_205, %swap3A_206] {strides = array<i32>} : memref<2x128xi32, #tpu.memory_space<vmem>>, vector<16xi32>,
    tpu.vector_store %arg6[%swap3A_205, %swap3A_206], %and3A_203 {strides = array<i32>} : memref<2x128xi32, #tpu.memory_space<vmem>>, vector<16xi32>,
    %get3A_208 = arith.constant 0 : i32
    %get3A_209 = arith.index_cast %get3A_208 : i32 to index
    %get3A_210 = arith.constant 96 : index
    %get3A_211 = tpu.vector_load %arg5[%get3A_209, %get3A_210] {strides = array<i32>} : memref<81x128xi32, #tpu.memory_space<vmem>>, vector<16xi32>,
    %and3A_212 = arith.constant 65535 : i32
    %and3A_213 = vector.broadcast %and3A_212 : i32 to vector<16xi32>
    %and3A_214 = arith.andi %get3A_211, %and3A_213 : vector<16xi32>
    %swap3A_215 = arith.constant 0 : i32
    %swap3A_216 = arith.index_cast %swap3A_215 : i32 to index
    %swap3A_217 = arith.constant 96 : index
    %swap3A_218 = tpu.vector_load %arg6[%swap3A_216, %swap3A_217] {strides = array<i32>} : memref<2x128xi32, #tpu.memory_space<vmem>>, vector<16xi32>,
    tpu.vector_store %arg6[%swap3A_216, %swap3A_217], %and3A_214 {strides = array<i32>} : memref<2x128xi32, #tpu.memory_space<vmem>>, vector<16xi32>,
    %get3A_219 = arith.constant 0 : i32
    %get3A_220 = arith.index_cast %get3A_219 : i32 to index
    %get3A_221 = arith.constant 112 : index
    %get3A_222 = tpu.vector_load %arg5[%get3A_220, %get3A_221] {strides = array<i32>} : memref<81x128xi32, #tpu.memory_space<vmem>>, vector<16xi32>,
    %and3A_223 = arith.constant 65535 : i32
    %and3A_224 = vector.broadcast %and3A_223 : i32 to vector<16xi32>
    %and3A_225 = arith.andi %get3A_222, %and3A_224 : vector<16xi32>
    %swap3A_226 = arith.constant 0 : i32
    %swap3A_227 = arith.index_cast %swap3A_226 : i32 to index
    %swap3A_228 = arith.constant 112 : index
    %swap3A_229 = tpu.vector_load %arg6[%swap3A_227, %swap3A_228] {strides = array<i32>} : memref<2x128xi32, #tpu.memory_space<vmem>>, vector<16xi32>,
    tpu.vector_store %arg6[%swap3A_227, %swap3A_228], %and3A_225 {strides = array<i32>} : memref<2x128xi32, #tpu.memory_space<vmem>>, vector<16xi32>,
    %dma_start3A_230 = arith.constant 0 : i32
    %dma_start3A_231 = arith.constant 0 : i32
    %dma_start3A_232 = tpu.memref_slice %arg6[%dma_start3A_230, %dma_start3A_231] : memref<2x128xi32, #tpu.memory_space<vmem>> -> memref<1x128xi32, #tpu.memory_space<vmem>>
    %dma_start3A_233 = tpu.memref_squeeze %dma_start3A_232 : memref<1x128xi32, #tpu.memory_space<vmem>> -> memref<128xi32, #tpu.memory_space<vmem>>
    %dma_start3A_234 = arith.constant 0 : i32
    %dma_start3A_235 = arith.constant 0 : i32
    %dma_start3A_236 = tpu.memref_slice %arg2[%dma_start3A_234, %dma_start3A_235] : memref<10112x128xf32, #tpu.memory_space<hbm>> -> memref<10112x128xf32, #tpu.memory_space<hbm>>
    tpu.enqueue_indirect_dma source(%dma_start3A_236 : memref<10112x128xf32, #tpu.memory_space<hbm>>) target(%arg8 : memref<128x128xf32, #tpu.memory_space<vmem>>) offsets(%dma_start3A_233 : memref<128xi32, #tpu.memory_space<vmem>>) semaphore(%arg11 : memref<!tpu.dma_semaphore, #tpu.memory_space<semaphore_mem>>)
    %get3A_237 = arith.constant 1 : i32
    %get3A_238 = arith.index_cast %get3A_237 : i32 to index
    %get3A_239 = arith.constant 0 : index
    %get3A_240 = tpu.vector_load %arg5[%get3A_238, %get3A_239] {strides = array<i32>} : memref<81x128xi32, #tpu.memory_space<vmem>>, vector<16xi32>,
    %and3A_241 = arith.constant 65535 : i32
    %and3A_242 = vector.broadcast %and3A_241 : i32 to vector<16xi32>
    %and3A_243 = arith.andi %get3A_240, %and3A_242 : vector<16xi32>
    %swap3A_244 = arith.constant 1 : i32
    %swap3A_245 = arith.index_cast %swap3A_244 : i32 to index
    %swap3A_246 = arith.constant 0 : index
    %swap3A_247 = tpu.vector_load %arg6[%swap3A_245, %swap3A_246] {strides = array<i32>} : memref<2x128xi32, #tpu.memory_space<vmem>>, vector<16xi32>,
    tpu.vector_store %arg6[%swap3A_245, %swap3A_246], %and3A_243 {strides = array<i32>} : memref<2x128xi32, #tpu.memory_space<vmem>>, vector<16xi32>,
    %get3A_248 = arith.constant 1 : i32
    %get3A_249 = arith.index_cast %get3A_248 : i32 to index
    %get3A_250 = arith.constant 16 : index
    %get3A_251 = tpu.vector_load %arg5[%get3A_249, %get3A_250] {strides = array<i32>} : memref<81x128xi32, #tpu.memory_space<vmem>>, vector<16xi32>,
    %and3A_252 = arith.constant 65535 : i32
    %and3A_253 = vector.broadcast %and3A_252 : i32 to vector<16xi32>
    %and3A_254 = arith.andi %get3A_251, %and3A_253 : vector<16xi32>
    %swap3A_255 = arith.constant 1 : i32
    %swap3A_256 = arith.index_cast %swap3A_255 : i32 to index
    %swap3A_257 = arith.constant 16 : index
    %swap3A_258 = tpu.vector_load %arg6[%swap3A_256, %swap3A_257] {strides = array<i32>} : memref<2x128xi32, #tpu.memory_space<vmem>>, vector<16xi32>,
    tpu.vector_store %arg6[%swap3A_256, %swap3A_257], %and3A_254 {strides = array<i32>} : memref<2x128xi32, #tpu.memory_space<vmem>>, vector<16xi32>,
    %get3A_259 = arith.constant 1 : i32
    %get3A_260 = arith.index_cast %get3A_259 : i32 to index
    %get3A_261 = arith.constant 32 : index
    %get3A_262 = tpu.vector_load %arg5[%get3A_260, %get3A_261] {strides = array<i32>} : memref<81x128xi32, #tpu.memory_space<vmem>>, vector<16xi32>,
    %and3A_263 = arith.constant 65535 : i32
    %and3A_264 = vector.broadcast %and3A_263 : i32 to vector<16xi32>
    %and3A_265 = arith.andi %get3A_262, %and3A_264 : vector<16xi32>
    %swap3A_266 = arith.constant 1 : i32
    %swap3A_267 = arith.index_cast %swap3A_266 : i32 to index
    %swap3A_268 = arith.constant 32 : index
    %swap3A_269 = tpu.vector_load %arg6[%swap3A_267, %swap3A_268] {strides = array<i32>} : memref<2x128xi32, #tpu.memory_space<vmem>>, vector<16xi32>,
    tpu.vector_store %arg6[%swap3A_267, %swap3A_268], %and3A_265 {strides = array<i32>} : memref<2x128xi32, #tpu.memory_space<vmem>>, vector<16xi32>,
    %get3A_270 = arith.constant 1 : i32
    %get3A_271 = arith.index_cast %get3A_270 : i32 to index
    %get3A_272 = arith.constant 48 : index
    %get3A_273 = tpu.vector_load %arg5[%get3A_271, %get3A_272] {strides = array<i32>} : memref<81x128xi32, #tpu.memory_space<vmem>>, vector<16xi32>,
    %and3A_274 = arith.constant 65535 : i32
    %and3A_275 = vector.broadcast %and3A_274 : i32 to vector<16xi32>
    %and3A_276 = arith.andi %get3A_273, %and3A_275 : vector<16xi32>
    %swap3A_277 = arith.constant 1 : i32
    %swap3A_278 = arith.index_cast %swap3A_277 : i32 to index
    %swap3A_279 = arith.constant 48 : index
    %swap3A_280 = tpu.vector_load %arg6[%swap3A_278, %swap3A_279] {strides = array<i32>} : memref<2x128xi32, #tpu.memory_space<vmem>>, vector<16xi32>,
    tpu.vector_store %arg6[%swap3A_278, %swap3A_279], %and3A_276 {strides = array<i32>} : memref<2x128xi32, #tpu.memory_space<vmem>>, vector<16xi32>,
    %get3A_281 = arith.constant 1 : i32
    %get3A_282 = arith.index_cast %get3A_281 : i32 to index
    %get3A_283 = arith.constant 64 : index
    %get3A_284 = tpu.vector_load %arg5[%get3A_282, %get3A_283] {strides = array<i32>} : memref<81x128xi32, #tpu.memory_space<vmem>>, vector<16xi32>,
    %and3A_285 = arith.constant 65535 : i32
    %and3A_286 = vector.broadcast %and3A_285 : i32 to vector<16xi32>
    %and3A_287 = arith.andi %get3A_284, %and3A_286 : vector<16xi32>
    %swap3A_288 = arith.constant 1 : i32
    %swap3A_289 = arith.index_cast %swap3A_288 : i32 to index
    %swap3A_290 = arith.constant 64 : index
    %swap3A_291 = tpu.vector_load %arg6[%swap3A_289, %swap3A_290] {strides = array<i32>} : memref<2x128xi32, #tpu.memory_space<vmem>>, vector<16xi32>,
    tpu.vector_store %arg6[%swap3A_289, %swap3A_290], %and3A_287 {strides = array<i32>} : memref<2x128xi32, #tpu.memory_space<vmem>>, vector<16xi32>,
    %get3A_292 = arith.constant 1 : i32
    %get3A_293 = arith.index_cast %get3A_292 : i32 to index
    %get3A_294 = arith.constant 80 : index
    %get3A_295 = tpu.vector_load %arg5[%get3A_293, %get3A_294] {strides = array<i32>} : memref<81x128xi32, #tpu.memory_space<vmem>>, vector<16xi32>,
    %and3A_296 = arith.constant 65535 : i32
    %and3A_297 = vector.broadcast %and3A_296 : i32 to vector<16xi32>
    %and3A_298 = arith.andi %get3A_295, %and3A_297 : vector<16xi32>
    %swap3A_299 = arith.constant 1 : i32
    %swap3A_300 = arith.index_cast %swap3A_299 : i32 to index
    %swap3A_301 = arith.constant 80 : index
    %swap3A_302 = tpu.vector_load %arg6[%swap3A_300, %swap3A_301] {strides = array<i32>} : memref<2x128xi32, #tpu.memory_space<vmem>>, vector<16xi32>,
    tpu.vector_store %arg6[%swap3A_300, %swap3A_301], %and3A_298 {strides = array<i32>} : memref<2x128xi32, #tpu.memory_space<vmem>>, vector<16xi32>,
    %get3A_303 = arith.constant 1 : i32
    %get3A_304 = arith.index_cast %get3A_303 : i32 to index
    %get3A_305 = arith.constant 96 : index
    %get3A_306 = tpu.vector_load %arg5[%get3A_304, %get3A_305] {strides = array<i32>} : memref<81x128xi32, #tpu.memory_space<vmem>>, vector<16xi32>,
    %and3A_307 = arith.constant 65535 : i32
    %and3A_308 = vector.broadcast %and3A_307 : i32 to vector<16xi32>
    %and3A_309 = arith.andi %get3A_306, %and3A_308 : vector<16xi32>
    %swap3A_310 = arith.constant 1 : i32
    %swap3A_311 = arith.index_cast %swap3A_310 : i32 to index
    %swap3A_312 = arith.constant 96 : index
    %swap3A_313 = tpu.vector_load %arg6[%swap3A_311, %swap3A_312] {strides = array<i32>} : memref<2x128xi32, #tpu.memory_space<vmem>>, vector<16xi32>,
    tpu.vector_store %arg6[%swap3A_311, %swap3A_312], %and3A_309 {strides = array<i32>} : memref<2x128xi32, #tpu.memory_space<vmem>>, vector<16xi32>,
    %get3A_314 = arith.constant 1 : i32
    %get3A_315 = arith.index_cast %get3A_314 : i32 to index
    %get3A_316 = arith.constant 112 : index
    %get3A_317 = tpu.vector_load %arg5[%get3A_315, %get3A_316] {strides = array<i32>} : memref<81x128xi32, #tpu.memory_space<vmem>>, vector<16xi32>,
    %and3A_318 = arith.constant 65535 : i32
    %and3A_319 = vector.broadcast %and3A_318 : i32 to vector<16xi32>
    %and3A_320 = arith.andi %get3A_317, %and3A_319 : vector<16xi32>
    %swap3A_321 = arith.constant 1 : i32
    %swap3A_322 = arith.index_cast %swap3A_321 : i32 to index
    %swap3A_323 = arith.constant 112 : index
    %swap3A_324 = tpu.vector_load %arg6[%swap3A_322, %swap3A_323] {strides = array<i32>} : memref<2x128xi32, #tpu.memory_space<vmem>>, vector<16xi32>,
    tpu.vector_store %arg6[%swap3A_322, %swap3A_323], %and3A_320 {strides = array<i32>} : memref<2x128xi32, #tpu.memory_space<vmem>>, vector<16xi32>,
    %dma_start3A_325 = arith.constant 1 : i32
    %dma_start3A_326 = arith.constant 0 : i32
    %dma_start3A_327 = tpu.memref_slice %arg6[%dma_start3A_325, %dma_start3A_326] : memref<2x128xi32, #tpu.memory_space<vmem>> -> memref<1x128xi32, #tpu.memory_space<vmem>>
    %dma_start3A_328 = tpu.memref_squeeze %dma_start3A_327 : memref<1x128xi32, #tpu.memory_space<vmem>> -> memref<128xi32, #tpu.memory_space<vmem>>
    %dma_start3A_329 = arith.constant 0 : i32
    %dma_start3A_330 = arith.constant 0 : i32
    %dma_start3A_331 = tpu.memref_slice %arg2[%dma_start3A_329, %dma_start3A_330] : memref<10112x128xf32, #tpu.memory_space<hbm>> -> memref<10112x128xf32, #tpu.memory_space<hbm>>
    tpu.enqueue_indirect_dma source(%dma_start3A_331 : memref<10112x128xf32, #tpu.memory_space<hbm>>) target(%arg9 : memref<128x128xf32, #tpu.memory_space<vmem>>) offsets(%dma_start3A_328 : memref<128xi32, #tpu.memory_space<vmem>>) semaphore(%arg12 : memref<!tpu.dma_semaphore, #tpu.memory_space<semaphore_mem>>)
    %scan3A_332 = arith.constant 0 : i32
    %scan3A_333 = arith.constant 0 : i32
    %scan3A_334 = arith.constant 40 : i32
    %scan3A_335 = arith.addi %scan3A_333, %scan3A_334 : i32
    %scan3A_336 = arith.constant 1 : i32
    scf.for %scan3A_437 = %scan3A_333 to %scan3A_335 step %scan3A_336  : i32 {
      %mul3A_438 = arith.constant 2 : i32
      %mul3A_439 = arith.muli %mul3A_438, %scan3A_437 : i32
      %add3A_440 = arith.constant 0 : i32
      %add3A_441 = arith.addi %mul3A_439, %add3A_440 : i32
      %dma_wait3A_442 = arith.constant 0 : i32
      %dma_wait3A_443 = arith.constant 0 : i32
      %dma_wait3A_444 = tpu.memref_slice %arg6[%dma_wait3A_442, %dma_wait3A_443] : memref<2x128xi32, #tpu.memory_space<vmem>> -> memref<1x128xi32, #tpu.memory_space<vmem>>
      %dma_wait3A_445 = tpu.memref_squeeze %dma_wait3A_444 : memref<1x128xi32, #tpu.memory_space<vmem>> -> memref<128xi32, #tpu.memory_space<vmem>>
      %dma_wait3A_446 = arith.constant 0 : i32
      %dma_wait3A_447 = arith.constant 0 : i32
      %dma_wait3A_448 = tpu.memref_slice %arg2[%dma_wait3A_446, %dma_wait3A_447] : memref<10112x128xf32, #tpu.memory_space<hbm>> -> memref<10112x128xf32, #tpu.memory_space<hbm>>
      tpu.wait_indirect_dma semaphore(%arg11 : memref<!tpu.dma_semaphore, #tpu.memory_space<semaphore_mem>>) src(%dma_wait3A_448 : memref<10112x128xf32, #tpu.memory_space<hbm>>) dst(%arg8 : memref<128x128xf32, #tpu.memory_space<vmem>>)
      %get3A_449 = arith.index_cast %add3A_441 : i32 to index
      %get3A_450 = arith.constant 0 : index
      %get3A_451 = tpu.vector_load %arg5[%get3A_449, %get3A_450] {strides = array<i32>} : memref<81x128xi32, #tpu.memory_space<vmem>>, vector<16xi32>,
      %shift_right_logical3A_452 = arith.constant 16 : i32
      %shift_right_logical3A_453 = vector.broadcast %shift_right_logical3A_452 : i32 to vector<16xi32>
      %shift_right_logical3A_454 = arith.shrui %get3A_451, %shift_right_logical3A_453 : vector<16xi32>
      %swap3A_455 = arith.constant 0 : i32
      %swap3A_456 = arith.index_cast %swap3A_455 : i32 to index
      %swap3A_457 = arith.constant 0 : index
      %swap3A_458 = tpu.vector_load %arg7[%swap3A_456, %swap3A_457] {strides = array<i32>} : memref<1x128xi32, #tpu.memory_space<vmem>>, vector<16xi32>,
      tpu.vector_store %arg7[%swap3A_456, %swap3A_457], %shift_right_logical3A_454 {strides = array<i32>} : memref<1x128xi32, #tpu.memory_space<vmem>>, vector<16xi32>,
      %get3A_459 = arith.index_cast %add3A_441 : i32 to index
      %get3A_460 = arith.constant 16 : index
      %get3A_461 = tpu.vector_load %arg5[%get3A_459, %get3A_460] {strides = array<i32>} : memref<81x128xi32, #tpu.memory_space<vmem>>, vector<16xi32>,
      %shift_right_logical3A_462 = arith.constant 16 : i32
      %shift_right_logical3A_463 = vector.broadcast %shift_right_logical3A_462 : i32 to vector<16xi32>
      %shift_right_logical3A_464 = arith.shrui %get3A_461, %shift_right_logical3A_463 : vector<16xi32>
      %swap3A_465 = arith.constant 0 : i32
      %swap3A_466 = arith.index_cast %swap3A_465 : i32 to index
      %swap3A_467 = arith.constant 16 : index
      %swap3A_468 = tpu.vector_load %arg7[%swap3A_466, %swap3A_467] {strides = array<i32>} : memref<1x128xi32, #tpu.memory_space<vmem>>, vector<16xi32>,
      tpu.vector_store %arg7[%swap3A_466, %swap3A_467], %shift_right_logical3A_464 {strides = array<i32>} : memref<1x128xi32, #tpu.memory_space<vmem>>, vector<16xi32>,
      %get3A_469 = arith.index_cast %add3A_441 : i32 to index
      %get3A_470 = arith.constant 32 : index
      %get3A_471 = tpu.vector_load %arg5[%get3A_469, %get3A_470] {strides = array<i32>} : memref<81x128xi32, #tpu.memory_space<vmem>>, vector<16xi32>,
      %shift_right_logical3A_472 = arith.constant 16 : i32
      %shift_right_logical3A_473 = vector.broadcast %shift_right_logical3A_472 : i32 to vector<16xi32>
      %shift_right_logical3A_474 = arith.shrui %get3A_471, %shift_right_logical3A_473 : vector<16xi32>
      %swap3A_475 = arith.constant 0 : i32
      %swap3A_476 = arith.index_cast %swap3A_475 : i32 to index
      %swap3A_477 = arith.constant 32 : index
      %swap3A_478 = tpu.vector_load %arg7[%swap3A_476, %swap3A_477] {strides = array<i32>} : memref<1x128xi32, #tpu.memory_space<vmem>>, vector<16xi32>,
      tpu.vector_store %arg7[%swap3A_476, %swap3A_477], %shift_right_logical3A_474 {strides = array<i32>} : memref<1x128xi32, #tpu.memory_space<vmem>>, vector<16xi32>,
      %get3A_479 = arith.index_cast %add3A_441 : i32 to index
      %get3A_480 = arith.constant 48 : index
      %get3A_481 = tpu.vector_load %arg5[%get3A_479, %get3A_480] {strides = array<i32>} : memref<81x128xi32, #tpu.memory_space<vmem>>, vector<16xi32>,
      %shift_right_logical3A_482 = arith.constant 16 : i32
      %shift_right_logical3A_483 = vector.broadcast %shift_right_logical3A_482 : i32 to vector<16xi32>
      %shift_right_logical3A_484 = arith.shrui %get3A_481, %shift_right_logical3A_483 : vector<16xi32>
      %swap3A_485 = arith.constant 0 : i32
      %swap3A_486 = arith.index_cast %swap3A_485 : i32 to index
      %swap3A_487 = arith.constant 48 : index
      %swap3A_488 = tpu.vector_load %arg7[%swap3A_486, %swap3A_487] {strides = array<i32>} : memref<1x128xi32, #tpu.memory_space<vmem>>, vector<16xi32>,
      tpu.vector_store %arg7[%swap3A_486, %swap3A_487], %shift_right_logical3A_484 {strides = array<i32>} : memref<1x128xi32, #tpu.memory_space<vmem>>, vector<16xi32>,
      %get3A_489 = arith.index_cast %add3A_441 : i32 to index
      %get3A_490 = arith.constant 64 : index
      %get3A_491 = tpu.vector_load %arg5[%get3A_489, %get3A_490] {strides = array<i32>} : memref<81x128xi32, #tpu.memory_space<vmem>>, vector<16xi32>,
      %shift_right_logical3A_492 = arith.constant 16 : i32
      %shift_right_logical3A_493 = vector.broadcast %shift_right_logical3A_492 : i32 to vector<16xi32>
      %shift_right_logical3A_494 = arith.shrui %get3A_491, %shift_right_logical3A_493 : vector<16xi32>
      %swap3A_495 = arith.constant 0 : i32
      %swap3A_496 = arith.index_cast %swap3A_495 : i32 to index
      %swap3A_497 = arith.constant 64 : index
      %swap3A_498 = tpu.vector_load %arg7[%swap3A_496, %swap3A_497] {strides = array<i32>} : memref<1x128xi32, #tpu.memory_space<vmem>>, vector<16xi32>,
      tpu.vector_store %arg7[%swap3A_496, %swap3A_497], %shift_right_logical3A_494 {strides = array<i32>} : memref<1x128xi32, #tpu.memory_space<vmem>>, vector<16xi32>,
      %get3A_499 = arith.index_cast %add3A_441 : i32 to index
      %get3A_500 = arith.constant 80 : index
      %get3A_501 = tpu.vector_load %arg5[%get3A_499, %get3A_500] {strides = array<i32>} : memref<81x128xi32, #tpu.memory_space<vmem>>, vector<16xi32>,
      %shift_right_logical3A_502 = arith.constant 16 : i32
      %shift_right_logical3A_503 = vector.broadcast %shift_right_logical3A_502 : i32 to vector<16xi32>
      %shift_right_logical3A_504 = arith.shrui %get3A_501, %shift_right_logical3A_503 : vector<16xi32>
      %swap3A_505 = arith.constant 0 : i32
      %swap3A_506 = arith.index_cast %swap3A_505 : i32 to index
      %swap3A_507 = arith.constant 80 : index
      %swap3A_508 = tpu.vector_load %arg7[%swap3A_506, %swap3A_507] {strides = array<i32>} : memref<1x128xi32, #tpu.memory_space<vmem>>, vector<16xi32>,
      tpu.vector_store %arg7[%swap3A_506, %swap3A_507], %shift_right_logical3A_504 {strides = array<i32>} : memref<1x128xi32, #tpu.memory_space<vmem>>, vector<16xi32>,
      %get3A_509 = arith.index_cast %add3A_441 : i32 to index
      %get3A_510 = arith.constant 96 : index
      %get3A_511 = tpu.vector_load %arg5[%get3A_509, %get3A_510] {strides = array<i32>} : memref<81x128xi32, #tpu.memory_space<vmem>>, vector<16xi32>,
      %shift_right_logical3A_512 = arith.constant 16 : i32
      %shift_right_logical3A_513 = vector.broadcast %shift_right_logical3A_512 : i32 to vector<16xi32>
      %shift_right_logical3A_514 = arith.shrui %get3A_511, %shift_right_logical3A_513 : vector<16xi32>
      %swap3A_515 = arith.constant 0 : i32
      %swap3A_516 = arith.index_cast %swap3A_515 : i32 to index
      %swap3A_517 = arith.constant 96 : index
      %swap3A_518 = tpu.vector_load %arg7[%swap3A_516, %swap3A_517] {strides = array<i32>} : memref<1x128xi32, #tpu.memory_space<vmem>>, vector<16xi32>,
      tpu.vector_store %arg7[%swap3A_516, %swap3A_517], %shift_right_logical3A_514 {strides = array<i32>} : memref<1x128xi32, #tpu.memory_space<vmem>>, vector<16xi32>,
      %get3A_519 = arith.index_cast %add3A_441 : i32 to index
      %get3A_520 = arith.constant 112 : index
      %get3A_521 = tpu.vector_load %arg5[%get3A_519, %get3A_520] {strides = array<i32>} : memref<81x128xi32, #tpu.memory_space<vmem>>, vector<16xi32>,
      %shift_right_logical3A_522 = arith.constant 16 : i32
      %shift_right_logical3A_523 = vector.broadcast %shift_right_logical3A_522 : i32 to vector<16xi32>
      %shift_right_logical3A_524 = arith.shrui %get3A_521, %shift_right_logical3A_523 : vector<16xi32>
      %swap3A_525 = arith.constant 0 : i32
      %swap3A_526 = arith.index_cast %swap3A_525 : i32 to index
      %swap3A_527 = arith.constant 112 : index
      %swap3A_528 = tpu.vector_load %arg7[%swap3A_526, %swap3A_527] {strides = array<i32>} : memref<1x128xi32, #tpu.memory_space<vmem>>, vector<16xi32>,
      tpu.vector_store %arg7[%swap3A_526, %swap3A_527], %shift_right_logical3A_524 {strides = array<i32>} : memref<1x128xi32, #tpu.memory_space<vmem>>, vector<16xi32>,
      %run_scoped3A_529 = arith.constant 0 : i32
      "tpu.region"() ({
        %run_scoped3A_715 = tpu.sem_alloc : memref<!tpu.dma_semaphore, #tpu.memory_space<semaphore_mem>>
        %dma_start3A_716 = arith.constant 0 : i32
        %dma_start3A_717 = tpu.memref_slice %arg7[%run_scoped3A_529, %dma_start3A_716] : memref<1x128xi32, #tpu.memory_space<vmem>> -> memref<1x128xi32, #tpu.memory_space<vmem>>
        %dma_start3A_718 = tpu.memref_squeeze %dma_start3A_717 : memref<1x128xi32, #tpu.memory_space<vmem>> -> memref<128xi32, #tpu.memory_space<vmem>>
        %dma_start3A_719 = arith.constant 0 : i32
        %dma_start3A_720 = arith.constant 0 : i32
        %dma_start3A_721 = tpu.memref_slice %arg10[%dma_start3A_719, %dma_start3A_720] : memref<10112x128xf32, #tpu.memory_space<vmem_shared>> -> memref<10112x128xf32, #tpu.memory_space<vmem_shared>>
        tpu.enqueue_indirect_dma source(%arg8 : memref<128x128xf32, #tpu.memory_space<vmem>>) target(%dma_start3A_721 : memref<10112x128xf32, #tpu.memory_space<vmem_shared>>) offsets(%dma_start3A_718 : memref<128xi32, #tpu.memory_space<vmem>>) semaphore(%run_scoped3A_715 : memref<!tpu.dma_semaphore, #tpu.memory_space<semaphore_mem>>) {add = true}
        %dma_wait3A_722 = arith.constant 0 : i32
        %dma_wait3A_723 = tpu.memref_slice %arg7[%run_scoped3A_529, %dma_wait3A_722] : memref<1x128xi32, #tpu.memory_space<vmem>> -> memref<1x128xi32, #tpu.memory_space<vmem>>
        %dma_wait3A_724 = tpu.memref_squeeze %dma_wait3A_723 : memref<1x128xi32, #tpu.memory_space<vmem>> -> memref<128xi32, #tpu.memory_space<vmem>>
        %dma_wait3A_725 = arith.constant 0 : i32
        %dma_wait3A_726 = arith.constant 0 : i32
        %dma_wait3A_727 = tpu.memref_slice %arg10[%dma_wait3A_725, %dma_wait3A_726] : memref<10112x128xf32, #tpu.memory_space<vmem_shared>> -> memref<10112x128xf32, #tpu.memory_space<vmem_shared>>
        tpu.wait_indirect_dma semaphore(%run_scoped3A_715 : memref<!tpu.dma_semaphore, #tpu.memory_space<semaphore_mem>>) src(%arg8 : memref<128x128xf32, #tpu.memory_space<vmem>>) dst(%dma_wait3A_727 : memref<10112x128xf32, #tpu.memory_space<vmem_shared>>)
        tpu.yield
      }) : () -> ()
      %add3A_530 = arith.constant 2 : i32
      %add3A_531 = arith.addi %add3A_441, %add3A_530 : i32
      %get3A_532 = arith.index_cast %add3A_531 : i32 to index
      %get3A_533 = arith.constant 0 : index
      %get3A_534 = tpu.vector_load %arg5[%get3A_532, %get3A_533] {strides = array<i32>} : memref<81x128xi32, #tpu.memory_space<vmem>>, vector<16xi32>,
      %and3A_535 = arith.constant 65535 : i32
      %and3A_536 = vector.broadcast %and3A_535 : i32 to vector<16xi32>
      %and3A_537 = arith.andi %get3A_534, %and3A_536 : vector<16xi32>
      %swap3A_538 = arith.constant 0 : i32
      %swap3A_539 = arith.index_cast %swap3A_538 : i32 to index
      %swap3A_540 = arith.constant 0 : index
      %swap3A_541 = tpu.vector_load %arg6[%swap3A_539, %swap3A_540] {strides = array<i32>} : memref<2x128xi32, #tpu.memory_space<vmem>>, vector<16xi32>,
      tpu.vector_store %arg6[%swap3A_539, %swap3A_540], %and3A_537 {strides = array<i32>} : memref<2x128xi32, #tpu.memory_space<vmem>>, vector<16xi32>,
      %get3A_542 = arith.index_cast %add3A_531 : i32 to index
      %get3A_543 = arith.constant 16 : index
      %get3A_544 = tpu.vector_load %arg5[%get3A_542, %get3A_543] {strides = array<i32>} : memref<81x128xi32, #tpu.memory_space<vmem>>, vector<16xi32>,
      %and3A_545 = arith.constant 65535 : i32
      %and3A_546 = vector.broadcast %and3A_545 : i32 to vector<16xi32>
      %and3A_547 = arith.andi %get3A_544, %and3A_546 : vector<16xi32>
      %swap3A_548 = arith.constant 0 : i32
      %swap3A_549 = arith.index_cast %swap3A_548 : i32 to index
      %swap3A_550 = arith.constant 16 : index
      %swap3A_551 = tpu.vector_load %arg6[%swap3A_549, %swap3A_550] {strides = array<i32>} : memref<2x128xi32, #tpu.memory_space<vmem>>, vector<16xi32>,
      tpu.vector_store %arg6[%swap3A_549, %swap3A_550], %and3A_547 {strides = array<i32>} : memref<2x128xi32, #tpu.memory_space<vmem>>, vector<16xi32>,
      %get3A_552 = arith.index_cast %add3A_531 : i32 to index
      %get3A_553 = arith.constant 32 : index
      %get3A_554 = tpu.vector_load %arg5[%get3A_552, %get3A_553] {strides = array<i32>} : memref<81x128xi32, #tpu.memory_space<vmem>>, vector<16xi32>,
      %and3A_555 = arith.constant 65535 : i32
      %and3A_556 = vector.broadcast %and3A_555 : i32 to vector<16xi32>
      %and3A_557 = arith.andi %get3A_554, %and3A_556 : vector<16xi32>
      %swap3A_558 = arith.constant 0 : i32
      %swap3A_559 = arith.index_cast %swap3A_558 : i32 to index
      %swap3A_560 = arith.constant 32 : index
      %swap3A_561 = tpu.vector_load %arg6[%swap3A_559, %swap3A_560] {strides = array<i32>} : memref<2x128xi32, #tpu.memory_space<vmem>>, vector<16xi32>,
      tpu.vector_store %arg6[%swap3A_559, %swap3A_560], %and3A_557 {strides = array<i32>} : memref<2x128xi32, #tpu.memory_space<vmem>>, vector<16xi32>,
      %get3A_562 = arith.index_cast %add3A_531 : i32 to index
      %get3A_563 = arith.constant 48 : index
      %get3A_564 = tpu.vector_load %arg5[%get3A_562, %get3A_563] {strides = array<i32>} : memref<81x128xi32, #tpu.memory_space<vmem>>, vector<16xi32>,
      %and3A_565 = arith.constant 65535 : i32
      %and3A_566 = vector.broadcast %and3A_565 : i32 to vector<16xi32>
      %and3A_567 = arith.andi %get3A_564, %and3A_566 : vector<16xi32>
      %swap3A_568 = arith.constant 0 : i32
      %swap3A_569 = arith.index_cast %swap3A_568 : i32 to index
      %swap3A_570 = arith.constant 48 : index
      %swap3A_571 = tpu.vector_load %arg6[%swap3A_569, %swap3A_570] {strides = array<i32>} : memref<2x128xi32, #tpu.memory_space<vmem>>, vector<16xi32>,
      tpu.vector_store %arg6[%swap3A_569, %swap3A_570], %and3A_567 {strides = array<i32>} : memref<2x128xi32, #tpu.memory_space<vmem>>, vector<16xi32>,
      %get3A_572 = arith.index_cast %add3A_531 : i32 to index
      %get3A_573 = arith.constant 64 : index
      %get3A_574 = tpu.vector_load %arg5[%get3A_572, %get3A_573] {strides = array<i32>} : memref<81x128xi32, #tpu.memory_space<vmem>>, vector<16xi32>,
      %and3A_575 = arith.constant 65535 : i32
      %and3A_576 = vector.broadcast %and3A_575 : i32 to vector<16xi32>
      %and3A_577 = arith.andi %get3A_574, %and3A_576 : vector<16xi32>
      %swap3A_578 = arith.constant 0 : i32
      %swap3A_579 = arith.index_cast %swap3A_578 : i32 to index
      %swap3A_580 = arith.constant 64 : index
      %swap3A_581 = tpu.vector_load %arg6[%swap3A_579, %swap3A_580] {strides = array<i32>} : memref<2x128xi32, #tpu.memory_space<vmem>>, vector<16xi32>,
      tpu.vector_store %arg6[%swap3A_579, %swap3A_580], %and3A_577 {strides = array<i32>} : memref<2x128xi32, #tpu.memory_space<vmem>>, vector<16xi32>,
      %get3A_582 = arith.index_cast %add3A_531 : i32 to index
      %get3A_583 = arith.constant 80 : index
      %get3A_584 = tpu.vector_load %arg5[%get3A_582, %get3A_583] {strides = array<i32>} : memref<81x128xi32, #tpu.memory_space<vmem>>, vector<16xi32>,
      %and3A_585 = arith.constant 65535 : i32
      %and3A_586 = vector.broadcast %and3A_585 : i32 to vector<16xi32>
      %and3A_587 = arith.andi %get3A_584, %and3A_586 : vector<16xi32>
      %swap3A_588 = arith.constant 0 : i32
      %swap3A_589 = arith.index_cast %swap3A_588 : i32 to index
      %swap3A_590 = arith.constant 80 : index
      %swap3A_591 = tpu.vector_load %arg6[%swap3A_589, %swap3A_590] {strides = array<i32>} : memref<2x128xi32, #tpu.memory_space<vmem>>, vector<16xi32>,
      tpu.vector_store %arg6[%swap3A_589, %swap3A_590], %and3A_587 {strides = array<i32>} : memref<2x128xi32, #tpu.memory_space<vmem>>, vector<16xi32>,
      %get3A_592 = arith.index_cast %add3A_531 : i32 to index
      %get3A_593 = arith.constant 96 : index
      %get3A_594 = tpu.vector_load %arg5[%get3A_592, %get3A_593] {strides = array<i32>} : memref<81x128xi32, #tpu.memory_space<vmem>>, vector<16xi32>,
      %and3A_595 = arith.constant 65535 : i32
      %and3A_596 = vector.broadcast %and3A_595 : i32 to vector<16xi32>
      %and3A_597 = arith.andi %get3A_594, %and3A_596 : vector<16xi32>
      %swap3A_598 = arith.constant 0 : i32
      %swap3A_599 = arith.index_cast %swap3A_598 : i32 to index
      %swap3A_600 = arith.constant 96 : index
      %swap3A_601 = tpu.vector_load %arg6[%swap3A_599, %swap3A_600] {strides = array<i32>} : memref<2x128xi32, #tpu.memory_space<vmem>>, vector<16xi32>,
      tpu.vector_store %arg6[%swap3A_599, %swap3A_600], %and3A_597 {strides = array<i32>} : memref<2x128xi32, #tpu.memory_space<vmem>>, vector<16xi32>,
      %get3A_602 = arith.index_cast %add3A_531 : i32 to index
      %get3A_603 = arith.constant 112 : index
      %get3A_604 = tpu.vector_load %arg5[%get3A_602, %get3A_603] {strides = array<i32>} : memref<81x128xi32, #tpu.memory_space<vmem>>, vector<16xi32>,
      %and3A_605 = arith.constant 65535 : i32
      %and3A_606 = vector.broadcast %and3A_605 : i32 to vector<16xi32>
      %and3A_607 = arith.andi %get3A_604, %and3A_606 : vector<16xi32>
      %swap3A_608 = arith.constant 0 : i32
      %swap3A_609 = arith.index_cast %swap3A_608 : i32 to index
      %swap3A_610 = arith.constant 112 : index
      %swap3A_611 = tpu.vector_load %arg6[%swap3A_609, %swap3A_610] {strides = array<i32>} : memref<2x128xi32, #tpu.memory_space<vmem>>, vector<16xi32>,
      tpu.vector_store %arg6[%swap3A_609, %swap3A_610], %and3A_607 {strides = array<i32>} : memref<2x128xi32, #tpu.memory_space<vmem>>, vector<16xi32>,
      %dma_start3A_612 = arith.constant 0 : i32
      %dma_start3A_613 = arith.constant 0 : i32
      %dma_start3A_614 = tpu.memref_slice %arg6[%dma_start3A_612, %dma_start3A_613] : memref<2x128xi32, #tpu.memory_space<vmem>> -> memref<1x128xi32, #tpu.memory_space<vmem>>
      %dma_start3A_615 = tpu.memref_squeeze %dma_start3A_614 : memref<1x128xi32, #tpu.memory_space<vmem>> -> memref<128xi32, #tpu.memory_space<vmem>>
      %dma_start3A_616 = arith.constant 0 : i32
      %dma_start3A_617 = arith.constant 0 : i32
      %dma_start3A_618 = tpu.memref_slice %arg2[%dma_start3A_616, %dma_start3A_617] : memref<10112x128xf32, #tpu.memory_space<hbm>> -> memref<10112x128xf32, #tpu.memory_space<hbm>>
      tpu.enqueue_indirect_dma source(%dma_start3A_618 : memref<10112x128xf32, #tpu.memory_space<hbm>>) target(%arg8 : memref<128x128xf32, #tpu.memory_space<vmem>>) offsets(%dma_start3A_615 : memref<128xi32, #tpu.memory_space<vmem>>) semaphore(%arg11 : memref<!tpu.dma_semaphore, #tpu.memory_space<semaphore_mem>>)
      %mul3A_619 = arith.constant 2 : i32
      %mul3A_620 = arith.muli %mul3A_619, %scan3A_437 : i32
      %add3A_621 = arith.constant 1 : i32
      %add3A_622 = arith.addi %mul3A_620, %add3A_621 : i32
      %dma_wait3A_623 = arith.constant 1 : i32
      %dma_wait3A_624 = arith.constant 0 : i32
      %dma_wait3A_625 = tpu.memref_slice %arg6[%dma_wait3A_623, %dma_wait3A_624] : memref<2x128xi32, #tpu.memory_space<vmem>> -> memref<1x128xi32, #tpu.memory_space<vmem>>
      %dma_wait3A_626 = tpu.memref_squeeze %dma_wait3A_625 : memref<1x128xi32, #tpu.memory_space<vmem>> -> memref<128xi32, #tpu.memory_space<vmem>>
      %dma_wait3A_627 = arith.constant 0 : i32
      %dma_wait3A_628 = arith.constant 0 : i32
      %dma_wait3A_629 = tpu.memref_slice %arg2[%dma_wait3A_627, %dma_wait3A_628] : memref<10112x128xf32, #tpu.memory_space<hbm>> -> memref<10112x128xf32, #tpu.memory_space<hbm>>
      tpu.wait_indirect_dma semaphore(%arg12 : memref<!tpu.dma_semaphore, #tpu.memory_space<semaphore_mem>>) src(%dma_wait3A_629 : memref<10112x128xf32, #tpu.memory_space<hbm>>) dst(%arg9 : memref<128x128xf32, #tpu.memory_space<vmem>>)
      %get3A_630 = arith.index_cast %add3A_622 : i32 to index
      %get3A_631 = arith.constant 0 : index
      %get3A_632 = tpu.vector_load %arg5[%get3A_630, %get3A_631] {strides = array<i32>} : memref<81x128xi32, #tpu.memory_space<vmem>>, vector<16xi32>,
      %shift_right_logical3A_633 = arith.constant 16 : i32
      %shift_right_logical3A_634 = vector.broadcast %shift_right_logical3A_633 : i32 to vector<16xi32>
      %shift_right_logical3A_635 = arith.shrui %get3A_632, %shift_right_logical3A_634 : vector<16xi32>
      %swap3A_636 = arith.constant 0 : i32
      %swap3A_637 = arith.index_cast %swap3A_636 : i32 to index
      %swap3A_638 = arith.constant 0 : index
      %swap3A_639 = tpu.vector_load %arg7[%swap3A_637, %swap3A_638] {strides = array<i32>} : memref<1x128xi32, #tpu.memory_space<vmem>>, vector<16xi32>,
      tpu.vector_store %arg7[%swap3A_637, %swap3A_638], %shift_right_logical3A_635 {strides = array<i32>} : memref<1x128xi32, #tpu.memory_space<vmem>>, vector<16xi32>,
      %get3A_640 = arith.index_cast %add3A_622 : i32 to index
      %get3A_641 = arith.constant 16 : index
      %get3A_642 = tpu.vector_load %arg5[%get3A_640, %get3A_641] {strides = array<i32>} : memref<81x128xi32, #tpu.memory_space<vmem>>, vector<16xi32>,
      %shift_right_logical3A_643 = arith.constant 16 : i32
      %shift_right_logical3A_644 = vector.broadcast %shift_right_logical3A_643 : i32 to vector<16xi32>
      %shift_right_logical3A_645 = arith.shrui %get3A_642, %shift_right_logical3A_644 : vector<16xi32>
      %swap3A_646 = arith.constant 0 : i32
      %swap3A_647 = arith.index_cast %swap3A_646 : i32 to index
      %swap3A_648 = arith.constant 16 : index
      %swap3A_649 = tpu.vector_load %arg7[%swap3A_647, %swap3A_648] {strides = array<i32>} : memref<1x128xi32, #tpu.memory_space<vmem>>, vector<16xi32>,
      tpu.vector_store %arg7[%swap3A_647, %swap3A_648], %shift_right_logical3A_645 {strides = array<i32>} : memref<1x128xi32, #tpu.memory_space<vmem>>, vector<16xi32>,
      %get3A_650 = arith.index_cast %add3A_622 : i32 to index
      %get3A_651 = arith.constant 32 : index
      %get3A_652 = tpu.vector_load %arg5[%get3A_650, %get3A_651] {strides = array<i32>} : memref<81x128xi32, #tpu.memory_space<vmem>>, vector<16xi32>,
      %shift_right_logical3A_653 = arith.constant 16 : i32
      %shift_right_logical3A_654 = vector.broadcast %shift_right_logical3A_653 : i32 to vector<16xi32>
      %shift_right_logical3A_655 = arith.shrui %get3A_652, %shift_right_logical3A_654 : vector<16xi32>
      %swap3A_656 = arith.constant 0 : i32
      %swap3A_657 = arith.index_cast %swap3A_656 : i32 to index
      %swap3A_658 = arith.constant 32 : index
      %swap3A_659 = tpu.vector_load %arg7[%swap3A_657, %swap3A_658] {strides = array<i32>} : memref<1x128xi32, #tpu.memory_space<vmem>>, vector<16xi32>,
      tpu.vector_store %arg7[%swap3A_657, %swap3A_658], %shift_right_logical3A_655 {strides = array<i32>} : memref<1x128xi32, #tpu.memory_space<vmem>>, vector<16xi32>,
      %get3A_660 = arith.index_cast %add3A_622 : i32 to index
      %get3A_661 = arith.constant 48 : index
      %get3A_662 = tpu.vector_load %arg5[%get3A_660, %get3A_661] {strides = array<i32>} : memref<81x128xi32, #tpu.memory_space<vmem>>, vector<16xi32>,
      %shift_right_logical3A_663 = arith.constant 16 : i32
      %shift_right_logical3A_664 = vector.broadcast %shift_right_logical3A_663 : i32 to vector<16xi32>
      %shift_right_logical3A_665 = arith.shrui %get3A_662, %shift_right_logical3A_664 : vector<16xi32>
      %swap3A_666 = arith.constant 0 : i32
      %swap3A_667 = arith.index_cast %swap3A_666 : i32 to index
      %swap3A_668 = arith.constant 48 : index
      %swap3A_669 = tpu.vector_load %arg7[%swap3A_667, %swap3A_668] {strides = array<i32>} : memref<1x128xi32, #tpu.memory_space<vmem>>, vector<16xi32>,
      tpu.vector_store %arg7[%swap3A_667, %swap3A_668], %shift_right_logical3A_665 {strides = array<i32>} : memref<1x128xi32, #tpu.memory_space<vmem>>, vector<16xi32>,
      %get3A_670 = arith.index_cast %add3A_622 : i32 to index
      %get3A_671 = arith.constant 64 : index
      %get3A_672 = tpu.vector_load %arg5[%get3A_670, %get3A_671] {strides = array<i32>} : memref<81x128xi32, #tpu.memory_space<vmem>>, vector<16xi32>,
      %shift_right_logical3A_673 = arith.constant 16 : i32
      %shift_right_logical3A_674 = vector.broadcast %shift_right_logical3A_673 : i32 to vector<16xi32>
      %shift_right_logical3A_675 = arith.shrui %get3A_672, %shift_right_logical3A_674 : vector<16xi32>
      %swap3A_676 = arith.constant 0 : i32
      %swap3A_677 = arith.index_cast %swap3A_676 : i32 to index
      %swap3A_678 = arith.constant 64 : index
      %swap3A_679 = tpu.vector_load %arg7[%swap3A_677, %swap3A_678] {strides = array<i32>} : memref<1x128xi32, #tpu.memory_space<vmem>>, vector<16xi32>,
      tpu.vector_store %arg7[%swap3A_677, %swap3A_678], %shift_right_logical3A_675 {strides = array<i32>} : memref<1x128xi32, #tpu.memory_space<vmem>>, vector<16xi32>,
      %get3A_680 = arith.index_cast %add3A_622 : i32 to index
      %get3A_681 = arith.constant 80 : index
      %get3A_682 = tpu.vector_load %arg5[%get3A_680, %get3A_681] {strides = array<i32>} : memref<81x128xi32, #tpu.memory_space<vmem>>, vector<16xi32>,
      %shift_right_logical3A_683 = arith.constant 16 : i32
      %shift_right_logical3A_684 = vector.broadcast %shift_right_logical3A_683 : i32 to vector<16xi32>
      %shift_right_logical3A_685 = arith.shrui %get3A_682, %shift_right_logical3A_684 : vector<16xi32>
      %swap3A_686 = arith.constant 0 : i32
      %swap3A_687 = arith.index_cast %swap3A_686 : i32 to index
      %swap3A_688 = arith.constant 80 : index
      %swap3A_689 = tpu.vector_load %arg7[%swap3A_687, %swap3A_688] {strides = array<i32>} : memref<1x128xi32, #tpu.memory_space<vmem>>, vector<16xi32>,
      tpu.vector_store %arg7[%swap3A_687, %swap3A_688], %shift_right_logical3A_685 {strides = array<i32>} : memref<1x128xi32, #tpu.memory_space<vmem>>, vector<16xi32>,
      %get3A_690 = arith.index_cast %add3A_622 : i32 to index
      %get3A_691 = arith.constant 96 : index
      %get3A_692 = tpu.vector_load %arg5[%get3A_690, %get3A_691] {strides = array<i32>} : memref<81x128xi32, #tpu.memory_space<vmem>>, vector<16xi32>,
      %shift_right_logical3A_693 = arith.constant 16 : i32
      %shift_right_logical3A_694 = vector.broadcast %shift_right_logical3A_693 : i32 to vector<16xi32>
      %shift_right_logical3A_695 = arith.shrui %get3A_692, %shift_right_logical3A_694 : vector<16xi32>
      %swap3A_696 = arith.constant 0 : i32
      %swap3A_697 = arith.index_cast %swap3A_696 : i32 to index
      %swap3A_698 = arith.constant 96 : index
      %swap3A_699 = tpu.vector_load %arg7[%swap3A_697, %swap3A_698] {strides = array<i32>} : memref<1x128xi32, #tpu.memory_space<vmem>>, vector<16xi32>,
      tpu.vector_store %arg7[%swap3A_697, %swap3A_698], %shift_right_logical3A_695 {strides = array<i32>} : memref<1x128xi32, #tpu.memory_space<vmem>>, vector<16xi32>,
      %get3A_700 = arith.index_cast %add3A_622 : i32 to index
      %get3A_701 = arith.constant 112 : index
      %get3A_702 = tpu.vector_load %arg5[%get3A_700, %get3A_701] {strides = array<i32>} : memref<81x128xi32, #tpu.memory_space<vmem>>, vector<16xi32>,
      %shift_right_logical3A_703 = arith.constant 16 : i32
      %shift_right_logical3A_704 = vector.broadcast %shift_right_logical3A_703 : i32 to vector<16xi32>
      %shift_right_logical3A_705 = arith.shrui %get3A_702, %shift_right_logical3A_704 : vector<16xi32>
      %swap3A_706 = arith.constant 0 : i32
      %swap3A_707 = arith.index_cast %swap3A_706 : i32 to index
      %swap3A_708 = arith.constant 112 : index
      %swap3A_709 = tpu.vector_load %arg7[%swap3A_707, %swap3A_708] {strides = array<i32>} : memref<1x128xi32, #tpu.memory_space<vmem>>, vector<16xi32>,
      tpu.vector_store %arg7[%swap3A_707, %swap3A_708], %shift_right_logical3A_705 {strides = array<i32>} : memref<1x128xi32, #tpu.memory_space<vmem>>, vector<16xi32>,
      %run_scoped3A_710 = arith.constant 0 : i32
      "tpu.region"() ({
        %run_scoped3A_715 = tpu.sem_alloc : memref<!tpu.dma_semaphore, #tpu.memory_space<semaphore_mem>>
        %dma_start3A_716 = arith.constant 0 : i32
        %dma_start3A_717 = tpu.memref_slice %arg7[%run_scoped3A_710, %dma_start3A_716] : memref<1x128xi32, #tpu.memory_space<vmem>> -> memref<1x128xi32, #tpu.memory_space<vmem>>
        %dma_start3A_718 = tpu.memref_squeeze %dma_start3A_717 : memref<1x128xi32, #tpu.memory_space<vmem>> -> memref<128xi32, #tpu.memory_space<vmem>>
        %dma_start3A_719 = arith.constant 0 : i32
        %dma_start3A_720 = arith.constant 0 : i32
        %dma_start3A_721 = tpu.memref_slice %arg10[%dma_start3A_719, %dma_start3A_720] : memref<10112x128xf32, #tpu.memory_space<vmem_shared>> -> memref<10112x128xf32, #tpu.memory_space<vmem_shared>>
        tpu.enqueue_indirect_dma source(%arg9 : memref<128x128xf32, #tpu.memory_space<vmem>>) target(%dma_start3A_721 : memref<10112x128xf32, #tpu.memory_space<vmem_shared>>) offsets(%dma_start3A_718 : memref<128xi32, #tpu.memory_space<vmem>>) semaphore(%run_scoped3A_715 : memref<!tpu.dma_semaphore, #tpu.memory_space<semaphore_mem>>) {add = true}
        %dma_wait3A_722 = arith.constant 0 : i32
        %dma_wait3A_723 = tpu.memref_slice %arg7[%run_scoped3A_710, %dma_wait3A_722] : memref<1x128xi32, #tpu.memory_space<vmem>> -> memref<1x128xi32, #tpu.memory_space<vmem>>
        %dma_wait3A_724 = tpu.memref_squeeze %dma_wait3A_723 : memref<1x128xi32, #tpu.memory_space<vmem>> -> memref<128xi32, #tpu.memory_space<vmem>>
        %dma_wait3A_725 = arith.constant 0 : i32
        %dma_wait3A_726 = arith.constant 0 : i32
        %dma_wait3A_727 = tpu.memref_slice %arg10[%dma_wait3A_725, %dma_wait3A_726] : memref<10112x128xf32, #tpu.memory_space<vmem_shared>> -> memref<10112x128xf32, #tpu.memory_space<vmem_shared>>
        tpu.wait_indirect_dma semaphore(%run_scoped3A_715 : memref<!tpu.dma_semaphore, #tpu.memory_space<semaphore_mem>>) src(%arg9 : memref<128x128xf32, #tpu.memory_space<vmem>>) dst(%dma_wait3A_727 : memref<10112x128xf32, #tpu.memory_space<vmem_shared>>)
        tpu.yield
      }) : () -> ()
      %add3A_711 = arith.constant 2 : i32
      %add3A_712 = arith.addi %add3A_622, %add3A_711 : i32
      %lt3A = arith.constant 81 : i32
      %lt3A_713 = arith.cmpi slt, %add3A_712, %lt3A : i32
      %convert_element_type3A = arith.extui %lt3A_713 : i1 to i32
      %cond3A = arith.constant 0 : i32
      %cond3A_714 = arith.cmpi ne, %convert_element_type3A, %cond3A : i32
      scf.if %cond3A_714 {
        %add3A_715 = arith.constant 2 : i32
        %add3A_716 = arith.addi %add3A_622, %add3A_715 : i32
        %get3A_717 = arith.index_cast %add3A_716 : i32 to index
        %get3A_718 = arith.constant 0 : index
        %get3A_719 = tpu.vector_load %arg5[%get3A_717, %get3A_718] {strides = array<i32>} : memref<81x128xi32, #tpu.memory_space<vmem>>, vector<16xi32>,
        %and3A_720 = arith.constant 65535 : i32
        %and3A_721 = vector.broadcast %and3A_720 : i32 to vector<16xi32>
        %and3A_722 = arith.andi %get3A_719, %and3A_721 : vector<16xi32>
        %swap3A_723 = arith.constant 1 : i32
        %swap3A_724 = arith.index_cast %swap3A_723 : i32 to index
        %swap3A_725 = arith.constant 0 : index
        %swap3A_726 = tpu.vector_load %arg6[%swap3A_724, %swap3A_725] {strides = array<i32>} : memref<2x128xi32, #tpu.memory_space<vmem>>, vector<16xi32>,
        tpu.vector_store %arg6[%swap3A_724, %swap3A_725], %and3A_722 {strides = array<i32>} : memref<2x128xi32, #tpu.memory_space<vmem>>, vector<16xi32>,
        %get3A_727 = arith.index_cast %add3A_716 : i32 to index
        %get3A_728 = arith.constant 16 : index
        %get3A_729 = tpu.vector_load %arg5[%get3A_727, %get3A_728] {strides = array<i32>} : memref<81x128xi32, #tpu.memory_space<vmem>>, vector<16xi32>,
        %and3A_730 = arith.constant 65535 : i32
        %and3A_731 = vector.broadcast %and3A_730 : i32 to vector<16xi32>
        %and3A_732 = arith.andi %get3A_729, %and3A_731 : vector<16xi32>
        %swap3A_733 = arith.constant 1 : i32
        %swap3A_734 = arith.index_cast %swap3A_733 : i32 to index
        %swap3A_735 = arith.constant 16 : index
        %swap3A_736 = tpu.vector_load %arg6[%swap3A_734, %swap3A_735] {strides = array<i32>} : memref<2x128xi32, #tpu.memory_space<vmem>>, vector<16xi32>,
        tpu.vector_store %arg6[%swap3A_734, %swap3A_735], %and3A_732 {strides = array<i32>} : memref<2x128xi32, #tpu.memory_space<vmem>>, vector<16xi32>,
        %get3A_737 = arith.index_cast %add3A_716 : i32 to index
        %get3A_738 = arith.constant 32 : index
        %get3A_739 = tpu.vector_load %arg5[%get3A_737, %get3A_738] {strides = array<i32>} : memref<81x128xi32, #tpu.memory_space<vmem>>, vector<16xi32>,
        %and3A_740 = arith.constant 65535 : i32
        %and3A_741 = vector.broadcast %and3A_740 : i32 to vector<16xi32>
        %and3A_742 = arith.andi %get3A_739, %and3A_741 : vector<16xi32>
        %swap3A_743 = arith.constant 1 : i32
        %swap3A_744 = arith.index_cast %swap3A_743 : i32 to index
        %swap3A_745 = arith.constant 32 : index
        %swap3A_746 = tpu.vector_load %arg6[%swap3A_744, %swap3A_745] {strides = array<i32>} : memref<2x128xi32, #tpu.memory_space<vmem>>, vector<16xi32>,
        tpu.vector_store %arg6[%swap3A_744, %swap3A_745], %and3A_742 {strides = array<i32>} : memref<2x128xi32, #tpu.memory_space<vmem>>, vector<16xi32>,
        %get3A_747 = arith.index_cast %add3A_716 : i32 to index
        %get3A_748 = arith.constant 48 : index
        %get3A_749 = tpu.vector_load %arg5[%get3A_747, %get3A_748] {strides = array<i32>} : memref<81x128xi32, #tpu.memory_space<vmem>>, vector<16xi32>,
        %and3A_750 = arith.constant 65535 : i32
        %and3A_751 = vector.broadcast %and3A_750 : i32 to vector<16xi32>
        %and3A_752 = arith.andi %get3A_749, %and3A_751 : vector<16xi32>
        %swap3A_753 = arith.constant 1 : i32
        %swap3A_754 = arith.index_cast %swap3A_753 : i32 to index
        %swap3A_755 = arith.constant 48 : index
        %swap3A_756 = tpu.vector_load %arg6[%swap3A_754, %swap3A_755] {strides = array<i32>} : memref<2x128xi32, #tpu.memory_space<vmem>>, vector<16xi32>,
        tpu.vector_store %arg6[%swap3A_754, %swap3A_755], %and3A_752 {strides = array<i32>} : memref<2x128xi32, #tpu.memory_space<vmem>>, vector<16xi32>,
        %get3A_757 = arith.index_cast %add3A_716 : i32 to index
        %get3A_758 = arith.constant 64 : index
        %get3A_759 = tpu.vector_load %arg5[%get3A_757, %get3A_758] {strides = array<i32>} : memref<81x128xi32, #tpu.memory_space<vmem>>, vector<16xi32>,
        %and3A_760 = arith.constant 65535 : i32
        %and3A_761 = vector.broadcast %and3A_760 : i32 to vector<16xi32>
        %and3A_762 = arith.andi %get3A_759, %and3A_761 : vector<16xi32>
        %swap3A_763 = arith.constant 1 : i32
        %swap3A_764 = arith.index_cast %swap3A_763 : i32 to index
        %swap3A_765 = arith.constant 64 : index
        %swap3A_766 = tpu.vector_load %arg6[%swap3A_764, %swap3A_765] {strides = array<i32>} : memref<2x128xi32, #tpu.memory_space<vmem>>, vector<16xi32>,
        tpu.vector_store %arg6[%swap3A_764, %swap3A_765], %and3A_762 {strides = array<i32>} : memref<2x128xi32, #tpu.memory_space<vmem>>, vector<16xi32>,
        %get3A_767 = arith.index_cast %add3A_716 : i32 to index
        %get3A_768 = arith.constant 80 : index
        %get3A_769 = tpu.vector_load %arg5[%get3A_767, %get3A_768] {strides = array<i32>} : memref<81x128xi32, #tpu.memory_space<vmem>>, vector<16xi32>,
        %and3A_770 = arith.constant 65535 : i32
        %and3A_771 = vector.broadcast %and3A_770 : i32 to vector<16xi32>
        %and3A_772 = arith.andi %get3A_769, %and3A_771 : vector<16xi32>
        %swap3A_773 = arith.constant 1 : i32
        %swap3A_774 = arith.index_cast %swap3A_773 : i32 to index
        %swap3A_775 = arith.constant 80 : index
        %swap3A_776 = tpu.vector_load %arg6[%swap3A_774, %swap3A_775] {strides = array<i32>} : memref<2x128xi32, #tpu.memory_space<vmem>>, vector<16xi32>,
        tpu.vector_store %arg6[%swap3A_774, %swap3A_775], %and3A_772 {strides = array<i32>} : memref<2x128xi32, #tpu.memory_space<vmem>>, vector<16xi32>,
        %get3A_777 = arith.index_cast %add3A_716 : i32 to index
        %get3A_778 = arith.constant 96 : index
        %get3A_779 = tpu.vector_load %arg5[%get3A_777, %get3A_778] {strides = array<i32>} : memref<81x128xi32, #tpu.memory_space<vmem>>, vector<16xi32>,
        %and3A_780 = arith.constant 65535 : i32
        %and3A_781 = vector.broadcast %and3A_780 : i32 to vector<16xi32>
        %and3A_782 = arith.andi %get3A_779, %and3A_781 : vector<16xi32>
        %swap3A_783 = arith.constant 1 : i32
        %swap3A_784 = arith.index_cast %swap3A_783 : i32 to index
        %swap3A_785 = arith.constant 96 : index
        %swap3A_786 = tpu.vector_load %arg6[%swap3A_784, %swap3A_785] {strides = array<i32>} : memref<2x128xi32, #tpu.memory_space<vmem>>, vector<16xi32>,
        tpu.vector_store %arg6[%swap3A_784, %swap3A_785], %and3A_782 {strides = array<i32>} : memref<2x128xi32, #tpu.memory_space<vmem>>, vector<16xi32>,
        %get3A_787 = arith.index_cast %add3A_716 : i32 to index
        %get3A_788 = arith.constant 112 : index
        %get3A_789 = tpu.vector_load %arg5[%get3A_787, %get3A_788] {strides = array<i32>} : memref<81x128xi32, #tpu.memory_space<vmem>>, vector<16xi32>,
        %and3A_790 = arith.constant 65535 : i32
        %and3A_791 = vector.broadcast %and3A_790 : i32 to vector<16xi32>
        %and3A_792 = arith.andi %get3A_789, %and3A_791 : vector<16xi32>
        %swap3A_793 = arith.constant 1 : i32
        %swap3A_794 = arith.index_cast %swap3A_793 : i32 to index
        %swap3A_795 = arith.constant 112 : index
        %swap3A_796 = tpu.vector_load %arg6[%swap3A_794, %swap3A_795] {strides = array<i32>} : memref<2x128xi32, #tpu.memory_space<vmem>>, vector<16xi32>,
        tpu.vector_store %arg6[%swap3A_794, %swap3A_795], %and3A_792 {strides = array<i32>} : memref<2x128xi32, #tpu.memory_space<vmem>>, vector<16xi32>,
        %dma_start3A_797 = arith.constant 1 : i32
        %dma_start3A_798 = arith.constant 0 : i32
        %dma_start3A_799 = tpu.memref_slice %arg6[%dma_start3A_797, %dma_start3A_798] : memref<2x128xi32, #tpu.memory_space<vmem>> -> memref<1x128xi32, #tpu.memory_space<vmem>>
        %dma_start3A_800 = tpu.memref_squeeze %dma_start3A_799 : memref<1x128xi32, #tpu.memory_space<vmem>> -> memref<128xi32, #tpu.memory_space<vmem>>
        %dma_start3A_801 = arith.constant 0 : i32
        %dma_start3A_802 = arith.constant 0 : i32
        %dma_start3A_803 = tpu.memref_slice %arg2[%dma_start3A_801, %dma_start3A_802] : memref<10112x128xf32, #tpu.memory_space<hbm>> -> memref<10112x128xf32, #tpu.memory_space<hbm>>
        tpu.enqueue_indirect_dma source(%dma_start3A_803 : memref<10112x128xf32, #tpu.memory_space<hbm>>) target(%arg9 : memref<128x128xf32, #tpu.memory_space<vmem>>) offsets(%dma_start3A_800 : memref<128xi32, #tpu.memory_space<vmem>>) semaphore(%arg12 : memref<!tpu.dma_semaphore, #tpu.memory_space<semaphore_mem>>)
      } else {
      }
    }
    %scan3A_337 = arith.constant 40 : i32
    %dma_wait3A_338 = arith.constant 0 : i32
    %dma_wait3A_339 = arith.constant 0 : i32
    %dma_wait3A_340 = tpu.memref_slice %arg6[%dma_wait3A_338, %dma_wait3A_339] : memref<2x128xi32, #tpu.memory_space<vmem>> -> memref<1x128xi32, #tpu.memory_space<vmem>>
    %dma_wait3A_341 = tpu.memref_squeeze %dma_wait3A_340 : memref<1x128xi32, #tpu.memory_space<vmem>> -> memref<128xi32, #tpu.memory_space<vmem>>
    %dma_wait3A_342 = arith.constant 0 : i32
    %dma_wait3A_343 = arith.constant 0 : i32
    %dma_wait3A_344 = tpu.memref_slice %arg2[%dma_wait3A_342, %dma_wait3A_343] : memref<10112x128xf32, #tpu.memory_space<hbm>> -> memref<10112x128xf32, #tpu.memory_space<hbm>>
    tpu.wait_indirect_dma semaphore(%arg11 : memref<!tpu.dma_semaphore, #tpu.memory_space<semaphore_mem>>) src(%dma_wait3A_344 : memref<10112x128xf32, #tpu.memory_space<hbm>>) dst(%arg8 : memref<128x128xf32, #tpu.memory_space<vmem>>)
    %get3A_345 = arith.constant 80 : i32
    %get3A_346 = arith.index_cast %get3A_345 : i32 to index
    %get3A_347 = arith.constant 0 : index
    %get3A_348 = tpu.vector_load %arg5[%get3A_346, %get3A_347] {strides = array<i32>} : memref<81x128xi32, #tpu.memory_space<vmem>>, vector<16xi32>,
    %shift_right_logical3A = arith.constant 16 : i32
    %shift_right_logical3A_349 = vector.broadcast %shift_right_logical3A : i32 to vector<16xi32>
    %shift_right_logical3A_350 = arith.shrui %get3A_348, %shift_right_logical3A_349 : vector<16xi32>
    %swap3A_351 = arith.constant 0 : i32
    %swap3A_352 = arith.index_cast %swap3A_351 : i32 to index
    %swap3A_353 = arith.constant 0 : index
    %swap3A_354 = tpu.vector_load %arg7[%swap3A_352, %swap3A_353] {strides = array<i32>} : memref<1x128xi32, #tpu.memory_space<vmem>>, vector<16xi32>,
    tpu.vector_store %arg7[%swap3A_352, %swap3A_353], %shift_right_logical3A_350 {strides = array<i32>} : memref<1x128xi32, #tpu.memory_space<vmem>>, vector<16xi32>,
    %get3A_355 = arith.constant 80 : i32
    %get3A_356 = arith.index_cast %get3A_355 : i32 to index
    %get3A_357 = arith.constant 16 : index
    %get3A_358 = tpu.vector_load %arg5[%get3A_356, %get3A_357] {strides = array<i32>} : memref<81x128xi32, #tpu.memory_space<vmem>>, vector<16xi32>,
    %shift_right_logical3A_359 = arith.constant 16 : i32
    %shift_right_logical3A_360 = vector.broadcast %shift_right_logical3A_359 : i32 to vector<16xi32>
    %shift_right_logical3A_361 = arith.shrui %get3A_358, %shift_right_logical3A_360 : vector<16xi32>
    %swap3A_362 = arith.constant 0 : i32
    %swap3A_363 = arith.index_cast %swap3A_362 : i32 to index
    %swap3A_364 = arith.constant 16 : index
    %swap3A_365 = tpu.vector_load %arg7[%swap3A_363, %swap3A_364] {strides = array<i32>} : memref<1x128xi32, #tpu.memory_space<vmem>>, vector<16xi32>,
    tpu.vector_store %arg7[%swap3A_363, %swap3A_364], %shift_right_logical3A_361 {strides = array<i32>} : memref<1x128xi32, #tpu.memory_space<vmem>>, vector<16xi32>,
    %get3A_366 = arith.constant 80 : i32
    %get3A_367 = arith.index_cast %get3A_366 : i32 to index
    %get3A_368 = arith.constant 32 : index
    %get3A_369 = tpu.vector_load %arg5[%get3A_367, %get3A_368] {strides = array<i32>} : memref<81x128xi32, #tpu.memory_space<vmem>>, vector<16xi32>,
    %shift_right_logical3A_370 = arith.constant 16 : i32
    %shift_right_logical3A_371 = vector.broadcast %shift_right_logical3A_370 : i32 to vector<16xi32>
    %shift_right_logical3A_372 = arith.shrui %get3A_369, %shift_right_logical3A_371 : vector<16xi32>
    %swap3A_373 = arith.constant 0 : i32
    %swap3A_374 = arith.index_cast %swap3A_373 : i32 to index
    %swap3A_375 = arith.constant 32 : index
    %swap3A_376 = tpu.vector_load %arg7[%swap3A_374, %swap3A_375] {strides = array<i32>} : memref<1x128xi32, #tpu.memory_space<vmem>>, vector<16xi32>,
    tpu.vector_store %arg7[%swap3A_374, %swap3A_375], %shift_right_logical3A_372 {strides = array<i32>} : memref<1x128xi32, #tpu.memory_space<vmem>>, vector<16xi32>,
    %get3A_377 = arith.constant 80 : i32
    %get3A_378 = arith.index_cast %get3A_377 : i32 to index
    %get3A_379 = arith.constant 48 : index
    %get3A_380 = tpu.vector_load %arg5[%get3A_378, %get3A_379] {strides = array<i32>} : memref<81x128xi32, #tpu.memory_space<vmem>>, vector<16xi32>,
    %shift_right_logical3A_381 = arith.constant 16 : i32
    %shift_right_logical3A_382 = vector.broadcast %shift_right_logical3A_381 : i32 to vector<16xi32>
    %shift_right_logical3A_383 = arith.shrui %get3A_380, %shift_right_logical3A_382 : vector<16xi32>
    %swap3A_384 = arith.constant 0 : i32
    %swap3A_385 = arith.index_cast %swap3A_384 : i32 to index
    %swap3A_386 = arith.constant 48 : index
    %swap3A_387 = tpu.vector_load %arg7[%swap3A_385, %swap3A_386] {strides = array<i32>} : memref<1x128xi32, #tpu.memory_space<vmem>>, vector<16xi32>,
    tpu.vector_store %arg7[%swap3A_385, %swap3A_386], %shift_right_logical3A_383 {strides = array<i32>} : memref<1x128xi32, #tpu.memory_space<vmem>>, vector<16xi32>,
    %get3A_388 = arith.constant 80 : i32
    %get3A_389 = arith.index_cast %get3A_388 : i32 to index
    %get3A_390 = arith.constant 64 : index
    %get3A_391 = tpu.vector_load %arg5[%get3A_389, %get3A_390] {strides = array<i32>} : memref<81x128xi32, #tpu.memory_space<vmem>>, vector<16xi32>,
    %shift_right_logical3A_392 = arith.constant 16 : i32
    %shift_right_logical3A_393 = vector.broadcast %shift_right_logical3A_392 : i32 to vector<16xi32>
    %shift_right_logical3A_394 = arith.shrui %get3A_391, %shift_right_logical3A_393 : vector<16xi32>
    %swap3A_395 = arith.constant 0 : i32
    %swap3A_396 = arith.index_cast %swap3A_395 : i32 to index
    %swap3A_397 = arith.constant 64 : index
    %swap3A_398 = tpu.vector_load %arg7[%swap3A_396, %swap3A_397] {strides = array<i32>} : memref<1x128xi32, #tpu.memory_space<vmem>>, vector<16xi32>,
    tpu.vector_store %arg7[%swap3A_396, %swap3A_397], %shift_right_logical3A_394 {strides = array<i32>} : memref<1x128xi32, #tpu.memory_space<vmem>>, vector<16xi32>,
    %get3A_399 = arith.constant 80 : i32
    %get3A_400 = arith.index_cast %get3A_399 : i32 to index
    %get3A_401 = arith.constant 80 : index
    %get3A_402 = tpu.vector_load %arg5[%get3A_400, %get3A_401] {strides = array<i32>} : memref<81x128xi32, #tpu.memory_space<vmem>>, vector<16xi32>,
    %shift_right_logical3A_403 = arith.constant 16 : i32
    %shift_right_logical3A_404 = vector.broadcast %shift_right_logical3A_403 : i32 to vector<16xi32>
    %shift_right_logical3A_405 = arith.shrui %get3A_402, %shift_right_logical3A_404 : vector<16xi32>
    %swap3A_406 = arith.constant 0 : i32
    %swap3A_407 = arith.index_cast %swap3A_406 : i32 to index
    %swap3A_408 = arith.constant 80 : index
    %swap3A_409 = tpu.vector_load %arg7[%swap3A_407, %swap3A_408] {strides = array<i32>} : memref<1x128xi32, #tpu.memory_space<vmem>>, vector<16xi32>,
    tpu.vector_store %arg7[%swap3A_407, %swap3A_408], %shift_right_logical3A_405 {strides = array<i32>} : memref<1x128xi32, #tpu.memory_space<vmem>>, vector<16xi32>,
    %get3A_410 = arith.constant 80 : i32
    %get3A_411 = arith.index_cast %get3A_410 : i32 to index
    %get3A_412 = arith.constant 96 : index
    %get3A_413 = tpu.vector_load %arg5[%get3A_411, %get3A_412] {strides = array<i32>} : memref<81x128xi32, #tpu.memory_space<vmem>>, vector<16xi32>,
    %shift_right_logical3A_414 = arith.constant 16 : i32
    %shift_right_logical3A_415 = vector.broadcast %shift_right_logical3A_414 : i32 to vector<16xi32>
    %shift_right_logical3A_416 = arith.shrui %get3A_413, %shift_right_logical3A_415 : vector<16xi32>
    %swap3A_417 = arith.constant 0 : i32
    %swap3A_418 = arith.index_cast %swap3A_417 : i32 to index
    %swap3A_419 = arith.constant 96 : index
    %swap3A_420 = tpu.vector_load %arg7[%swap3A_418, %swap3A_419] {strides = array<i32>} : memref<1x128xi32, #tpu.memory_space<vmem>>, vector<16xi32>,
    tpu.vector_store %arg7[%swap3A_418, %swap3A_419], %shift_right_logical3A_416 {strides = array<i32>} : memref<1x128xi32, #tpu.memory_space<vmem>>, vector<16xi32>,
    %get3A_421 = arith.constant 80 : i32
    %get3A_422 = arith.index_cast %get3A_421 : i32 to index
    %get3A_423 = arith.constant 112 : index
    %get3A_424 = tpu.vector_load %arg5[%get3A_422, %get3A_423] {strides = array<i32>} : memref<81x128xi32, #tpu.memory_space<vmem>>, vector<16xi32>,
    %shift_right_logical3A_425 = arith.constant 16 : i32
    %shift_right_logical3A_426 = vector.broadcast %shift_right_logical3A_425 : i32 to vector<16xi32>
    %shift_right_logical3A_427 = arith.shrui %get3A_424, %shift_right_logical3A_426 : vector<16xi32>
    %swap3A_428 = arith.constant 0 : i32
    %swap3A_429 = arith.index_cast %swap3A_428 : i32 to index
    %swap3A_430 = arith.constant 112 : index
    %swap3A_431 = tpu.vector_load %arg7[%swap3A_429, %swap3A_430] {strides = array<i32>} : memref<1x128xi32, #tpu.memory_space<vmem>>, vector<16xi32>,
    tpu.vector_store %arg7[%swap3A_429, %swap3A_430], %shift_right_logical3A_427 {strides = array<i32>} : memref<1x128xi32, #tpu.memory_space<vmem>>, vector<16xi32>,
    %run_scoped3A = arith.constant 0 : i32
    "tpu.region"() ({
      %run_scoped3A_437 = tpu.sem_alloc : memref<!tpu.dma_semaphore, #tpu.memory_space<semaphore_mem>>
      %dma_start3A_438 = arith.constant 0 : i32
      %dma_start3A_439 = tpu.memref_slice %arg7[%run_scoped3A, %dma_start3A_438] : memref<1x128xi32, #tpu.memory_space<vmem>> -> memref<1x128xi32, #tpu.memory_space<vmem>>
      %dma_start3A_440 = tpu.memref_squeeze %dma_start3A_439 : memref<1x128xi32, #tpu.memory_space<vmem>> -> memref<128xi32, #tpu.memory_space<vmem>>
      %dma_start3A_441 = arith.constant 0 : i32
      %dma_start3A_442 = arith.constant 0 : i32
      %dma_start3A_443 = tpu.memref_slice %arg10[%dma_start3A_441, %dma_start3A_442] : memref<10112x128xf32, #tpu.memory_space<vmem_shared>> -> memref<10112x128xf32, #tpu.memory_space<vmem_shared>>
      tpu.enqueue_indirect_dma source(%arg8 : memref<128x128xf32, #tpu.memory_space<vmem>>) target(%dma_start3A_443 : memref<10112x128xf32, #tpu.memory_space<vmem_shared>>) offsets(%dma_start3A_440 : memref<128xi32, #tpu.memory_space<vmem>>) semaphore(%run_scoped3A_437 : memref<!tpu.dma_semaphore, #tpu.memory_space<semaphore_mem>>) {add = true}
      %dma_wait3A_444 = arith.constant 0 : i32
      %dma_wait3A_445 = tpu.memref_slice %arg7[%run_scoped3A, %dma_wait3A_444] : memref<1x128xi32, #tpu.memory_space<vmem>> -> memref<1x128xi32, #tpu.memory_space<vmem>>
      %dma_wait3A_446 = tpu.memref_squeeze %dma_wait3A_445 : memref<1x128xi32, #tpu.memory_space<vmem>> -> memref<128xi32, #tpu.memory_space<vmem>>
      %dma_wait3A_447 = arith.constant 0 : i32
      %dma_wait3A_448 = arith.constant 0 : i32
      %dma_wait3A_449 = tpu.memref_slice %arg10[%dma_wait3A_447, %dma_wait3A_448] : memref<10112x128xf32, #tpu.memory_space<vmem_shared>> -> memref<10112x128xf32, #tpu.memory_space<vmem_shared>>
      tpu.wait_indirect_dma semaphore(%run_scoped3A_437 : memref<!tpu.dma_semaphore, #tpu.memory_space<semaphore_mem>>) src(%arg8 : memref<128x128xf32, #tpu.memory_space<vmem>>) dst(%dma_wait3A_449 : memref<10112x128xf32, #tpu.memory_space<vmem_shared>>)
      tpu.yield
    }) : () -> ()
    %barrier3A_432 = arith.constant 0 : index
    tpu.barrier barrier_id(%barrier3A_432)
    %mul3A_433 = arith.constant 632 : i32
    %mul3A_434 = arith.muli %arg1, %mul3A_433 : i32
    %mul3A_435 = arith.constant 632 : i32
    %mul3A_436 = arith.muli %arg1, %mul3A_435 : i32
    "tpu.region"() ({
      %run_scoped3A_437 = tpu.sem_alloc : memref<!tpu.dma_semaphore, #tpu.memory_space<semaphore_mem>>
      %dma_start3A_438 = arith.constant 0 : i32
      %dma_start3A_439 = tpu.memref_slice %arg4[%arg0, %mul3A_436, %dma_start3A_438] : memref<2x10112x128xf32, #tpu.memory_space<hbm>> -> memref<1x632x128xf32, #tpu.memory_space<hbm>>
      %dma_start3A_440 = tpu.memref_squeeze %dma_start3A_439 : memref<1x632x128xf32, #tpu.memory_space<hbm>> -> memref<632x128xf32, #tpu.memory_space<hbm>>
      %dma_start3A_441 = arith.constant 0 : i32
      %dma_start3A_442 = tpu.memref_slice %arg10[%mul3A_434, %dma_start3A_441] : memref<10112x128xf32, #tpu.memory_space<vmem_shared>> -> memref<632x128xf32, #tpu.memory_space<vmem_shared>>
      tpu.enqueue_dma source(%dma_start3A_442 : memref<632x128xf32, #tpu.memory_space<vmem_shared>>) target(%dma_start3A_440 : memref<632x128xf32, #tpu.memory_space<hbm>>) target_semaphore(%run_scoped3A_437 : memref<!tpu.dma_semaphore, #tpu.memory_space<semaphore_mem>>)
      %dma_wait3A_443 = arith.constant 0 : i32
      %dma_wait3A_444 = tpu.memref_slice %arg4[%arg0, %mul3A_436, %dma_wait3A_443] : memref<2x10112x128xf32, #tpu.memory_space<hbm>> -> memref<1x632x128xf32, #tpu.memory_space<hbm>>
      %dma_wait3A_445 = tpu.memref_squeeze %dma_wait3A_444 : memref<1x632x128xf32, #tpu.memory_space<hbm>> -> memref<632x128xf32, #tpu.memory_space<hbm>>
      %dma_wait3A_446 = arith.constant 0 : i32
      %dma_wait3A_447 = tpu.memref_slice %arg10[%mul3A_434, %dma_wait3A_446] : memref<10112x128xf32, #tpu.memory_space<vmem_shared>> -> memref<632x128xf32, #tpu.memory_space<vmem_shared>>
      tpu.wait_dma2 semaphore(%run_scoped3A_437 : memref<!tpu.dma_semaphore, #tpu.memory_space<semaphore_mem>>) src(%dma_wait3A_447 : memref<632x128xf32, #tpu.memory_space<vmem_shared>>) dst(%dma_wait3A_445 : memref<632x128xf32, #tpu.memory_space<hbm>>)
      tpu.yield
    }) : () -> ()
    return
  }
}

module attributes {stable_mosaic.version = 14 : i64} {
  func.func @_scale_mm_body(%arg0: i32, %arg1: memref<10112x128xf32, #tpu.memory_space<vmem>>, %arg2: memref<128x128xf32, #tpu.memory_space<vmem>>, %arg3: memref<2x128x128xf32, #tpu.memory_space<vmem>>, %arg4: memref<10112x128xf32, #tpu.memory_space<vmem>>) attributes {dimension_semantics = [#tpu.dimension_semantics<arbitrary>], iteration_bounds = array<i64: 1>, scalar_prefetch = 0 : i64, scratch_operands = 0 : i64, tpu.core_type = #tpu.core_type<tc>, window_params = [{pipeline_mode = #tpu.pipeline_mode<synchronous>, transform_indices = @transform_0, window_bounds = array<i64: 10112, 128>}, {pipeline_mode = #tpu.pipeline_mode<synchronous>, transform_indices = @transform_1, window_bounds = array<i64: 128, 128>}, {pipeline_mode = #tpu.pipeline_mode<synchronous>, transform_indices = @transform_2, window_bounds = array<i64: 2, 128, 128>}, {pipeline_mode = #tpu.pipeline_mode<synchronous>, transform_indices = @transform_3, window_bounds = array<i64: 10112, 128>}]} {
    %get3A = arith.constant 0 : index
    %get3A_0 = arith.constant 0 : index
    %get3A_1 = arith.constant 0 : index
    %get3A_2 = vector.load %arg3[%get3A, %get3A_0, %get3A_1] : memref<2x128x128xf32, #tpu.memory_space<vmem>>, vector<1x128x128xf32>
    %get3A_3 = vector.shape_cast %get3A_2 : vector<1x128x128xf32> to vector<128x128xf32>
    %get3A_4 = arith.constant 1 : index
    %get3A_5 = arith.constant 0 : index
    %get3A_6 = arith.constant 0 : index
    %get3A_7 = vector.load %arg3[%get3A_4, %get3A_5, %get3A_6] : memref<2x128x128xf32, #tpu.memory_space<vmem>>, vector<1x128x128xf32>
    %get3A_8 = vector.shape_cast %get3A_7 : vector<1x128x128xf32> to vector<128x128xf32>
    %add3A = arith.addf %get3A_3, %get3A_8 : vector<128x128xf32>
    %reshape3A = vector.shape_cast %add3A : vector<128x128xf32> to vector<16384xf32>
    %slice3A = vector.extract_strided_slice %reshape3A {offsets = [0], sizes = [10112], strides = [1]} : vector<16384xf32> to vector<10112xf32>
    %gt3A = arith.constant 0.000000e+00 : f32
    %gt3A_9 = vector.broadcast %gt3A : f32 to vector<10112xf32>
    %gt3A_10 = arith.cmpf ogt, %slice3A, %gt3A_9 : vector<10112xf32>
    %max3A = arith.constant 9.99999996E-13 : f32
    %max3A_11 = vector.broadcast %max3A : f32 to vector<10112xf32>
    %max3A_12 = arith.maximumf %slice3A, %max3A_11 : vector<10112xf32>
    %rsqrt3A = math.rsqrt %max3A_12 : vector<10112xf32>
    %jit3A = arith.constant 0.000000e+00 : f32
    %broadcast_in_dim3A = vector.broadcast %jit3A : f32 to vector<10112xf32>
    %select_n3A = arith.select %gt3A_10, %rsqrt3A, %broadcast_in_dim3A : vector<10112xi1>, vector<10112xf32>
    %get3A_13 = arith.constant 0 : index
    %get3A_14 = arith.constant 0 : index
    %get3A_15 = vector.load %arg1[%get3A_13, %get3A_14] : memref<10112x128xf32, #tpu.memory_space<vmem>>, vector<10112x128xf32>
    %get3A_16 = arith.constant 0 : index
    %get3A_17 = arith.constant 0 : index
    %get3A_18 = vector.load %arg2[%get3A_16, %get3A_17] : memref<128x128xf32, #tpu.memory_space<vmem>>, vector<128x128xf32>
    %dot_general3A = arith.constant dense<0.000000e+00> : vector<10112x128xf32>
    %dot_general3A_19 = tpu.matmul %get3A_15, %get3A_18, %dot_general3A {dimension_numbers = #tpu.dot_dimension_numbers<[1], [0], [0], [1], [0, 0, 1, 1], [], []>, transpose_lhs_hint = false} : vector<10112x128xf32>, vector<128x128xf32>, vector<10112x128xf32> -> vector<10112x128xf32>
    %broadcast_in_dim3A_20 = vector.shape_cast %select_n3A : vector<10112xf32> to vector<10112x1xf32>
    %mul3A = vector.broadcast %broadcast_in_dim3A_20 : vector<10112x1xf32> to vector<10112x128xf32>
    %mul3A_21 = arith.mulf %dot_general3A_19, %mul3A : vector<10112x128xf32>
    %swap3A = arith.constant 0 : index
    %swap3A_22 = arith.constant 0 : index
    %swap3A_23 = vector.load %arg4[%swap3A, %swap3A_22] : memref<10112x128xf32, #tpu.memory_space<vmem>>, vector<10112x128xf32>
    tpu.vector_store %arg4[%swap3A, %swap3A_22], %mul3A_21 {strides = array<i32>} : memref<10112x128xf32, #tpu.memory_space<vmem>>, vector<10112x128xf32>,
    return
  }
  func.func @transform_0(%arg0: i32) -> (i32, i32) {
    %c0_i32 = arith.constant 0 : i32
    %c0_i32_0 = arith.constant 0 : i32
    %c0_i32_1 = arith.constant 0 : i32
    return %c0_i32, %c0_i32_0 : i32, i32
  }
  func.func @transform_1(%arg0: i32) -> (i32, i32) {
    %c0_i32 = arith.constant 0 : i32
    %c0_i32_0 = arith.constant 0 : i32
    %c0_i32_1 = arith.constant 0 : i32
    return %c0_i32, %c0_i32_0 : i32, i32
  }
  func.func @transform_2(%arg0: i32) -> (i32, i32, i32) {
    %c0_i32 = arith.constant 0 : i32
    %c0_i32_0 = arith.constant 0 : i32
    %c0_i32_1 = arith.constant 0 : i32
    %c0_i32_2 = arith.constant 0 : i32
    return %c0_i32, %c0_i32_0, %c0_i32_1 : i32, i32, i32
  }
  func.func @transform_3(%arg0: i32) -> (i32, i32) {
    %c0_i32 = arith.constant 0 : i32
    %c0_i32_0 = arith.constant 0 : i32
    %c0_i32_1 = arith.constant 0 : i32
    return %c0_i32, %c0_i32_0 : i32, i32
  }
}

module attributes {stable_mosaic.version = 14 : i64} {
  func.func @_relu_scale_body(%arg0: i32, %arg1: memref<2x10112x128xf32, #tpu.memory_space<vmem>>, %arg2: memref<2x128x128xf32, #tpu.memory_space<vmem>>, %arg3: memref<1x128xf32, #tpu.memory_space<vmem>>, %arg4: memref<10112x128xf32, #tpu.memory_space<vmem>>) attributes {dimension_semantics = [#tpu.dimension_semantics<arbitrary>], iteration_bounds = array<i64: 1>, scalar_prefetch = 0 : i64, scratch_operands = 0 : i64, tpu.core_type = #tpu.core_type<tc>, window_params = [{pipeline_mode = #tpu.pipeline_mode<synchronous>, transform_indices = @transform_0, window_bounds = array<i64: 2, 10112, 128>}, {pipeline_mode = #tpu.pipeline_mode<synchronous>, transform_indices = @transform_1, window_bounds = array<i64: 2, 128, 128>}, {pipeline_mode = #tpu.pipeline_mode<synchronous>, transform_indices = @transform_2, window_bounds = array<i64: 1, 128>}, {pipeline_mode = #tpu.pipeline_mode<synchronous>, transform_indices = @transform_3, window_bounds = array<i64: 10112, 128>}]} {
    %get3A = arith.constant 0 : index
    %get3A_0 = arith.constant 0 : index
    %get3A_1 = arith.constant 0 : index
    %get3A_2 = vector.load %arg2[%get3A, %get3A_0, %get3A_1] : memref<2x128x128xf32, #tpu.memory_space<vmem>>, vector<1x128x128xf32>
    %get3A_3 = vector.shape_cast %get3A_2 : vector<1x128x128xf32> to vector<128x128xf32>
    %get3A_4 = arith.constant 1 : index
    %get3A_5 = arith.constant 0 : index
    %get3A_6 = arith.constant 0 : index
    %get3A_7 = vector.load %arg2[%get3A_4, %get3A_5, %get3A_6] : memref<2x128x128xf32, #tpu.memory_space<vmem>>, vector<1x128x128xf32>
    %get3A_8 = vector.shape_cast %get3A_7 : vector<1x128x128xf32> to vector<128x128xf32>
    %add3A = arith.addf %get3A_3, %get3A_8 : vector<128x128xf32>
    %reshape3A = vector.shape_cast %add3A : vector<128x128xf32> to vector<16384xf32>
    %slice3A = vector.extract_strided_slice %reshape3A {offsets = [0], sizes = [10112], strides = [1]} : vector<16384xf32> to vector<10112xf32>
    %gt3A = arith.constant 0.000000e+00 : f32
    %gt3A_9 = vector.broadcast %gt3A : f32 to vector<10112xf32>
    %gt3A_10 = arith.cmpf ogt, %slice3A, %gt3A_9 : vector<10112xf32>
    %max3A = arith.constant 9.99999996E-13 : f32
    %max3A_11 = vector.broadcast %max3A : f32 to vector<10112xf32>
    %max3A_12 = arith.maximumf %slice3A, %max3A_11 : vector<10112xf32>
    %rsqrt3A = math.rsqrt %max3A_12 : vector<10112xf32>
    %jit3A = arith.constant 0.000000e+00 : f32
    %broadcast_in_dim3A = vector.broadcast %jit3A : f32 to vector<10112xf32>
    %select_n3A = arith.select %gt3A_10, %rsqrt3A, %broadcast_in_dim3A : vector<10112xi1>, vector<10112xf32>
    %get3A_13 = arith.constant 0 : index
    %get3A_14 = arith.constant 0 : index
    %get3A_15 = arith.constant 0 : index
    %get3A_16 = vector.load %arg1[%get3A_13, %get3A_14, %get3A_15] : memref<2x10112x128xf32, #tpu.memory_space<vmem>>, vector<1x10112x128xf32>
    %get3A_17 = vector.shape_cast %get3A_16 : vector<1x10112x128xf32> to vector<10112x128xf32>
    %get3A_18 = arith.constant 1 : index
    %get3A_19 = arith.constant 0 : index
    %get3A_20 = arith.constant 0 : index
    %get3A_21 = vector.load %arg1[%get3A_18, %get3A_19, %get3A_20] : memref<2x10112x128xf32, #tpu.memory_space<vmem>>, vector<1x10112x128xf32>
    %get3A_22 = vector.shape_cast %get3A_21 : vector<1x10112x128xf32> to vector<10112x128xf32>
    %add3A_23 = arith.addf %get3A_17, %get3A_22 : vector<10112x128xf32>
    %broadcast_in_dim3A_24 = vector.shape_cast %select_n3A : vector<10112xf32> to vector<10112x1xf32>
    %mul3A = vector.broadcast %broadcast_in_dim3A_24 : vector<10112x1xf32> to vector<10112x128xf32>
    %mul3A_25 = arith.mulf %add3A_23, %mul3A : vector<10112x128xf32>
    %get3A_26 = arith.constant 0 : index
    %get3A_27 = arith.constant 0 : index
    %get3A_28 = vector.load %arg3[%get3A_26, %get3A_27] : memref<1x128xf32, #tpu.memory_space<vmem>>, vector<1x128xf32>
    %add3A_29 = vector.broadcast %get3A_28 : vector<1x128xf32> to vector<10112x128xf32>
    %add3A_30 = arith.addf %mul3A_25, %add3A_29 : vector<10112x128xf32>
    %max3A_31 = arith.constant 0.000000e+00 : f32
    %max3A_32 = vector.broadcast %max3A_31 : f32 to vector<10112x128xf32>
    %max3A_33 = arith.maximumf %add3A_30, %max3A_32 : vector<10112x128xf32>
    %broadcast_in_dim3A_34 = vector.shape_cast %select_n3A : vector<10112xf32> to vector<10112x1xf32>
    %mul3A_35 = vector.broadcast %broadcast_in_dim3A_34 : vector<10112x1xf32> to vector<10112x128xf32>
    %mul3A_36 = arith.mulf %max3A_33, %mul3A_35 : vector<10112x128xf32>
    %swap3A = arith.constant 0 : index
    %swap3A_37 = arith.constant 0 : index
    %swap3A_38 = vector.load %arg4[%swap3A, %swap3A_37] : memref<10112x128xf32, #tpu.memory_space<vmem>>, vector<10112x128xf32>
    tpu.vector_store %arg4[%swap3A, %swap3A_37], %mul3A_36 {strides = array<i32>} : memref<10112x128xf32, #tpu.memory_space<vmem>>, vector<10112x128xf32>,
    return
  }
  func.func @transform_0(%arg0: i32) -> (i32, i32, i32) {
    %c0_i32 = arith.constant 0 : i32
    %c0_i32_0 = arith.constant 0 : i32
    %c0_i32_1 = arith.constant 0 : i32
    %c0_i32_2 = arith.constant 0 : i32
    return %c0_i32, %c0_i32_0, %c0_i32_1 : i32, i32, i32
  }
  func.func @transform_1(%arg0: i32) -> (i32, i32, i32) {
    %c0_i32 = arith.constant 0 : i32
    %c0_i32_0 = arith.constant 0 : i32
    %c0_i32_1 = arith.constant 0 : i32
    %c0_i32_2 = arith.constant 0 : i32
    return %c0_i32, %c0_i32_0, %c0_i32_1 : i32, i32, i32
  }
  func.func @transform_2(%arg0: i32) -> (i32, i32) {
    %c0_i32 = arith.constant 0 : i32
    %c0_i32_0 = arith.constant 0 : i32
    %c0_i32_1 = arith.constant 0 : i32
    return %c0_i32, %c0_i32_0 : i32, i32
  }
  func.func @transform_3(%arg0: i32) -> (i32, i32) {
    %c0_i32 = arith.constant 0 : i32
    %c0_i32_0 = arith.constant 0 : i32
    %c0_i32_1 = arith.constant 0 : i32
    return %c0_i32, %c0_i32_0 : i32, i32
  }
}

module attributes {stable_mosaic.version = 14 : i64} {
  func.func @_final_mm_body(%arg0: i32, %arg1: memref<2x10112x128xf32, #tpu.memory_space<vmem>>, %arg2: memref<2x128x128xf32, #tpu.memory_space<vmem>>, %arg3: memref<128x128xf32, #tpu.memory_space<vmem>>, %arg4: memref<1x128xf32, #tpu.memory_space<vmem>>, %arg5: memref<10112x128xf32, #tpu.memory_space<vmem>>) attributes {dimension_semantics = [#tpu.dimension_semantics<arbitrary>], iteration_bounds = array<i64: 1>, scalar_prefetch = 0 : i64, scratch_operands = 0 : i64, tpu.core_type = #tpu.core_type<tc>, window_params = [{pipeline_mode = #tpu.pipeline_mode<synchronous>, transform_indices = @transform_0, window_bounds = array<i64: 2, 10112, 128>}, {pipeline_mode = #tpu.pipeline_mode<synchronous>, transform_indices = @transform_1, window_bounds = array<i64: 2, 128, 128>}, {pipeline_mode = #tpu.pipeline_mode<synchronous>, transform_indices = @transform_2, window_bounds = array<i64: 128, 128>}, {pipeline_mode = #tpu.pipeline_mode<synchronous>, transform_indices = @transform_3, window_bounds = array<i64: 1, 128>}, {pipeline_mode = #tpu.pipeline_mode<synchronous>, transform_indices = @transform_4, window_bounds = array<i64: 10112, 128>}]} {
    %get3A = arith.constant 0 : index
    %get3A_0 = arith.constant 0 : index
    %get3A_1 = arith.constant 0 : index
    %get3A_2 = vector.load %arg2[%get3A, %get3A_0, %get3A_1] : memref<2x128x128xf32, #tpu.memory_space<vmem>>, vector<1x128x128xf32>
    %get3A_3 = vector.shape_cast %get3A_2 : vector<1x128x128xf32> to vector<128x128xf32>
    %get3A_4 = arith.constant 1 : index
    %get3A_5 = arith.constant 0 : index
    %get3A_6 = arith.constant 0 : index
    %get3A_7 = vector.load %arg2[%get3A_4, %get3A_5, %get3A_6] : memref<2x128x128xf32, #tpu.memory_space<vmem>>, vector<1x128x128xf32>
    %get3A_8 = vector.shape_cast %get3A_7 : vector<1x128x128xf32> to vector<128x128xf32>
    %add3A = arith.addf %get3A_3, %get3A_8 : vector<128x128xf32>
    %reshape3A = vector.shape_cast %add3A : vector<128x128xf32> to vector<16384xf32>
    %slice3A = vector.extract_strided_slice %reshape3A {offsets = [0], sizes = [10112], strides = [1]} : vector<16384xf32> to vector<10112xf32>
    %gt3A = arith.constant 0.000000e+00 : f32
    %gt3A_9 = vector.broadcast %gt3A : f32 to vector<10112xf32>
    %gt3A_10 = arith.cmpf ogt, %slice3A, %gt3A_9 : vector<10112xf32>
    %max3A = arith.constant 9.99999996E-13 : f32
    %max3A_11 = vector.broadcast %max3A : f32 to vector<10112xf32>
    %max3A_12 = arith.maximumf %slice3A, %max3A_11 : vector<10112xf32>
    %rsqrt3A = math.rsqrt %max3A_12 : vector<10112xf32>
    %jit3A = arith.constant 0.000000e+00 : f32
    %broadcast_in_dim3A = vector.broadcast %jit3A : f32 to vector<10112xf32>
    %select_n3A = arith.select %gt3A_10, %rsqrt3A, %broadcast_in_dim3A : vector<10112xi1>, vector<10112xf32>
    %get3A_13 = arith.constant 0 : index
    %get3A_14 = arith.constant 0 : index
    %get3A_15 = arith.constant 0 : index
    %get3A_16 = vector.load %arg1[%get3A_13, %get3A_14, %get3A_15] : memref<2x10112x128xf32, #tpu.memory_space<vmem>>, vector<1x10112x128xf32>
    %get3A_17 = vector.shape_cast %get3A_16 : vector<1x10112x128xf32> to vector<10112x128xf32>
    %get3A_18 = arith.constant 1 : index
    %get3A_19 = arith.constant 0 : index
    %get3A_20 = arith.constant 0 : index
    %get3A_21 = vector.load %arg1[%get3A_18, %get3A_19, %get3A_20] : memref<2x10112x128xf32, #tpu.memory_space<vmem>>, vector<1x10112x128xf32>
    %get3A_22 = vector.shape_cast %get3A_21 : vector<1x10112x128xf32> to vector<10112x128xf32>
    %add3A_23 = arith.addf %get3A_17, %get3A_22 : vector<10112x128xf32>
    %broadcast_in_dim3A_24 = vector.shape_cast %select_n3A : vector<10112xf32> to vector<10112x1xf32>
    %mul3A = vector.broadcast %broadcast_in_dim3A_24 : vector<10112x1xf32> to vector<10112x128xf32>
    %mul3A_25 = arith.mulf %add3A_23, %mul3A : vector<10112x128xf32>
    %get3A_26 = arith.constant 0 : index
    %get3A_27 = arith.constant 0 : index
    %get3A_28 = vector.load %arg3[%get3A_26, %get3A_27] : memref<128x128xf32, #tpu.memory_space<vmem>>, vector<128x128xf32>
    %dot_general3A = arith.constant dense<0.000000e+00> : vector<10112x128xf32>
    %dot_general3A_29 = tpu.matmul %mul3A_25, %get3A_28, %dot_general3A {dimension_numbers = #tpu.dot_dimension_numbers<[1], [0], [0], [1], [0, 0, 1, 1], [], []>, transpose_lhs_hint = false} : vector<10112x128xf32>, vector<128x128xf32>, vector<10112x128xf32> -> vector<10112x128xf32>
    %get3A_30 = arith.constant 0 : index
    %get3A_31 = arith.constant 0 : index
    %get3A_32 = vector.load %arg4[%get3A_30, %get3A_31] : memref<1x128xf32, #tpu.memory_space<vmem>>, vector<1x128xf32>
    %add3A_33 = vector.broadcast %get3A_32 : vector<1x128xf32> to vector<10112x128xf32>
    %add3A_34 = arith.addf %dot_general3A_29, %add3A_33 : vector<10112x128xf32>
    %swap3A = arith.constant 0 : index
    %swap3A_35 = arith.constant 0 : index
    %swap3A_36 = vector.load %arg5[%swap3A, %swap3A_35] : memref<10112x128xf32, #tpu.memory_space<vmem>>, vector<10112x128xf32>
    tpu.vector_store %arg5[%swap3A, %swap3A_35], %add3A_34 {strides = array<i32>} : memref<10112x128xf32, #tpu.memory_space<vmem>>, vector<10112x128xf32>,
    return
  }
  func.func @transform_0(%arg0: i32) -> (i32, i32, i32) {
    %c0_i32 = arith.constant 0 : i32
    %c0_i32_0 = arith.constant 0 : i32
    %c0_i32_1 = arith.constant 0 : i32
    %c0_i32_2 = arith.constant 0 : i32
    return %c0_i32, %c0_i32_0, %c0_i32_1 : i32, i32, i32
  }
  func.func @transform_1(%arg0: i32) -> (i32, i32, i32) {
    %c0_i32 = arith.constant 0 : i32
    %c0_i32_0 = arith.constant 0 : i32
    %c0_i32_1 = arith.constant 0 : i32
    %c0_i32_2 = arith.constant 0 : i32
    return %c0_i32, %c0_i32_0, %c0_i32_1 : i32, i32, i32
  }
  func.func @transform_2(%arg0: i32) -> (i32, i32) {
    %c0_i32 = arith.constant 0 : i32
    %c0_i32_0 = arith.constant 0 : i32
    %c0_i32_1 = arith.constant 0 : i32
    return %c0_i32, %c0_i32_0 : i32, i32
  }
  func.func @transform_3(%arg0: i32) -> (i32, i32) {
    %c0_i32 = arith.constant 0 : i32
    %c0_i32_0 = arith.constant 0 : i32
    %c0_i32_1 = arith.constant 0 : i32
    return %c0_i32, %c0_i32_0 : i32, i32
  }
  func.func @transform_4(%arg0: i32) -> (i32, i32) {
    %c0_i32 = arith.constant 0 : i32
    %c0_i32_0 = arith.constant 0 : i32
    %c0_i32_1 = arith.constant 0 : i32
    return %c0_i32, %c0_i32_0 : i32, i32
  }
}

</mosaic_0001>

<sc_bundles>
// kernel: kernel.11.cloned.1.call-start
scs
__scs_entry_jumppad:
0x0: {  	(pc) =	sbr.rel $0x88, $3  }
0x1: {  	(tag) =	ssettag $0x0;
	lr =	simm.s32 $0x1  }
0x2: {  	[smem:$0x3F99] =	sst lr;
	_ =	strace $0xD0000000  }
0x3: {  	_ = 	snop  }
0x4: {  	_ = 	snop  }
0x5: {  	_ = 	snop  }
0x6: {  	_ = 	snop  }
0x7: {  	_ = 	snop  }
__scs_overlays_trampoline_lowered:
0x8: {  	[smem:$0x3FA8] =	sst s0  }
0x9: {  	[smem:$0x3FA9] =	sst s1  }
0xa: {  	[smem:$0x3FAA] =	sst s2  }
0xb: {  	[smem:$0x3FAB] =	sst s3  }
0xc: {  	[smem:$0x3FAC] =	sst s4  }
0xd: {  	[smem:$0x3FAD] =	sst s5  }
0xe: {  	[smem:$0x3FAE] =	sst s6  }
0xf: {  	[smem:$0x3FAF] =	sst s7  }
0x10: {  	[smem:$0x3FB0] =	sst s8  }
0x11: {  	[smem:$0x3FB1] =	sst s9;
	s0 =	simm.s32 @!p0 $0x0  }
0x12: {  	s1 =	sld [smem:$0x3F97];
	s0 =	simm.s32 @p0 $0x1  }
0x13: {  	[smem:$0x3FB2] =	sst s0;
	s0 =	simm.s32 @!p1 $0x0  }
0x14: {  	s2 =	sld [smem:$0x3F96];
	s0 =	simm.s32 @p1 $0x1  }
0x15: {  	[smem:$0x3FB3] =	sst s0;
	s0 =	simm.s32 @!p2 $0x0  }
0x16: {  	s3 =	sld [smem:$0x3FDB];
	s0 =	simm.s32 @p2 $0x1  }
0x17: {  	s4 =	simm.s32 $0x1BF5;
	[smem:$0x3FB5] =	sst s0  }
0x18: {  	s0 =	sld [smem:$0x3F98];
	_ =	swait.ge [sflag:s4], $0x0  }
0x19: {  	s7 =	sld [smem:$0x3F99]  }
0x1a: {  	s8 =	sadd.s32 $0xFFFFE003, lr  }
0x1b: {  	s9 =	sadd.s32 $0xFFFFFEF7, lr;
	s5 =	simm.s32 $0xFFFFFFFF;
	p2 =	slt.u32 s8, $0xFFFFF086  }
0x1c: {  	p1 =	slt.u32 s9, $0xF7A;
	s5 =	simm.s32 @!p2 $0x0  }
0x1d: {  	s5 =	simm.s32 @p1 $0x1;
	p0 =	seq.s32 s7, s2  }
0x1e: {  	s7 =	smul.u32 @!p0 $0xF7A, s2;
	p2 =	seq.s32 @!p0 s5, $0x0  }
0x1f: {  	s9 =	smul.u32 $0xF7A, s1;
	s8 =	simm.s32 @!p0 $0x1BF5;
	p2 =	por !p2, p0  }
0x20: {  	[sflag:s8] =	ssyncset.s32 @!p0 $0xFFFFF086;
	s6 =	sadd.s32 @!p0 s3, s7;
	s7 =	simm.s32 @!p0 $0x108  }
0x21: {  	s3 =	sadd.s32 s3, s9;
	s6 =	sadd.s32 @!p0 $0x88, s6;
	s7 =	simm.s32 @p2 $0x1082  }
0x22: {  	[simem:s7], [sflag:s8] =	dma.local @!p0 [hbm:s6], $0xF7A  }
0x23: {  	s9 =	sor.u32 $0xD0000000, s2;
	s6 =	simm.s32 $0x108;
	_ =	swait.ge @!p0 [sflag:s8], $0x0  }
0x24: {  	s3 =	sadd.s32 $0x88, s3;
	s6 =	simm.s32 @!p1 $0x1082;
	[sflag:s4] =	ssyncset.s32 $0xFFFFF086  }
0x25: {  	[simem:s6], [sflag:s4] =	dma.local [hbm:s3], $0xF7A  }
0x26: {  	[smem:$0x3F99] =	sst s1;
	(tag) =	ssettag s2;
	_ =	strace s9  }
0x27: {  	s1 =	sld [smem:$0x3FA9]  }
0x28: {  	s2 =	sld [smem:$0x3FAA]  }
0x29: {  	s4 =	sld [smem:$0x3FAC]  }
0x2a: {  	p0 =	seq.s32 s5, $0x0;
	s5 =	sld [smem:$0x3FAD]  }
0x2b: {  	s6 =	sld [smem:$0x3FAE]  }
0x2c: {  	s7 =	sld [smem:$0x3FAF]  }
0x2d: {  	s3 =	simm.s32 $0x108;
	s8 =	sld [smem:$0x3FB0]  }
0x2e: {  	s3 =	simm.s32 @!p0 $0x1082;
	s9 =	sld [smem:$0x3FB1]  }
0x2f: {  	lr =	sadd.s32 s0, s3;
	s0 =	sld [smem:$0x3FA8]  }
0x30: {  	s3 =	sld [smem:$0x3FAB]  }
0x31: {  	[smem:$0x3FB4] =	sst s10  }
0x32: {  	s10 =	sld [smem:$0x3FB2];
	_ =	sdelay $0x3  }
0x33: {  	p0 =	seq.s32 s10, $0x1;
	s10 =	sld [smem:$0x3FB4];
	_ =	sdelay $0x3  }
0x34: {  	[smem:$0x3FB4] =	sst s10  }
0x35: {  	s10 =	sld [smem:$0x3FB3];
	_ =	sdelay $0x3  }
0x36: {  	p1 =	seq.s32 s10, $0x1;
	s10 =	sld [smem:$0x3FB4];
	_ =	sdelay $0x3  }
0x37: {  	[smem:$0x3FB4] =	sst s10  }
0x38: {  	s10 =	sld [smem:$0x3FB5]  }
0x39: {  	_ = 	snop;
	(pc) =	sbr.ind lr, $3  }
0x3a: {  	_ = 	snop  }
0x3b: {  	_ = 	snop  }
0x3c: {  	p2 =	seq.s32 s10, $0x1;
	s10 =	sld [smem:$0x3FB4]  }
0x3d: {  	_ =	shalt  }
0x3e: {  	_ =	shalt  }
0x3f: {  	_ =	shalt  }
0x40: {  	_ =	shalt  }
0x41: {  	_ =	shalt  }
0x42: {  	_ =	shalt  }
0x43: {  	_ =	shalt  }
0x44: {  	_ =	shalt  }
0x45: {  	_ =	shalt  }
0x46: {  	_ =	shalt  }
0x47: {  	_ =	shalt  }
0x48: {  	_ =	shalt  }
0x49: {  	_ =	shalt  }
0x4a: {  	_ =	shalt  }
0x4b: {  	_ =	shalt  }
0x4c: {  	_ =	shalt  }
0x4d: {  	_ =	shalt  }
0x4e: {  	_ =	shalt  }
0x4f: {  	_ =	shalt  }
0x50: {  	_ =	shalt  }
0x51: {  	_ =	shalt  }
0x52: {  	_ =	shalt  }
0x53: {  	_ =	shalt  }
0x54: {  	_ =	shalt  }
0x55: {  	_ =	shalt  }
0x56: {  	_ =	shalt  }
0x57: {  	_ =	shalt  }
0x58: {  	_ =	shalt  }
0x59: {  	_ =	shalt  }
0x5a: {  	_ =	shalt  }
0x5b: {  	_ =	shalt  }
0x5c: {  	_ =	shalt  }
0x5d: {  	_ =	shalt  }
0x5e: {  	_ =	shalt  }
0x5f: {  	_ =	shalt  }
0x60: {  	_ =	shalt  }
0x61: {  	_ =	shalt  }
0x62: {  	_ =	shalt  }
0x63: {  	_ =	shalt  }
0x64: {  	_ =	shalt  }
0x65: {  	_ =	shalt  }
0x66: {  	_ =	shalt  }
0x67: {  	_ =	shalt  }
0x68: {  	_ =	shalt  }
0x69: {  	_ =	shalt  }
0x6a: {  	_ =	shalt  }
0x6b: {  	_ =	shalt  }
0x6c: {  	_ =	shalt  }
0x6d: {  	_ =	shalt  }
0x6e: {  	_ =	shalt  }
0x6f: {  	_ =	shalt  }
0x70: {  	_ =	shalt  }
0x71: {  	_ =	shalt  }
0x72: {  	_ =	shalt  }
0x73: {  	_ =	shalt  }
0x74: {  	_ =	shalt  }
0x75: {  	_ =	shalt  }
0x76: {  	_ =	shalt  }
0x77: {  	_ =	shalt  }
0x78: {  	_ =	shalt  }
0x79: {  	_ =	shalt  }
0x7a: {  	_ =	shalt  }
0x7b: {  	_ =	shalt  }
0x7c: {  	_ =	shalt  }
0x7d: {  	_ =	shalt  }
0x7e: {  	_ =	shalt  }
0x7f: {  	_ =	shalt  }
0x80: {  	_ =	shalt  }
0x81: {  	_ =	shalt  }
0x82: {  	_ =	shalt  }
0x83: {  	_ =	shalt  }
0x84: {  	_ =	shalt  }
0x85: {  	_ =	shalt  }
0x86: {  	_ =	shalt  }
0x87: {  	_ =	shalt  }
.Lfunc_end0:
.L_simem_size_0:
called_computation.1_lowered:
.L_overlay_start_0:
0x88: {  	s2 =	sld [smem:$0x3FD9]  }
0x89: {  	s3 =	sld [smem:$0x3FFE];
	_ =	sdelay $0x1  }
0x8a: {  	s1 =	srdreg.scid  }
0x8b: {  	s0 =	sand.u32 $0x1, s1  }
0x8c: {  	s14 =	sshll.u32 s0, $0xA;
	s2 =	sadd.s32 s3, s2  }
0x8d: {  	s2 =	sadd.s32 s2, s14  }
0x8e: {  	[smem:$0x3FC0] =	sst s2  }
0x8f: {  	_ = 	snop  }
0x90: {  	s2 =	sld [smem:$0x3FD0];
	_ =	sdelay $0x2  }
0x91: {  	s15 =	simm.s32 $0xA;
	s4 =	simm.s32 $0x10  }
0x92: {  	[smem:s4], [sflag:s15] =	dma.local [hbm:s2], $0x1  }
0x93: {  	_ =	swait.eq [sflag:s15], $0x1  }
0x94: {  	[sflag:s15] =	ssyncset.done $0x0  }
0x95: {  	[sflag:s15] =	ssyncadd.s32 $0xFFFFFFFF  }
0x96: {  	s16 =	sld [smem:$0x11];
	(tm) =	ssettm $0x1  }
0x97: {  	s17 =	sld [smem:$0x3FFB];
	_ =	sdelay $0x3  }
0x98: {  	_ =	strace s17  }
0x99: {  	s3 =	sld [smem:$0x3FFC];
	_ =	sdelay $0x3  }
0x9a: {  	_ =	strace s3  }
0x9b: {  	s3 =	sld [smem:$0x3FFD];
	_ =	sdelay $0x3  }
0x9c: {  	_ =	strace s3  }
0x9d: {  	_ =	strace $0x8FFFFFFF  }
0x9e: {  	s18 =	sld [smem:$0x3FDB];
	_ =	sdelay $0x1  }
0x9f: {  	s19 =	simm.s32 $_scs_section_size  }
0xa0: {  	s5 =	simm.s32 $_size__tile_overlayer_lowered;
	s6 =	simm.s32 $_tile_overlayer_lowered  }
0xa1: {  	s22 =	simm.s32 $0x1BFF;
	s21 =	sshll.u32 s6, $0x1;
	s3 =	sadd.s32 s19, s18  }
0xa2: {  	s7 =	simm.s32 $0x0;
	s20 =	sshll.u32 s5, $0x1;
	s5 =	sadd.s32 s21, s3  }
0xa3: {  	[timem:s7], [sflag:s22] =	dma.local [hbm:s5], s20  }
0xa4: {  	_ =	swait.ge [sflag:s22], s20  }
0xa5: {  	s4 =	ssub.s32 $0x0, s20;
	[sflag:s22] =	ssyncset.done $0x0  }
0xa6: {  	[sflag:s22] =	ssyncadd.s32 s4;
	_ =	sdelay $0x1  }
0xa7: {  	s23 =	simm.s32 $0x1B8B  }
0xa8: {  	_ =	swait.ge [sflag:s23], $0x1  }
0xa9: {  	[sflag:s23] =	ssyncset.done $0x0  }
0xaa: {  	s25 =	simm.s32 $0x1B8E;
	s24 =	sld [smem:$0x3FFE];
	[sflag:s23] =	ssyncadd.s32 $0xFFFFFFFF  }
0xab: {  	s26 =	simm.s32 $execute0_lowered;
	[smem:$0x3FD2] =	sst s25  }
0xac: {  	s5 =	sshll.u32 s26, $0x1;
	_ =	strace $0x80000049;
	[dreg:$0x1] =	wrdreg $0xFFFFFFFF  }
0xad: {  	s28 =	simm.s32 $_size_execute0_lowered;
	s3 =	sadd.s32 s3, s5;
	[dreg:$0x0] =	wrdreg $0x0  }
0xae: {  	s5 =	sshll.u32 s28, $0x1;
	[dreg:$0x2] =	wrdreg s3  }
0xaf: {  	[dreg:$0x3] =	wrdreg s5  }
0xb0: {  	[dreg:$0x4] =	wrdreg $0xC0  }
0xb1: {  	_ =	task [dreg:s7], $0x5FFFF  }
0xb2: {  	[dreg:$0x1] =	wrdreg $0xFFFFFFFF  }
0xb3: {  	[dreg:$0x0] =	wrdreg $0x60  }
0xb4: {  	[dreg:$0x2] =	wrdreg s24  }
0xb5: {  	[dreg:$0x3] =	wrdreg s16  }
0xb6: {  	[dreg:$0x4] =	wrdreg $0xAD800  }
0xb7: {  	[dreg:$0x5] =	wrdreg $0x9  }
0xb8: {  	_ =	task.clear_ibuf [dreg:s7], $0x6FFFF;
	_ =	strace $0x90000049  }
0xb9: {  	s29 =	simm.s32 $0x9;
	_ =	strace $0x8000004B  }
0xba: {  	_ =	swait.ge [sflag:s29], $0x1  }
0xbb: {  	[sflag:s29] =	ssyncadd.s32 $0xFFFFFFFF  }
0xbc: {  	_ =	strace $0x9000004B  }
0xbd: {  	_ =	sfence  }
0xbe: {  	s30 =	sld [smem:$0x0];
	_ =	sdelay $0x2  }
0xbf: {  	s31 =	sshll.u32 s1, $0xD;
	s1 =	sshrl.u32 s1, $0x2  }
0xc0: {  	s3 =	sand.u32 $0x4000, s31;
	s1 =	sadd.s32 s1, s30  }
0xc1: {  	s0 =	sor.u32 s3, s0;
	s1 =	sshll.u32 s1, $0x11  }
0xc2: {  	s0 =	sor.u32 s1, s0  }
0xc3: {  	s0 =	sadd.s32 $0x8F2B, s0  }
0xc4: {  	[sflag:s0] =	ssyncadd.remote.s32 $0x1  }
0xc5: {  	_ =	sfence.sel $0xFFFF  }
0xc6: {  	[dreg:$0x0] =	wrdreg $0xFFFFFFFF;
	(pc) =	sbr.abs _section_cstart, $3  }
0xc7: {  	[dreg:$0x1] =	wrdreg $0xFFFFFFFF  }
0xc8: {  	_ =	task.clear_ibuf [dreg:s7], $0x2FFFF;
	_ =	strace $0x9FFFFFFF  }
0xc9: {  	(tm) =	ssettm $0x7FFFFFFF  }
tec
execute0_lowered:
.L_overlay_start_1:
0x0: {  	(tag) =	ssettag $0x1  }
0x1: {  	s5 =	rddreg [dreg:$0x0]  }
0x2: {  	s6 =	rddreg [dreg:$0x1]  }
0x3: {  	s1 =	rddreg [dreg:$0x2];
	s2 =	srdreg.scid  }
0x4: {  	s0 =	rddreg [dreg:$0x3];
	s3 =	simm.s32 $0x0;
	s13 =	simm.s32 $0x3  }
0x5: {  	s14 =	simm.s32 $0x2D80;
	s15 =	simm.s32 $0x1;
	s16 =	simm.s32 $0x80  }
0x6: {  	s17 =	simm.s32 $0x2C00;
	s18 =	simm.s32 $0x2C80;
	s19 =	simm.s32 $0x6D80  }
0x7: {  	s20 =	simm.s32 $0x2D00;
	s7 =	sand.u32 $0x1, s2;
	s2 =	stileid.u32  }
0x8: {  	s21 =	simm.s32 $0x2;
	[smem:$0x7FF] =	sst s3;
	s4 =	smul.u32 $0x13C000, s7  }
0x9: {  	s24 =	simm.s32 $0x0;
	s8 =	smul.u32 $0x13C00, s2;
	_ =	strace $0x8000004A  }
0xa: {  	s9 =	sshll.u32 s7, $0x4;
	s10 =	smul.u32 $0x4F000, s2;
	s7 =	ssub.s32 $0x2, s7  }
0xb: {  	s22 =	sshll.u32 s2, $0x6;
	s9 =	sor.u32 s2, s9;
	s31 =	sshrl.u32 s7, $0x1  }
0xc: {  	s22 =	sor.u32 $0x1C03, s22;
	s8 =	sadd.s32 s8, s4;
	s9 =	smul.u32 $0x580, s9  }
.Ltmp0:
0xd: {  	s4 =	sadd.s32 $0x2400, s5;
	s12 =	ssub.s32 s7, s31;
	(pc) =	sbr.rel .LBB2_1-.Ltmp0, $4  }
0xe: {  	s10 =	sshrl.u32 s10, $0x2;
	s8 =	sshrl.u32 s8, $0x3;
	s12 =	smax.u32 s12, $0x1  }
0xf: {  	s11 =	sadd.s32 s8, s5;
	s5 =	sadd.s32 s10, s1;
	s6 =	sadd.s32 s6, s9  }
0x10: {  	s7 =	sadd.s32 $0x4000, s5;
	s8 =	sadd.s32 $0x8000, s5;
	s9 =	sadd.s32 $0xC000, s5  }
0x11: {  	v0 =	vimm.f32 $0.0e+00;
	s10 =	sadd.s32 $0x10000, s5;
	s11 =	sadd.s32 $0x29C00, s11;
	s23 =	sshrl.u32 s5, $0x3  }
.LBB2_6:
0x12: {  	_ =	swait.ge [sflag:s15], $0x4000  }
0x13: {  	[sflag:s15] =	ssyncset.done $0x0  }
0x14: {  	[sflag:s15] =	ssyncadd.s32 $0xFFFFC000  }
0x15: {  	v1 =	vld [tilespmem:$0x2800]  }
0x16: {  	v2 =	vld [tilespmem:$0x2810]  }
0x17: {  	v3 =	vld [tilespmem:$0x2820]  }
0x18: {  	v4 =	vld [tilespmem:$0x2830]  }
0x19: {  	v5 =	vld [tilespmem:$0x2840]  }
0x1a: {  	v6 =	vld [tilespmem:$0x2850];
	v1 =	vshrl.u32 v1, $0x10  }
0x1b: {  	[tilespmem:$0x2D00] =	vst v1;
	v1 =	vshrl.u32 v2, $0x10;
	v2 =	vld [tilespmem:$0x2860]  }
0x1c: {  	[tilespmem:$0x2D10] =	vst v1;
	v1 =	vshrl.u32 v3, $0x10;
	v3 =	vld [tilespmem:$0x2870]  }
0x1d: {  	[tilespmem:$0x2D20] =	vst v1;
	v1 =	vshrl.u32 v4, $0x10  }
0x1e: {  	[tilespmem:$0x2D30] =	vst v1;
	v1 =	vshrl.u32 v5, $0x10  }
0x1f: {  	[tilespmem:$0x2D40] =	vst v1;
	v1 =	vshrl.u32 v6, $0x10  }
0x20: {  	[tilespmem:$0x2D50] =	vst v1;
	v1 =	vshrl.u32 v2, $0x10  }
0x21: {  	[tilespmem:$0x2D60] =	vst v1;
	v1 =	vshrl.u32 v3, $0x10  }
0x22: {  	[tilespmem:$0x2D70] =	vst v1  }
0x23: {  	[spmem:s1] =	stream.indirect.scatter.add.f32 [tilespmem:s14], [sflag:$0x3], $0x80, s20, s16, $0xb8;
	[tilespmem:$0x1E980] =	vst v63  }
0x24: {  	_ =	swait.ge [sflag:s13], $0x4000  }
0x25: {  	s24 =	sadd.s32 $0x1, s24;
	[sflag:s13] =	ssyncset.done $0x0  }
0x26: {  	p0 =	sne.s32 s24, s12;
	[sflag:s13] =	ssyncadd.s32 $0xFFFFC000  }
.Ltmp1:
0x27: {  	[bflag:$0x0] =	sbarrier.arrive $0xFFFF;
	(pc) =	sbr.rel @!p0 .LBB2_7-.Ltmp1, $4  }
0x28: {  	[hbm:s11], [sflag:s22] =	dma.local [spmem:s23], $0x2780  }
0x29: {  	_ =	swait.ge [sflag:s13], $0x2780  }
0x2a: {  	[sflag:s13] =	ssyncset.done $0x0  }
0x2b: {  	[sflag:s13] =	ssyncadd.s32 $0xFFFFD880  }
.LBB2_1:
0x2c: {  	[tilespmem:s3], [sflag:$0x3] =	stream.linear.gather [hbm4b:s6+s3], $0x2880, $0x38;
	[tilespmem:$0x1E980] =	vst v63  }
0x2d: {  	_ =	swait.ge [sflag:s13], $0x2880  }
0x2e: {  	[sflag:s13] =	ssyncset.done $0x0  }
0x2f: {  	s25 =	simm.s32 $0x0;
	s26 =	simm.s32 $0x200;
	[sflag:s13] =	ssyncadd.s32 $0xFFFFD780  }
.LBB2_2:
0x30: {  	p0 =	sne.s32 s26, $0xFE00;
	[tilespmem:s25+$0x2DF0] =	vst v0  }
0x31: {  	[tilespmem:s25+$0x2D80] =	vst v0  }
0x32: {  	[tilespmem:s25+$0x2D90] =	vst v0  }
.Ltmp2:
0x33: {  	[tilespmem:s25+$0x2DA0] =	vst v0;
	(pc) =	sbr.rel @p0 .LBB2_2-.Ltmp2, $4  }
0x34: {  	[tilespmem:s25+$0x2DB0] =	vst v0  }
0x35: {  	[tilespmem:s25+$0x2DC0] =	vst v0  }
0x36: {  	[tilespmem:s25+$0x2DD0] =	vst v0  }
0x37: {  	[tilespmem:s25+$0x2DE0] =	vst v0;
	s25 =	sshra.s32 s26, $0x2;
	s26 =	sadd.s32 $0x200, s26  }
0x38: {  	[tilespmem:s25+$0x2DF0] =	vst v0  }
0x39: {  	[tilespmem:s25+$0x2D80] =	vst v0  }
0x3a: {  	[tilespmem:s25+$0x2D90] =	vst v0  }
0x3b: {  	[tilespmem:s25+$0x2DA0] =	vst v0  }
0x3c: {  	[tilespmem:s25+$0x2DB0] =	vst v0  }
0x3d: {  	[tilespmem:s25+$0x2DC0] =	vst v0  }
0x3e: {  	[tilespmem:s25+$0x2DD0] =	vst v0  }
0x3f: {  	[tilespmem:s25+$0x2DE0] =	vst v0  }
0x40: {  	[spmem:s5] =	stream.linear.scatter [tilespmem:s14], [sflag:$0x1], $0x4000, $0x38;
	[tilespmem:$0x1E980] =	vst v63  }
0x41: {  	_ = 	snop  }
0x42: {  	[spmem:s7] =	stream.linear.scatter [tilespmem:s14], [sflag:$0x1], $0x4000, $0x38;
	[tilespmem:$0x1E980] =	vst v63  }
0x43: {  	_ = 	snop  }
0x44: {  	[spmem:s8] =	stream.linear.scatter [tilespmem:s14], [sflag:$0x1], $0x4000, $0x38;
	[tilespmem:$0x1E980] =	vst v63  }
0x45: {  	_ = 	snop  }
0x46: {  	[spmem:s9] =	stream.linear.scatter [tilespmem:s14], [sflag:$0x1], $0x4000, $0x38;
	[tilespmem:$0x1E980] =	vst v63  }
0x47: {  	_ = 	snop  }
0x48: {  	[spmem:s10] =	stream.linear.scatter [tilespmem:s14], [sflag:$0x1], $0x3C00, $0x38;
	[tilespmem:$0x1E980] =	vst v63  }
0x49: {  	_ =	swait.ge [sflag:s15], $0x4000  }
0x4a: {  	[sflag:s15] =	ssyncset.done $0x0  }
0x4b: {  	[sflag:s15] =	ssyncadd.s32 $0xFFFFC000  }
0x4c: {  	_ =	swait.ge [sflag:s15], $0x4000  }
0x4d: {  	[sflag:s15] =	ssyncset.done $0x0  }
0x4e: {  	[sflag:s15] =	ssyncadd.s32 $0xFFFFC000  }
0x4f: {  	_ =	swait.ge [sflag:s15], $0x4000  }
0x50: {  	[sflag:s15] =	ssyncset.done $0x0  }
0x51: {  	[sflag:s15] =	ssyncadd.s32 $0xFFFFC000  }
0x52: {  	_ =	swait.ge [sflag:s15], $0x4000  }
0x53: {  	[sflag:s15] =	ssyncset.done $0x0  }
0x54: {  	[sflag:s15] =	ssyncadd.s32 $0xFFFFC000  }
0x55: {  	_ =	swait.ge [sflag:s15], $0x3C00  }
0x56: {  	[sflag:s15] =	ssyncset.done $0x0  }
0x57: {  	[sflag:s15] =	ssyncadd.s32 $0xFFFFC400  }
0x58: {  	[bflag:$0x0] =	sbarrier.arrive $0xFFFF  }
0x59: {  	v1 =	vld [tilespmem:$0x0]  }
0x5a: {  	v2 =	vld [tilespmem:$0x10]  }
0x5b: {  	v3 =	vld [tilespmem:$0x20]  }
0x5c: {  	v4 =	vld [tilespmem:$0x30]  }
0x5d: {  	v5 =	vld [tilespmem:$0x40]  }
0x5e: {  	v6 =	vld [tilespmem:$0x50];
	v1 =	vand.u32 $0xFFFF, v1  }
0x5f: {  	[tilespmem:$0x2C00] =	vst v1;
	v1 =	vand.u32 $0xFFFF, v2;
	v2 =	vld [tilespmem:$0x60]  }
0x60: {  	[tilespmem:$0x2C10] =	vst v1;
	v1 =	vand.u32 $0xFFFF, v3;
	v3 =	vld [tilespmem:$0x70]  }
0x61: {  	[tilespmem:$0x2C20] =	vst v1;
	v1 =	vand.u32 $0xFFFF, v4  }
0x62: {  	[tilespmem:$0x2C30] =	vst v1;
	v1 =	vand.u32 $0xFFFF, v5  }
0x63: {  	[tilespmem:$0x2C40] =	vst v1;
	v1 =	vand.u32 $0xFFFF, v6  }
0x64: {  	[tilespmem:$0x2C50] =	vst v1;
	v1 =	vand.u32 $0xFFFF, v2  }
0x65: {  	[tilespmem:$0x2C60] =	vst v1;
	v1 =	vand.u32 $0xFFFF, v3  }
0x66: {  	[tilespmem:$0x2C70] =	vst v1  }
0x67: {  	[tilespmem:s14], [sflag:$0x1] =	stream.indirect.gather [hbm4b:s4+s16], $0x80, s17, s16, $0xb8;
	[tilespmem:$0x1E980] =	vst v63  }
0x68: {  	v1 =	vld [tilespmem:$0x80]  }
0x69: {  	v2 =	vld [tilespmem:$0x90]  }
0x6a: {  	v3 =	vld [tilespmem:$0xA0]  }
0x6b: {  	v61 =	vld [tilespmem:$0xB0]  }
0x6c: {  	v62 =	vld [tilespmem:$0xC0]  }
0x6d: {  	v63 =	vld [tilespmem:$0xD0];
	v1 =	vand.u32 $0xFFFF, v1  }
0x6e: {  	[tilespmem:$0x2C80] =	vst v1;
	v1 =	vand.u32 $0xFFFF, v2;
	v2 =	vld [tilespmem:$0xE0]  }
0x6f: {  	[tilespmem:$0x2C90] =	vst v1;
	v1 =	vand.u32 $0xFFFF, v3;
	v3 =	vld [tilespmem:$0xF0]  }
0x70: {  	[tilespmem:$0x2CA0] =	vst v1;
	v1 =	vand.u32 $0xFFFF, v61  }
0x71: {  	[tilespmem:$0x2CB0] =	vst v1;
	v1 =	vand.u32 $0xFFFF, v62  }
0x72: {  	[tilespmem:$0x2CC0] =	vst v1;
	v1 =	vand.u32 $0xFFFF, v63  }
0x73: {  	[tilespmem:$0x2CD0] =	vst v1;
	v1 =	vand.u32 $0xFFFF, v2  }
0x74: {  	[tilespmem:$0x2CE0] =	vst v1;
	v1 =	vand.u32 $0xFFFF, v3  }
0x75: {  	s25 =	simm.s32 $0x0;
	[tilespmem:$0x2CF0] =	vst v1  }
0x76: {  	[tilespmem:s19], [sflag:$0x2] =	stream.indirect.gather [hbm4b:s4+s16], $0x80, s18, s16, $0xb8;
	[tilespmem:$0x1E980] =	vst v63  }
.LBB2_4:
0x77: {  	_ =	swait.ge [sflag:s15], $0x4000  }
0x78: {  	[sflag:s15] =	ssyncset.done $0x0  }
0x79: {  	s26 =	sshra.s32 s25, $0x2;
	[sflag:s15] =	ssyncadd.s32 $0xFFFFC000  }
0x7a: {  	v1 =	vld [tilespmem:s26+$0x0];
	_ =	sdelay $0x4  }
0x7b: {  	v1 =	vshrl.u32 v1, $0x10  }
0x7c: {  	[tilespmem:$0x2D00] =	vst v1  }
0x7d: {  	v1 =	vld [tilespmem:s26+$0x10];
	_ =	sdelay $0x4  }
0x7e: {  	v1 =	vshrl.u32 v1, $0x10  }
0x7f: {  	[tilespmem:$0x2D10] =	vst v1  }
0x80: {  	v1 =	vld [tilespmem:s26+$0x20];
	_ =	sdelay $0x4  }
0x81: {  	v1 =	vshrl.u32 v1, $0x10  }
0x82: {  	[tilespmem:$0x2D20] =	vst v1  }
0x83: {  	v1 =	vld [tilespmem:s26+$0x30];
	_ =	sdelay $0x4  }
0x84: {  	v1 =	vshrl.u32 v1, $0x10  }
0x85: {  	[tilespmem:$0x2D30] =	vst v1  }
0x86: {  	v1 =	vld [tilespmem:s26+$0x40];
	_ =	sdelay $0x4  }
0x87: {  	v1 =	vshrl.u32 v1, $0x10  }
0x88: {  	[tilespmem:$0x2D40] =	vst v1  }
0x89: {  	v1 =	vld [tilespmem:s26+$0x50];
	_ =	sdelay $0x4  }
0x8a: {  	v1 =	vshrl.u32 v1, $0x10  }
0x8b: {  	[tilespmem:$0x2D50] =	vst v1  }
0x8c: {  	v1 =	vld [tilespmem:s26+$0x60];
	_ =	sdelay $0x4  }
0x8d: {  	v1 =	vshrl.u32 v1, $0x10  }
0x8e: {  	[tilespmem:$0x2D60] =	vst v1  }
0x8f: {  	v1 =	vld [tilespmem:s26+$0x70];
	_ =	sdelay $0x4  }
0x90: {  	v1 =	vshrl.u32 v1, $0x10  }
0x91: {  	[tilespmem:$0x2D70] =	vst v1  }
0x92: {  	[spmem:s1] =	stream.indirect.scatter.add.f32 [tilespmem:s14], [sflag:$0x3], $0x80, s20, s16, $0xb8;
	[tilespmem:$0x1E980] =	vst v63  }
0x93: {  	_ =	swait.ge [sflag:s13], $0x4000  }
0x94: {  	[sflag:s13] =	ssyncset.done $0x0  }
0x95: {  	[sflag:s13] =	ssyncadd.s32 $0xFFFFC000  }
0x96: {  	v1 =	vld [tilespmem:s26+$0x100];
	_ =	sdelay $0x4  }
0x97: {  	v1 =	vand.u32 $0xFFFF, v1  }
0x98: {  	[tilespmem:$0x2C00] =	vst v1  }
0x99: {  	v1 =	vld [tilespmem:s26+$0x110];
	_ =	sdelay $0x4  }
0x9a: {  	v1 =	vand.u32 $0xFFFF, v1  }
0x9b: {  	[tilespmem:$0x2C10] =	vst v1  }
0x9c: {  	v1 =	vld [tilespmem:s26+$0x120];
	_ =	sdelay $0x4  }
0x9d: {  	v1 =	vand.u32 $0xFFFF, v1  }
0x9e: {  	[tilespmem:$0x2C20] =	vst v1  }
0x9f: {  	v1 =	vld [tilespmem:s26+$0x130];
	_ =	sdelay $0x4  }
0xa0: {  	v1 =	vand.u32 $0xFFFF, v1  }
0xa1: {  	[tilespmem:$0x2C30] =	vst v1  }
0xa2: {  	v1 =	vld [tilespmem:s26+$0x140];
	_ =	sdelay $0x4  }
0xa3: {  	v1 =	vand.u32 $0xFFFF, v1  }
0xa4: {  	[tilespmem:$0x2C40] =	vst v1  }
0xa5: {  	v1 =	vld [tilespmem:s26+$0x150];
	_ =	sdelay $0x4  }
0xa6: {  	v1 =	vand.u32 $0xFFFF, v1  }
0xa7: {  	[tilespmem:$0x2C50] =	vst v1  }
0xa8: {  	v1 =	vld [tilespmem:s26+$0x160];
	_ =	sdelay $0x4  }
0xa9: {  	v1 =	vand.u32 $0xFFFF, v1  }
0xaa: {  	[tilespmem:$0x2C60] =	vst v1  }
0xab: {  	v1 =	vld [tilespmem:s26+$0x170];
	_ =	sdelay $0x4  }
0xac: {  	v1 =	vand.u32 $0xFFFF, v1  }
0xad: {  	[tilespmem:$0x2C70] =	vst v1  }
0xae: {  	[tilespmem:s14], [sflag:$0x1] =	stream.indirect.gather [hbm4b:s4+s16], $0x80, s17, s16, $0xb8;
	[tilespmem:$0x1E980] =	vst v63  }
0xaf: {  	_ =	swait.ge [sflag:s21], $0x4000  }
0xb0: {  	[sflag:s21] =	ssyncset.done $0x0  }
0xb1: {  	[sflag:s21] =	ssyncadd.s32 $0xFFFFC000  }
0xb2: {  	v1 =	vld [tilespmem:s26+$0x80];
	_ =	sdelay $0x4  }
0xb3: {  	v1 =	vshrl.u32 v1, $0x10  }
0xb4: {  	[tilespmem:$0x2D00] =	vst v1  }
0xb5: {  	v1 =	vld [tilespmem:s26+$0x90];
	_ =	sdelay $0x4  }
0xb6: {  	v1 =	vshrl.u32 v1, $0x10  }
0xb7: {  	[tilespmem:$0x2D10] =	vst v1  }
0xb8: {  	v1 =	vld [tilespmem:s26+$0xA0];
	_ =	sdelay $0x4  }
0xb9: {  	v1 =	vshrl.u32 v1, $0x10  }
0xba: {  	[tilespmem:$0x2D20] =	vst v1  }
0xbb: {  	v1 =	vld [tilespmem:s26+$0xB0];
	_ =	sdelay $0x4  }
0xbc: {  	v1 =	vshrl.u32 v1, $0x10  }
0xbd: {  	[tilespmem:$0x2D30] =	vst v1  }
0xbe: {  	v1 =	vld [tilespmem:s26+$0xC0];
	_ =	sdelay $0x4  }
0xbf: {  	v1 =	vshrl.u32 v1, $0x10  }
0xc0: {  	[tilespmem:$0x2D40] =	vst v1  }
0xc1: {  	v1 =	vld [tilespmem:s26+$0xD0];
	_ =	sdelay $0x4  }
0xc2: {  	v1 =	vshrl.u32 v1, $0x10  }
0xc3: {  	[tilespmem:$0x2D50] =	vst v1  }
0xc4: {  	v1 =	vld [tilespmem:s26+$0xE0];
	_ =	sdelay $0x4  }
0xc5: {  	v1 =	vshrl.u32 v1, $0x10  }
0xc6: {  	[tilespmem:$0x2D60] =	vst v1  }
0xc7: {  	v1 =	vld [tilespmem:s26+$0xF0];
	_ =	sdelay $0x4  }
0xc8: {  	p0 =	seq.s32 s25, $0x9C00;
	v1 =	vshrl.u32 v1, $0x10  }
.Ltmp3:
0xc9: {  	[tilespmem:$0x2D70] =	vst v1;
	(pc) =	sbr.rel @p0 .LBB2_6-.Ltmp3, $4  }
0xca: {  	[spmem:s1] =	stream.indirect.scatter.add.f32 [tilespmem:s19], [sflag:$0x3], $0x80, s20, s16, $0xb8;
	[tilespmem:$0x1E980] =	vst v63  }
0xcb: {  	_ =	swait.ge [sflag:s13], $0x4000  }
0xcc: {  	[sflag:s13] =	ssyncset.done $0x0  }
0xcd: {  	[sflag:s13] =	ssyncadd.s32 $0xFFFFC000  }
0xce: {  	v1 =	vld [tilespmem:s26+$0x180];
	_ =	sdelay $0x4  }
0xcf: {  	v1 =	vand.u32 $0xFFFF, v1  }
0xd0: {  	[tilespmem:$0x2C80] =	vst v1  }
0xd1: {  	v1 =	vld [tilespmem:s26+$0x190];
	_ =	sdelay $0x4  }
0xd2: {  	v1 =	vand.u32 $0xFFFF, v1  }
0xd3: {  	[tilespmem:$0x2C90] =	vst v1  }
0xd4: {  	v1 =	vld [tilespmem:s26+$0x1A0];
	_ =	sdelay $0x4  }
0xd5: {  	v1 =	vand.u32 $0xFFFF, v1  }
0xd6: {  	[tilespmem:$0x2CA0] =	vst v1  }
0xd7: {  	v1 =	vld [tilespmem:s26+$0x1B0];
	_ =	sdelay $0x4  }
0xd8: {  	v1 =	vand.u32 $0xFFFF, v1  }
0xd9: {  	[tilespmem:$0x2CB0] =	vst v1  }
0xda: {  	v1 =	vld [tilespmem:s26+$0x1C0];
	_ =	sdelay $0x4  }
0xdb: {  	v1 =	vand.u32 $0xFFFF, v1  }
0xdc: {  	[tilespmem:$0x2CC0] =	vst v1  }
0xdd: {  	v1 =	vld [tilespmem:s26+$0x1D0];
	_ =	sdelay $0x4  }
0xde: {  	v1 =	vand.u32 $0xFFFF, v1  }
0xdf: {  	[tilespmem:$0x2CD0] =	vst v1  }
0xe0: {  	v1 =	vld [tilespmem:s26+$0x1E0];
	_ =	sdelay $0x4  }
0xe1: {  	v1 =	vand.u32 $0xFFFF, v1  }
0xe2: {  	[tilespmem:$0x2CE0] =	vst v1  }
0xe3: {  	v1 =	vld [tilespmem:s26+$0x1F0];
	_ =	sdelay $0x2  }
.Ltmp4:
0xe4: {  	_ = 	snop;
	(pc) =	sbr.rel .LBB2_4-.Ltmp4, $4  }
0xe5: {  	_ = 	snop  }
0xe6: {  	v1 =	vand.u32 $0xFFFF, v1  }
0xe7: {  	s25 =	sadd.s32 $0x400, s25;
	[tilespmem:$0x2CF0] =	vst v1  }
0xe8: {  	[tilespmem:s19], [sflag:$0x2] =	stream.indirect.gather [hbm4b:s4+s16], $0x80, s18, s16, $0xb8;
	[tilespmem:$0x1E980] =	vst v63  }
.LBB2_7:
0xe9: {  	_ =	sfence.sel $0x180000  }
0xea: {  	[bflag:$0x0] =	sbarrier.arrive $0xFFFF  }
0xeb: {  	p0 =	sne.s32 s2, $0x0;
	_ =	strace $0x9000004A  }
0xec: {  	s0 =	sadd.s32 @!p0 $0x100000, s0;
	[bflag:$0x2] =	sbarrier.arrive $0xFFFF  }
0xed: {  	[sflag:s0] =	ssyncadd.tile.s32 @!p0 $0x1;
	_ =	shalt  }
.Lfunc_end2:
_tile_overlayer_lowered:
.L_overlay_start_2:
0xee: {  	(tag) =	ssettag $0x2  }
0xef: {  	s0 =	rddreg [dreg:$0x0];
	s2 =	stileid.u32  }
0xf0: {  	s1 =	rddreg [dreg:$0x1];
	p0 =	sne.s32 s2, $0x0  }
0xf1: {  	s3 =	rddreg [dreg:$0x2];
	[bflag:$0x3] =	sbarrier.arrive $0xFFFF;
	s2 =	simm.s32 @!p0 $0x1C03  }
0xf2: {  	[timem:s3], [sflag:s2] =	dma.local @!p0 [hbm:s0], s1  }
0xf3: {  	s0 =	simm.s32 @!p0 $0x3  }
0xf4: {  	_ =	swait.ge @!p0 [sflag:s0], s1  }
0xf5: {  	s1 =	ssub.s32 @!p0 $0x0, s1;
	[sflag:s0] =	ssyncset.done @!p0 $0x0  }
0xf6: {  	[sflag:s0] =	ssyncadd.s32 @!p0 s1  }
0xf7: {  	[bflag:$0x3] =	sbarrier.arrive $0xFFFF  }
0xf8: {  	_ =	shalt  }

// kernel: kernel.14.cloned.1.call-start
scs
__scs_entry_jumppad:
0x0: {  	(pc) =	sbr.rel $0x88, $3  }
0x1: {  	(tag) =	ssettag $0x0;
	lr =	simm.s32 $0x1  }
0x2: {  	[smem:$0x3F99] =	sst lr;
	_ =	strace $0xD0000000  }
0x3: {  	_ = 	snop  }
0x4: {  	_ = 	snop  }
0x5: {  	_ = 	snop  }
0x6: {  	_ = 	snop  }
0x7: {  	_ = 	snop  }
__scs_overlays_trampoline_lowered:
0x8: {  	[smem:$0x3FA8] =	sst s0  }
0x9: {  	[smem:$0x3FA9] =	sst s1  }
0xa: {  	[smem:$0x3FAA] =	sst s2  }
0xb: {  	[smem:$0x3FAB] =	sst s3  }
0xc: {  	[smem:$0x3FAC] =	sst s4  }
0xd: {  	[smem:$0x3FAD] =	sst s5  }
0xe: {  	[smem:$0x3FAE] =	sst s6  }
0xf: {  	[smem:$0x3FAF] =	sst s7  }
0x10: {  	[smem:$0x3FB0] =	sst s8  }
0x11: {  	[smem:$0x3FB1] =	sst s9;
	s0 =	simm.s32 @!p0 $0x0  }
0x12: {  	s1 =	sld [smem:$0x3F97];
	s0 =	simm.s32 @p0 $0x1  }
0x13: {  	[smem:$0x3FB2] =	sst s0;
	s0 =	simm.s32 @!p1 $0x0  }
0x14: {  	s2 =	sld [smem:$0x3F96];
	s0 =	simm.s32 @p1 $0x1  }
0x15: {  	[smem:$0x3FB3] =	sst s0;
	s0 =	simm.s32 @!p2 $0x0  }
0x16: {  	s3 =	sld [smem:$0x3FDB];
	s0 =	simm.s32 @p2 $0x1  }
0x17: {  	s4 =	simm.s32 $0x1BF5;
	[smem:$0x3FB5] =	sst s0  }
0x18: {  	s0 =	sld [smem:$0x3F98];
	_ =	swait.ge [sflag:s4], $0x0  }
0x19: {  	s7 =	sld [smem:$0x3F99]  }
0x1a: {  	s8 =	sadd.s32 $0xFFFFE003, lr  }
0x1b: {  	s9 =	sadd.s32 $0xFFFFFEF7, lr;
	s5 =	simm.s32 $0xFFFFFFFF;
	p2 =	slt.u32 s8, $0xFFFFF086  }
0x1c: {  	p1 =	slt.u32 s9, $0xF7A;
	s5 =	simm.s32 @!p2 $0x0  }
0x1d: {  	s5 =	simm.s32 @p1 $0x1;
	p0 =	seq.s32 s7, s2  }
0x1e: {  	s7 =	smul.u32 @!p0 $0xF7A, s2;
	p2 =	seq.s32 @!p0 s5, $0x0  }
0x1f: {  	s9 =	smul.u32 $0xF7A, s1;
	s8 =	simm.s32 @!p0 $0x1BF5;
	p2 =	por !p2, p0  }
0x20: {  	[sflag:s8] =	ssyncset.s32 @!p0 $0xFFFFF086;
	s6 =	sadd.s32 @!p0 s3, s7;
	s7 =	simm.s32 @!p0 $0x108  }
0x21: {  	s3 =	sadd.s32 s3, s9;
	s6 =	sadd.s32 @!p0 $0x88, s6;
	s7 =	simm.s32 @p2 $0x1082  }
0x22: {  	[simem:s7], [sflag:s8] =	dma.local @!p0 [hbm:s6], $0xF7A  }
0x23: {  	s9 =	sor.u32 $0xD0000000, s2;
	s6 =	simm.s32 $0x108;
	_ =	swait.ge @!p0 [sflag:s8], $0x0  }
0x24: {  	s3 =	sadd.s32 $0x88, s3;
	s6 =	simm.s32 @!p1 $0x1082;
	[sflag:s4] =	ssyncset.s32 $0xFFFFF086  }
0x25: {  	[simem:s6], [sflag:s4] =	dma.local [hbm:s3], $0xF7A  }
0x26: {  	[smem:$0x3F99] =	sst s1;
	(tag) =	ssettag s2;
	_ =	strace s9  }
0x27: {  	s1 =	sld [smem:$0x3FA9]  }
0x28: {  	s2 =	sld [smem:$0x3FAA]  }
0x29: {  	s4 =	sld [smem:$0x3FAC]  }
0x2a: {  	p0 =	seq.s32 s5, $0x0;
	s5 =	sld [smem:$0x3FAD]  }
0x2b: {  	s6 =	sld [smem:$0x3FAE]  }
0x2c: {  	s7 =	sld [smem:$0x3FAF]  }
0x2d: {  	s3 =	simm.s32 $0x108;
	s8 =	sld [smem:$0x3FB0]  }
0x2e: {  	s3 =	simm.s32 @!p0 $0x1082;
	s9 =	sld [smem:$0x3FB1]  }
0x2f: {  	lr =	sadd.s32 s0, s3;
	s0 =	sld [smem:$0x3FA8]  }
0x30: {  	s3 =	sld [smem:$0x3FAB]  }
0x31: {  	[smem:$0x3FB4] =	sst s10  }
0x32: {  	s10 =	sld [smem:$0x3FB2];
	_ =	sdelay $0x3  }
0x33: {  	p0 =	seq.s32 s10, $0x1;
	s10 =	sld [smem:$0x3FB4];
	_ =	sdelay $0x3  }
0x34: {  	[smem:$0x3FB4] =	sst s10  }
0x35: {  	s10 =	sld [smem:$0x3FB3];
	_ =	sdelay $0x3  }
0x36: {  	p1 =	seq.s32 s10, $0x1;
	s10 =	sld [smem:$0x3FB4];
	_ =	sdelay $0x3  }
0x37: {  	[smem:$0x3FB4] =	sst s10  }
0x38: {  	s10 =	sld [smem:$0x3FB5]  }
0x39: {  	_ = 	snop;
	(pc) =	sbr.ind lr, $3  }
0x3a: {  	_ = 	snop  }
0x3b: {  	_ = 	snop  }
0x3c: {  	p2 =	seq.s32 s10, $0x1;
	s10 =	sld [smem:$0x3FB4]  }
0x3d: {  	_ =	shalt  }
0x3e: {  	_ =	shalt  }
0x3f: {  	_ =	shalt  }
0x40: {  	_ =	shalt  }
0x41: {  	_ =	shalt  }
0x42: {  	_ =	shalt  }
0x43: {  	_ =	shalt  }
0x44: {  	_ =	shalt  }
0x45: {  	_ =	shalt  }
0x46: {  	_ =	shalt  }
0x47: {  	_ =	shalt  }
0x48: {  	_ =	shalt  }
0x49: {  	_ =	shalt  }
0x4a: {  	_ =	shalt  }
0x4b: {  	_ =	shalt  }
0x4c: {  	_ =	shalt  }
0x4d: {  	_ =	shalt  }
0x4e: {  	_ =	shalt  }
0x4f: {  	_ =	shalt  }
0x50: {  	_ =	shalt  }
0x51: {  	_ =	shalt  }
0x52: {  	_ =	shalt  }
0x53: {  	_ =	shalt  }
0x54: {  	_ =	shalt  }
0x55: {  	_ =	shalt  }
0x56: {  	_ =	shalt  }
0x57: {  	_ =	shalt  }
0x58: {  	_ =	shalt  }
0x59: {  	_ =	shalt  }
0x5a: {  	_ =	shalt  }
0x5b: {  	_ =	shalt  }
0x5c: {  	_ =	shalt  }
0x5d: {  	_ =	shalt  }
0x5e: {  	_ =	shalt  }
0x5f: {  	_ =	shalt  }
0x60: {  	_ =	shalt  }
0x61: {  	_ =	shalt  }
0x62: {  	_ =	shalt  }
0x63: {  	_ =	shalt  }
0x64: {  	_ =	shalt  }
0x65: {  	_ =	shalt  }
0x66: {  	_ =	shalt  }
0x67: {  	_ =	shalt  }
0x68: {  	_ =	shalt  }
0x69: {  	_ =	shalt  }
0x6a: {  	_ =	shalt  }
0x6b: {  	_ =	shalt  }
0x6c: {  	_ =	shalt  }
0x6d: {  	_ =	shalt  }
0x6e: {  	_ =	shalt  }
0x6f: {  	_ =	shalt  }
0x70: {  	_ =	shalt  }
0x71: {  	_ =	shalt  }
0x72: {  	_ =	shalt  }
0x73: {  	_ =	shalt  }
0x74: {  	_ =	shalt  }
0x75: {  	_ =	shalt  }
0x76: {  	_ =	shalt  }
0x77: {  	_ =	shalt  }
0x78: {  	_ =	shalt  }
0x79: {  	_ =	shalt  }
0x7a: {  	_ =	shalt  }
0x7b: {  	_ =	shalt  }
0x7c: {  	_ =	shalt  }
0x7d: {  	_ =	shalt  }
0x7e: {  	_ =	shalt  }
0x7f: {  	_ =	shalt  }
0x80: {  	_ =	shalt  }
0x81: {  	_ =	shalt  }
0x82: {  	_ =	shalt  }
0x83: {  	_ =	shalt  }
0x84: {  	_ =	shalt  }
0x85: {  	_ =	shalt  }
0x86: {  	_ =	shalt  }
0x87: {  	_ =	shalt  }
.Lfunc_end0:
.L_simem_size_0:
called_computation.2_lowered:
.L_overlay_start_0:
0x88: {  	s2 =	sld [smem:$0x3FD9]  }
0x89: {  	s3 =	sld [smem:$0x3FFE];
	_ =	sdelay $0x1  }
0x8a: {  	s1 =	srdreg.scid  }
0x8b: {  	s0 =	sand.u32 $0x1, s1  }
0x8c: {  	s14 =	sshll.u32 s0, $0xA;
	s2 =	sadd.s32 s3, s2  }
0x8d: {  	s2 =	sadd.s32 s2, s14  }
0x8e: {  	[smem:$0x3FC0] =	sst s2  }
0x8f: {  	_ = 	snop  }
0x90: {  	s2 =	sld [smem:$0x3FD0];
	_ =	sdelay $0x2  }
0x91: {  	s15 =	simm.s32 $0xA;
	s4 =	simm.s32 $0x10  }
0x92: {  	[smem:s4], [sflag:s15] =	dma.local [hbm:s2], $0x1  }
0x93: {  	_ =	swait.eq [sflag:s15], $0x1  }
0x94: {  	[sflag:s15] =	ssyncset.done $0x0  }
0x95: {  	[sflag:s15] =	ssyncadd.s32 $0xFFFFFFFF  }
0x96: {  	s16 =	sld [smem:$0x11];
	(tm) =	ssettm $0x1  }
0x97: {  	s17 =	sld [smem:$0x3FFB];
	_ =	sdelay $0x3  }
0x98: {  	_ =	strace s17  }
0x99: {  	s3 =	sld [smem:$0x3FFC];
	_ =	sdelay $0x3  }
0x9a: {  	_ =	strace s3  }
0x9b: {  	s3 =	sld [smem:$0x3FFD];
	_ =	sdelay $0x3  }
0x9c: {  	_ =	strace s3  }
0x9d: {  	_ =	strace $0x8FFFFFFF  }
0x9e: {  	s18 =	sld [smem:$0x3FDB];
	_ =	sdelay $0x1  }
0x9f: {  	s19 =	simm.s32 $_scs_section_size  }
0xa0: {  	s5 =	simm.s32 $_size__tile_overlayer_lowered;
	s6 =	simm.s32 $_tile_overlayer_lowered  }
0xa1: {  	s22 =	simm.s32 $0x1BFF;
	s21 =	sshll.u32 s6, $0x1;
	s3 =	sadd.s32 s19, s18  }
0xa2: {  	s7 =	simm.s32 $0x0;
	s20 =	sshll.u32 s5, $0x1;
	s5 =	sadd.s32 s21, s3  }
0xa3: {  	[timem:s7], [sflag:s22] =	dma.local [hbm:s5], s20  }
0xa4: {  	_ =	swait.ge [sflag:s22], s20  }
0xa5: {  	s4 =	ssub.s32 $0x0, s20;
	[sflag:s22] =	ssyncset.done $0x0  }
0xa6: {  	[sflag:s22] =	ssyncadd.s32 s4;
	_ =	sdelay $0x1  }
0xa7: {  	s23 =	simm.s32 $0x1B8B  }
0xa8: {  	_ =	swait.ge [sflag:s23], $0x1  }
0xa9: {  	[sflag:s23] =	ssyncset.done $0x0  }
0xaa: {  	s25 =	simm.s32 $0x1B8E;
	s24 =	sld [smem:$0x3FFE];
	[sflag:s23] =	ssyncadd.s32 $0xFFFFFFFF  }
0xab: {  	s26 =	simm.s32 $execute0_lowered;
	[smem:$0x3FD2] =	sst s25  }
0xac: {  	s5 =	sshll.u32 s26, $0x1;
	_ =	strace $0x8000004C;
	[dreg:$0x1] =	wrdreg $0xFFFFFFFF  }
0xad: {  	s28 =	simm.s32 $_size_execute0_lowered;
	s3 =	sadd.s32 s3, s5;
	[dreg:$0x0] =	wrdreg $0x0  }
0xae: {  	s5 =	sshll.u32 s28, $0x1;
	[dreg:$0x2] =	wrdreg s3  }
0xaf: {  	[dreg:$0x3] =	wrdreg s5  }
0xb0: {  	[dreg:$0x4] =	wrdreg $0xC0  }
0xb1: {  	_ =	task [dreg:s7], $0x5FFFF  }
0xb2: {  	[dreg:$0x1] =	wrdreg $0xFFFFFFFF  }
0xb3: {  	[dreg:$0x0] =	wrdreg $0x60  }
0xb4: {  	[dreg:$0x2] =	wrdreg s24  }
0xb5: {  	[dreg:$0x3] =	wrdreg s16  }
0xb6: {  	[dreg:$0x4] =	wrdreg $0xAD800  }
0xb7: {  	[dreg:$0x5] =	wrdreg $0x9  }
0xb8: {  	_ =	task.clear_ibuf [dreg:s7], $0x6FFFF;
	_ =	strace $0x9000004C  }
0xb9: {  	s29 =	simm.s32 $0x9;
	_ =	strace $0x8000004E  }
0xba: {  	_ =	swait.ge [sflag:s29], $0x1  }
0xbb: {  	[sflag:s29] =	ssyncadd.s32 $0xFFFFFFFF  }
0xbc: {  	_ =	strace $0x9000004E  }
0xbd: {  	_ =	sfence  }
0xbe: {  	s30 =	sld [smem:$0x0];
	_ =	sdelay $0x2  }
0xbf: {  	s31 =	sshll.u32 s1, $0xD;
	s1 =	sshrl.u32 s1, $0x2  }
0xc0: {  	s3 =	sand.u32 $0x4000, s31;
	s1 =	sadd.s32 s1, s30  }
0xc1: {  	s0 =	sor.u32 s3, s0;
	s1 =	sshll.u32 s1, $0x11  }
0xc2: {  	s0 =	sor.u32 s1, s0  }
0xc3: {  	s0 =	sadd.s32 $0x8F2B, s0  }
0xc4: {  	[sflag:s0] =	ssyncadd.remote.s32 $0x1  }
0xc5: {  	_ =	sfence.sel $0xFFFF  }
0xc6: {  	[dreg:$0x0] =	wrdreg $0xFFFFFFFF;
	(pc) =	sbr.abs _section_cstart, $3  }
0xc7: {  	[dreg:$0x1] =	wrdreg $0xFFFFFFFF  }
0xc8: {  	_ =	task.clear_ibuf [dreg:s7], $0x2FFFF;
	_ =	strace $0x9FFFFFFF  }
0xc9: {  	(tm) =	ssettm $0x7FFFFFFF  }
tec
execute0_lowered:
.L_overlay_start_1:
0x0: {  	(tag) =	ssettag $0x1  }
0x1: {  	s5 =	rddreg [dreg:$0x0]  }
0x2: {  	s6 =	rddreg [dreg:$0x1]  }
0x3: {  	s1 =	rddreg [dreg:$0x2];
	s2 =	srdreg.scid  }
0x4: {  	s0 =	rddreg [dreg:$0x3];
	s3 =	simm.s32 $0x0;
	s13 =	simm.s32 $0x3  }
0x5: {  	s14 =	simm.s32 $0x2D80;
	s15 =	simm.s32 $0x1;
	s16 =	simm.s32 $0x80  }
0x6: {  	s17 =	simm.s32 $0x2C00;
	s18 =	simm.s32 $0x2C80;
	s19 =	simm.s32 $0x6D80  }
0x7: {  	s20 =	simm.s32 $0x2D00;
	s7 =	sand.u32 $0x1, s2;
	s2 =	stileid.u32  }
0x8: {  	s21 =	simm.s32 $0x2;
	[smem:$0x7FF] =	sst s3;
	s4 =	smul.u32 $0x13C000, s7  }
0x9: {  	s24 =	simm.s32 $0x0;
	s8 =	smul.u32 $0x13C00, s2;
	_ =	strace $0x8000004D  }
0xa: {  	s9 =	sshll.u32 s7, $0x4;
	s10 =	smul.u32 $0x4F000, s2;
	s7 =	ssub.s32 $0x2, s7  }
0xb: {  	s22 =	sshll.u32 s2, $0x6;
	s9 =	sor.u32 s2, s9;
	s31 =	sshrl.u32 s7, $0x1  }
0xc: {  	s22 =	sor.u32 $0x1C03, s22;
	s8 =	sadd.s32 s8, s4;
	s9 =	smul.u32 $0x580, s9  }
.Ltmp0:
0xd: {  	s4 =	sadd.s32 $0x2400, s5;
	s12 =	ssub.s32 s7, s31;
	(pc) =	sbr.rel .LBB2_1-.Ltmp0, $4  }
0xe: {  	s10 =	sshrl.u32 s10, $0x2;
	s8 =	sshrl.u32 s8, $0x3;
	s12 =	smax.u32 s12, $0x1  }
0xf: {  	s11 =	sadd.s32 s8, s5;
	s5 =	sadd.s32 s10, s1;
	s6 =	sadd.s32 s6, s9  }
0x10: {  	s7 =	sadd.s32 $0x4000, s5;
	s8 =	sadd.s32 $0x8000, s5;
	s9 =	sadd.s32 $0xC000, s5  }
0x11: {  	v0 =	vimm.f32 $0.0e+00;
	s10 =	sadd.s32 $0x10000, s5;
	s11 =	sadd.s32 $0x29C00, s11;
	s23 =	sshrl.u32 s5, $0x3  }
.LBB2_6:
0x12: {  	_ =	swait.ge [sflag:s15], $0x4000  }
0x13: {  	[sflag:s15] =	ssyncset.done $0x0  }
0x14: {  	[sflag:s15] =	ssyncadd.s32 $0xFFFFC000  }
0x15: {  	v1 =	vld [tilespmem:$0x2800]  }
0x16: {  	v2 =	vld [tilespmem:$0x2810]  }
0x17: {  	v3 =	vld [tilespmem:$0x2820]  }
0x18: {  	v4 =	vld [tilespmem:$0x2830]  }
0x19: {  	v5 =	vld [tilespmem:$0x2840]  }
0x1a: {  	v6 =	vld [tilespmem:$0x2850];
	v1 =	vshrl.u32 v1, $0x10  }
0x1b: {  	[tilespmem:$0x2D00] =	vst v1;
	v1 =	vshrl.u32 v2, $0x10;
	v2 =	vld [tilespmem:$0x2860]  }
0x1c: {  	[tilespmem:$0x2D10] =	vst v1;
	v1 =	vshrl.u32 v3, $0x10;
	v3 =	vld [tilespmem:$0x2870]  }
0x1d: {  	[tilespmem:$0x2D20] =	vst v1;
	v1 =	vshrl.u32 v4, $0x10  }
0x1e: {  	[tilespmem:$0x2D30] =	vst v1;
	v1 =	vshrl.u32 v5, $0x10  }
0x1f: {  	[tilespmem:$0x2D40] =	vst v1;
	v1 =	vshrl.u32 v6, $0x10  }
0x20: {  	[tilespmem:$0x2D50] =	vst v1;
	v1 =	vshrl.u32 v2, $0x10  }
0x21: {  	[tilespmem:$0x2D60] =	vst v1;
	v1 =	vshrl.u32 v3, $0x10  }
0x22: {  	[tilespmem:$0x2D70] =	vst v1  }
0x23: {  	[spmem:s1] =	stream.indirect.scatter.add.f32 [tilespmem:s14], [sflag:$0x3], $0x80, s20, s16, $0xb8;
	[tilespmem:$0x1E980] =	vst v63  }
0x24: {  	_ =	swait.ge [sflag:s13], $0x4000  }
0x25: {  	s24 =	sadd.s32 $0x1, s24;
	[sflag:s13] =	ssyncset.done $0x0  }
0x26: {  	p0 =	sne.s32 s24, s12;
	[sflag:s13] =	ssyncadd.s32 $0xFFFFC000  }
.Ltmp1:
0x27: {  	[bflag:$0x0] =	sbarrier.arrive $0xFFFF;
	(pc) =	sbr.rel @!p0 .LBB2_7-.Ltmp1, $4  }
0x28: {  	[hbm:s11], [sflag:s22] =	dma.local [spmem:s23], $0x2780  }
0x29: {  	_ =	swait.ge [sflag:s13], $0x2780  }
0x2a: {  	[sflag:s13] =	ssyncset.done $0x0  }
0x2b: {  	[sflag:s13] =	ssyncadd.s32 $0xFFFFD880  }
.LBB2_1:
0x2c: {  	[tilespmem:s3], [sflag:$0x3] =	stream.linear.gather [hbm4b:s6+s3], $0x2880, $0x38;
	[tilespmem:$0x1E980] =	vst v63  }
0x2d: {  	_ =	swait.ge [sflag:s13], $0x2880  }
0x2e: {  	[sflag:s13] =	ssyncset.done $0x0  }
0x2f: {  	s25 =	simm.s32 $0x0;
	s26 =	simm.s32 $0x200;
	[sflag:s13] =	ssyncadd.s32 $0xFFFFD780  }
.LBB2_2:
0x30: {  	p0 =	sne.s32 s26, $0xFE00;
	[tilespmem:s25+$0x2DF0] =	vst v0  }
0x31: {  	[tilespmem:s25+$0x2D80] =	vst v0  }
0x32: {  	[tilespmem:s25+$0x2D90] =	vst v0  }
.Ltmp2:
0x33: {  	[tilespmem:s25+$0x2DA0] =	vst v0;
	(pc) =	sbr.rel @p0 .LBB2_2-.Ltmp2, $4  }
0x34: {  	[tilespmem:s25+$0x2DB0] =	vst v0  }
0x35: {  	[tilespmem:s25+$0x2DC0] =	vst v0  }
0x36: {  	[tilespmem:s25+$0x2DD0] =	vst v0  }
0x37: {  	[tilespmem:s25+$0x2DE0] =	vst v0;
	s25 =	sshra.s32 s26, $0x2;
	s26 =	sadd.s32 $0x200, s26  }
0x38: {  	[tilespmem:s25+$0x2DF0] =	vst v0  }
0x39: {  	[tilespmem:s25+$0x2D80] =	vst v0  }
0x3a: {  	[tilespmem:s25+$0x2D90] =	vst v0  }
0x3b: {  	[tilespmem:s25+$0x2DA0] =	vst v0  }
0x3c: {  	[tilespmem:s25+$0x2DB0] =	vst v0  }
0x3d: {  	[tilespmem:s25+$0x2DC0] =	vst v0  }
0x3e: {  	[tilespmem:s25+$0x2DD0] =	vst v0  }
0x3f: {  	[tilespmem:s25+$0x2DE0] =	vst v0  }
0x40: {  	[spmem:s5] =	stream.linear.scatter [tilespmem:s14], [sflag:$0x1], $0x4000, $0x38;
	[tilespmem:$0x1E980] =	vst v63  }
0x41: {  	_ = 	snop  }
0x42: {  	[spmem:s7] =	stream.linear.scatter [tilespmem:s14], [sflag:$0x1], $0x4000, $0x38;
	[tilespmem:$0x1E980] =	vst v63  }
0x43: {  	_ = 	snop  }
0x44: {  	[spmem:s8] =	stream.linear.scatter [tilespmem:s14], [sflag:$0x1], $0x4000, $0x38;
	[tilespmem:$0x1E980] =	vst v63  }
0x45: {  	_ = 	snop  }
0x46: {  	[spmem:s9] =	stream.linear.scatter [tilespmem:s14], [sflag:$0x1], $0x4000, $0x38;
	[tilespmem:$0x1E980] =	vst v63  }
0x47: {  	_ = 	snop  }
0x48: {  	[spmem:s10] =	stream.linear.scatter [tilespmem:s14], [sflag:$0x1], $0x3C00, $0x38;
	[tilespmem:$0x1E980] =	vst v63  }
0x49: {  	_ =	swait.ge [sflag:s15], $0x4000  }
0x4a: {  	[sflag:s15] =	ssyncset.done $0x0  }
0x4b: {  	[sflag:s15] =	ssyncadd.s32 $0xFFFFC000  }
0x4c: {  	_ =	swait.ge [sflag:s15], $0x4000  }
0x4d: {  	[sflag:s15] =	ssyncset.done $0x0  }
0x4e: {  	[sflag:s15] =	ssyncadd.s32 $0xFFFFC000  }
0x4f: {  	_ =	swait.ge [sflag:s15], $0x4000  }
0x50: {  	[sflag:s15] =	ssyncset.done $0x0  }
0x51: {  	[sflag:s15] =	ssyncadd.s32 $0xFFFFC000  }
0x52: {  	_ =	swait.ge [sflag:s15], $0x4000  }
0x53: {  	[sflag:s15] =	ssyncset.done $0x0  }
0x54: {  	[sflag:s15] =	ssyncadd.s32 $0xFFFFC000  }
0x55: {  	_ =	swait.ge [sflag:s15], $0x3C00  }
0x56: {  	[sflag:s15] =	ssyncset.done $0x0  }
0x57: {  	[sflag:s15] =	ssyncadd.s32 $0xFFFFC400  }
0x58: {  	[bflag:$0x0] =	sbarrier.arrive $0xFFFF  }
0x59: {  	v1 =	vld [tilespmem:$0x0]  }
0x5a: {  	v2 =	vld [tilespmem:$0x10]  }
0x5b: {  	v3 =	vld [tilespmem:$0x20]  }
0x5c: {  	v4 =	vld [tilespmem:$0x30]  }
0x5d: {  	v5 =	vld [tilespmem:$0x40]  }
0x5e: {  	v6 =	vld [tilespmem:$0x50];
	v1 =	vand.u32 $0xFFFF, v1  }
0x5f: {  	[tilespmem:$0x2C00] =	vst v1;
	v1 =	vand.u32 $0xFFFF, v2;
	v2 =	vld [tilespmem:$0x60]  }
0x60: {  	[tilespmem:$0x2C10] =	vst v1;
	v1 =	vand.u32 $0xFFFF, v3;
	v3 =	vld [tilespmem:$0x70]  }
0x61: {  	[tilespmem:$0x2C20] =	vst v1;
	v1 =	vand.u32 $0xFFFF, v4  }
0x62: {  	[tilespmem:$0x2C30] =	vst v1;
	v1 =	vand.u32 $0xFFFF, v5  }
0x63: {  	[tilespmem:$0x2C40] =	vst v1;
	v1 =	vand.u32 $0xFFFF, v6  }
0x64: {  	[tilespmem:$0x2C50] =	vst v1;
	v1 =	vand.u32 $0xFFFF, v2  }
0x65: {  	[tilespmem:$0x2C60] =	vst v1;
	v1 =	vand.u32 $0xFFFF, v3  }
0x66: {  	[tilespmem:$0x2C70] =	vst v1  }
0x67: {  	[tilespmem:s14], [sflag:$0x1] =	stream.indirect.gather [hbm4b:s4+s16], $0x80, s17, s16, $0xb8;
	[tilespmem:$0x1E980] =	vst v63  }
0x68: {  	v1 =	vld [tilespmem:$0x80]  }
0x69: {  	v2 =	vld [tilespmem:$0x90]  }
0x6a: {  	v3 =	vld [tilespmem:$0xA0]  }
0x6b: {  	v61 =	vld [tilespmem:$0xB0]  }
0x6c: {  	v62 =	vld [tilespmem:$0xC0]  }
0x6d: {  	v63 =	vld [tilespmem:$0xD0];
	v1 =	vand.u32 $0xFFFF, v1  }
0x6e: {  	[tilespmem:$0x2C80] =	vst v1;
	v1 =	vand.u32 $0xFFFF, v2;
	v2 =	vld [tilespmem:$0xE0]  }
0x6f: {  	[tilespmem:$0x2C90] =	vst v1;
	v1 =	vand.u32 $0xFFFF, v3;
	v3 =	vld [tilespmem:$0xF0]  }
0x70: {  	[tilespmem:$0x2CA0] =	vst v1;
	v1 =	vand.u32 $0xFFFF, v61  }
0x71: {  	[tilespmem:$0x2CB0] =	vst v1;
	v1 =	vand.u32 $0xFFFF, v62  }
0x72: {  	[tilespmem:$0x2CC0] =	vst v1;
	v1 =	vand.u32 $0xFFFF, v63  }
0x73: {  	[tilespmem:$0x2CD0] =	vst v1;
	v1 =	vand.u32 $0xFFFF, v2  }
0x74: {  	[tilespmem:$0x2CE0] =	vst v1;
	v1 =	vand.u32 $0xFFFF, v3  }
0x75: {  	s25 =	simm.s32 $0x0;
	[tilespmem:$0x2CF0] =	vst v1  }
0x76: {  	[tilespmem:s19], [sflag:$0x2] =	stream.indirect.gather [hbm4b:s4+s16], $0x80, s18, s16, $0xb8;
	[tilespmem:$0x1E980] =	vst v63  }
.LBB2_4:
0x77: {  	_ =	swait.ge [sflag:s15], $0x4000  }
0x78: {  	[sflag:s15] =	ssyncset.done $0x0  }
0x79: {  	s26 =	sshra.s32 s25, $0x2;
	[sflag:s15] =	ssyncadd.s32 $0xFFFFC000  }
0x7a: {  	v1 =	vld [tilespmem:s26+$0x0];
	_ =	sdelay $0x4  }
0x7b: {  	v1 =	vshrl.u32 v1, $0x10  }
0x7c: {  	[tilespmem:$0x2D00] =	vst v1  }
0x7d: {  	v1 =	vld [tilespmem:s26+$0x10];
	_ =	sdelay $0x4  }
0x7e: {  	v1 =	vshrl.u32 v1, $0x10  }
0x7f: {  	[tilespmem:$0x2D10] =	vst v1  }
0x80: {  	v1 =	vld [tilespmem:s26+$0x20];
	_ =	sdelay $0x4  }
0x81: {  	v1 =	vshrl.u32 v1, $0x10  }
0x82: {  	[tilespmem:$0x2D20] =	vst v1  }
0x83: {  	v1 =	vld [tilespmem:s26+$0x30];
	_ =	sdelay $0x4  }
0x84: {  	v1 =	vshrl.u32 v1, $0x10  }
0x85: {  	[tilespmem:$0x2D30] =	vst v1  }
0x86: {  	v1 =	vld [tilespmem:s26+$0x40];
	_ =	sdelay $0x4  }
0x87: {  	v1 =	vshrl.u32 v1, $0x10  }
0x88: {  	[tilespmem:$0x2D40] =	vst v1  }
0x89: {  	v1 =	vld [tilespmem:s26+$0x50];
	_ =	sdelay $0x4  }
0x8a: {  	v1 =	vshrl.u32 v1, $0x10  }
0x8b: {  	[tilespmem:$0x2D50] =	vst v1  }
0x8c: {  	v1 =	vld [tilespmem:s26+$0x60];
	_ =	sdelay $0x4  }
0x8d: {  	v1 =	vshrl.u32 v1, $0x10  }
0x8e: {  	[tilespmem:$0x2D60] =	vst v1  }
0x8f: {  	v1 =	vld [tilespmem:s26+$0x70];
	_ =	sdelay $0x4  }
0x90: {  	v1 =	vshrl.u32 v1, $0x10  }
0x91: {  	[tilespmem:$0x2D70] =	vst v1  }
0x92: {  	[spmem:s1] =	stream.indirect.scatter.add.f32 [tilespmem:s14], [sflag:$0x3], $0x80, s20, s16, $0xb8;
	[tilespmem:$0x1E980] =	vst v63  }
0x93: {  	_ =	swait.ge [sflag:s13], $0x4000  }
0x94: {  	[sflag:s13] =	ssyncset.done $0x0  }
0x95: {  	[sflag:s13] =	ssyncadd.s32 $0xFFFFC000  }
0x96: {  	v1 =	vld [tilespmem:s26+$0x100];
	_ =	sdelay $0x4  }
0x97: {  	v1 =	vand.u32 $0xFFFF, v1  }
0x98: {  	[tilespmem:$0x2C00] =	vst v1  }
0x99: {  	v1 =	vld [tilespmem:s26+$0x110];
	_ =	sdelay $0x4  }
0x9a: {  	v1 =	vand.u32 $0xFFFF, v1  }
0x9b: {  	[tilespmem:$0x2C10] =	vst v1  }
0x9c: {  	v1 =	vld [tilespmem:s26+$0x120];
	_ =	sdelay $0x4  }
0x9d: {  	v1 =	vand.u32 $0xFFFF, v1  }
0x9e: {  	[tilespmem:$0x2C20] =	vst v1  }
0x9f: {  	v1 =	vld [tilespmem:s26+$0x130];
	_ =	sdelay $0x4  }
0xa0: {  	v1 =	vand.u32 $0xFFFF, v1  }
0xa1: {  	[tilespmem:$0x2C30] =	vst v1  }
0xa2: {  	v1 =	vld [tilespmem:s26+$0x140];
	_ =	sdelay $0x4  }
0xa3: {  	v1 =	vand.u32 $0xFFFF, v1  }
0xa4: {  	[tilespmem:$0x2C40] =	vst v1  }
0xa5: {  	v1 =	vld [tilespmem:s26+$0x150];
	_ =	sdelay $0x4  }
0xa6: {  	v1 =	vand.u32 $0xFFFF, v1  }
0xa7: {  	[tilespmem:$0x2C50] =	vst v1  }
0xa8: {  	v1 =	vld [tilespmem:s26+$0x160];
	_ =	sdelay $0x4  }
0xa9: {  	v1 =	vand.u32 $0xFFFF, v1  }
0xaa: {  	[tilespmem:$0x2C60] =	vst v1  }
0xab: {  	v1 =	vld [tilespmem:s26+$0x170];
	_ =	sdelay $0x4  }
0xac: {  	v1 =	vand.u32 $0xFFFF, v1  }
0xad: {  	[tilespmem:$0x2C70] =	vst v1  }
0xae: {  	[tilespmem:s14], [sflag:$0x1] =	stream.indirect.gather [hbm4b:s4+s16], $0x80, s17, s16, $0xb8;
	[tilespmem:$0x1E980] =	vst v63  }
0xaf: {  	_ =	swait.ge [sflag:s21], $0x4000  }
0xb0: {  	[sflag:s21] =	ssyncset.done $0x0  }
0xb1: {  	[sflag:s21] =	ssyncadd.s32 $0xFFFFC000  }
0xb2: {  	v1 =	vld [tilespmem:s26+$0x80];
	_ =	sdelay $0x4  }
0xb3: {  	v1 =	vshrl.u32 v1, $0x10  }
0xb4: {  	[tilespmem:$0x2D00] =	vst v1  }
0xb5: {  	v1 =	vld [tilespmem:s26+$0x90];
	_ =	sdelay $0x4  }
0xb6: {  	v1 =	vshrl.u32 v1, $0x10  }
0xb7: {  	[tilespmem:$0x2D10] =	vst v1  }
0xb8: {  	v1 =	vld [tilespmem:s26+$0xA0];
	_ =	sdelay $0x4  }
0xb9: {  	v1 =	vshrl.u32 v1, $0x10  }
0xba: {  	[tilespmem:$0x2D20] =	vst v1  }
0xbb: {  	v1 =	vld [tilespmem:s26+$0xB0];
	_ =	sdelay $0x4  }
0xbc: {  	v1 =	vshrl.u32 v1, $0x10  }
0xbd: {  	[tilespmem:$0x2D30] =	vst v1  }
0xbe: {  	v1 =	vld [tilespmem:s26+$0xC0];
	_ =	sdelay $0x4  }
0xbf: {  	v1 =	vshrl.u32 v1, $0x10  }
0xc0: {  	[tilespmem:$0x2D40] =	vst v1  }
0xc1: {  	v1 =	vld [tilespmem:s26+$0xD0];
	_ =	sdelay $0x4  }
0xc2: {  	v1 =	vshrl.u32 v1, $0x10  }
0xc3: {  	[tilespmem:$0x2D50] =	vst v1  }
0xc4: {  	v1 =	vld [tilespmem:s26+$0xE0];
	_ =	sdelay $0x4  }
0xc5: {  	v1 =	vshrl.u32 v1, $0x10  }
0xc6: {  	[tilespmem:$0x2D60] =	vst v1  }
0xc7: {  	v1 =	vld [tilespmem:s26+$0xF0];
	_ =	sdelay $0x4  }
0xc8: {  	p0 =	seq.s32 s25, $0x9C00;
	v1 =	vshrl.u32 v1, $0x10  }
.Ltmp3:
0xc9: {  	[tilespmem:$0x2D70] =	vst v1;
	(pc) =	sbr.rel @p0 .LBB2_6-.Ltmp3, $4  }
0xca: {  	[spmem:s1] =	stream.indirect.scatter.add.f32 [tilespmem:s19], [sflag:$0x3], $0x80, s20, s16, $0xb8;
	[tilespmem:$0x1E980] =	vst v63  }
0xcb: {  	_ =	swait.ge [sflag:s13], $0x4000  }
0xcc: {  	[sflag:s13] =	ssyncset.done $0x0  }
0xcd: {  	[sflag:s13] =	ssyncadd.s32 $0xFFFFC000  }
0xce: {  	v1 =	vld [tilespmem:s26+$0x180];
	_ =	sdelay $0x4  }
0xcf: {  	v1 =	vand.u32 $0xFFFF, v1  }
0xd0: {  	[tilespmem:$0x2C80] =	vst v1  }
0xd1: {  	v1 =	vld [tilespmem:s26+$0x190];
	_ =	sdelay $0x4  }
0xd2: {  	v1 =	vand.u32 $0xFFFF, v1  }
0xd3: {  	[tilespmem:$0x2C90] =	vst v1  }
0xd4: {  	v1 =	vld [tilespmem:s26+$0x1A0];
	_ =	sdelay $0x4  }
0xd5: {  	v1 =	vand.u32 $0xFFFF, v1  }
0xd6: {  	[tilespmem:$0x2CA0] =	vst v1  }
0xd7: {  	v1 =	vld [tilespmem:s26+$0x1B0];
	_ =	sdelay $0x4  }
0xd8: {  	v1 =	vand.u32 $0xFFFF, v1  }
0xd9: {  	[tilespmem:$0x2CB0] =	vst v1  }
0xda: {  	v1 =	vld [tilespmem:s26+$0x1C0];
	_ =	sdelay $0x4  }
0xdb: {  	v1 =	vand.u32 $0xFFFF, v1  }
0xdc: {  	[tilespmem:$0x2CC0] =	vst v1  }
0xdd: {  	v1 =	vld [tilespmem:s26+$0x1D0];
	_ =	sdelay $0x4  }
0xde: {  	v1 =	vand.u32 $0xFFFF, v1  }
0xdf: {  	[tilespmem:$0x2CD0] =	vst v1  }
0xe0: {  	v1 =	vld [tilespmem:s26+$0x1E0];
	_ =	sdelay $0x4  }
0xe1: {  	v1 =	vand.u32 $0xFFFF, v1  }
0xe2: {  	[tilespmem:$0x2CE0] =	vst v1  }
0xe3: {  	v1 =	vld [tilespmem:s26+$0x1F0];
	_ =	sdelay $0x2  }
.Ltmp4:
0xe4: {  	_ = 	snop;
	(pc) =	sbr.rel .LBB2_4-.Ltmp4, $4  }
0xe5: {  	_ = 	snop  }
0xe6: {  	v1 =	vand.u32 $0xFFFF, v1  }
0xe7: {  	s25 =	sadd.s32 $0x400, s25;
	[tilespmem:$0x2CF0] =	vst v1  }
0xe8: {  	[tilespmem:s19], [sflag:$0x2] =	stream.indirect.gather [hbm4b:s4+s16], $0x80, s18, s16, $0xb8;
	[tilespmem:$0x1E980] =	vst v63  }
.LBB2_7:
0xe9: {  	_ =	sfence.sel $0x180000  }
0xea: {  	[bflag:$0x0] =	sbarrier.arrive $0xFFFF  }
0xeb: {  	p0 =	sne.s32 s2, $0x0;
	_ =	strace $0x9000004D  }
0xec: {  	s0 =	sadd.s32 @!p0 $0x100000, s0;
	[bflag:$0x2] =	sbarrier.arrive $0xFFFF  }
0xed: {  	[sflag:s0] =	ssyncadd.tile.s32 @!p0 $0x1;
	_ =	shalt  }
.Lfunc_end2:
_tile_overlayer_lowered:
.L_overlay_start_2:
0xee: {  	(tag) =	ssettag $0x2  }
0xef: {  	s0 =	rddreg [dreg:$0x0];
	s2 =	stileid.u32  }
0xf0: {  	s1 =	rddreg [dreg:$0x1];
	p0 =	sne.s32 s2, $0x0  }
0xf1: {  	s3 =	rddreg [dreg:$0x2];
	[bflag:$0x3] =	sbarrier.arrive $0xFFFF;
	s2 =	simm.s32 @!p0 $0x1C03  }
0xf2: {  	[timem:s3], [sflag:s2] =	dma.local @!p0 [hbm:s0], s1  }
0xf3: {  	s0 =	simm.s32 @!p0 $0x3  }
0xf4: {  	_ =	swait.ge @!p0 [sflag:s0], s1  }
0xf5: {  	s1 =	ssub.s32 @!p0 $0x0, s1;
	[sflag:s0] =	ssyncset.done @!p0 $0x0  }
0xf6: {  	[sflag:s0] =	ssyncadd.s32 @!p0 s1  }
0xf7: {  	[bflag:$0x3] =	sbarrier.arrive $0xFFFF  }
0xf8: {  	_ =	shalt  }

// kernel: kernel.8.cloned.1.call-start
scs
__scs_entry_jumppad:
0x0: {  	(pc) =	sbr.rel $0x88, $3  }
0x1: {  	(tag) =	ssettag $0x0;
	lr =	simm.s32 $0x1  }
0x2: {  	[smem:$0x3F99] =	sst lr;
	_ =	strace $0xD0000000  }
0x3: {  	_ = 	snop  }
0x4: {  	_ = 	snop  }
0x5: {  	_ = 	snop  }
0x6: {  	_ = 	snop  }
0x7: {  	_ = 	snop  }
__scs_overlays_trampoline_lowered:
0x8: {  	[smem:$0x3FA8] =	sst s0  }
0x9: {  	[smem:$0x3FA9] =	sst s1  }
0xa: {  	[smem:$0x3FAA] =	sst s2  }
0xb: {  	[smem:$0x3FAB] =	sst s3  }
0xc: {  	[smem:$0x3FAC] =	sst s4  }
0xd: {  	[smem:$0x3FAD] =	sst s5  }
0xe: {  	[smem:$0x3FAE] =	sst s6  }
0xf: {  	[smem:$0x3FAF] =	sst s7  }
0x10: {  	[smem:$0x3FB0] =	sst s8  }
0x11: {  	[smem:$0x3FB1] =	sst s9;
	s0 =	simm.s32 @!p0 $0x0  }
0x12: {  	s1 =	sld [smem:$0x3F97];
	s0 =	simm.s32 @p0 $0x1  }
0x13: {  	[smem:$0x3FB2] =	sst s0;
	s0 =	simm.s32 @!p1 $0x0  }
0x14: {  	s2 =	sld [smem:$0x3F96];
	s0 =	simm.s32 @p1 $0x1  }
0x15: {  	[smem:$0x3FB3] =	sst s0;
	s0 =	simm.s32 @!p2 $0x0  }
0x16: {  	s3 =	sld [smem:$0x3FDB];
	s0 =	simm.s32 @p2 $0x1  }
0x17: {  	s4 =	simm.s32 $0x1BF5;
	[smem:$0x3FB5] =	sst s0  }
0x18: {  	s0 =	sld [smem:$0x3F98];
	_ =	swait.ge [sflag:s4], $0x0  }
0x19: {  	s7 =	sld [smem:$0x3F99]  }
0x1a: {  	s8 =	sadd.s32 $0xFFFFE003, lr  }
0x1b: {  	s9 =	sadd.s32 $0xFFFFFEF7, lr;
	s5 =	simm.s32 $0xFFFFFFFF;
	p2 =	slt.u32 s8, $0xFFFFF086  }
0x1c: {  	p1 =	slt.u32 s9, $0xF7A;
	s5 =	simm.s32 @!p2 $0x0  }
0x1d: {  	s5 =	simm.s32 @p1 $0x1;
	p0 =	seq.s32 s7, s2  }
0x1e: {  	s7 =	smul.u32 @!p0 $0xF7A, s2;
	p2 =	seq.s32 @!p0 s5, $0x0  }
0x1f: {  	s9 =	smul.u32 $0xF7A, s1;
	s8 =	simm.s32 @!p0 $0x1BF5;
	p2 =	por !p2, p0  }
0x20: {  	[sflag:s8] =	ssyncset.s32 @!p0 $0xFFFFF086;
	s6 =	sadd.s32 @!p0 s3, s7;
	s7 =	simm.s32 @!p0 $0x108  }
0x21: {  	s3 =	sadd.s32 s3, s9;
	s6 =	sadd.s32 @!p0 $0x88, s6;
	s7 =	simm.s32 @p2 $0x1082  }
0x22: {  	[simem:s7], [sflag:s8] =	dma.local @!p0 [hbm:s6], $0xF7A  }
0x23: {  	s9 =	sor.u32 $0xD0000000, s2;
	s6 =	simm.s32 $0x108;
	_ =	swait.ge @!p0 [sflag:s8], $0x0  }
0x24: {  	s3 =	sadd.s32 $0x88, s3;
	s6 =	simm.s32 @!p1 $0x1082;
	[sflag:s4] =	ssyncset.s32 $0xFFFFF086  }
0x25: {  	[simem:s6], [sflag:s4] =	dma.local [hbm:s3], $0xF7A  }
0x26: {  	[smem:$0x3F99] =	sst s1;
	(tag) =	ssettag s2;
	_ =	strace s9  }
0x27: {  	s1 =	sld [smem:$0x3FA9]  }
0x28: {  	s2 =	sld [smem:$0x3FAA]  }
0x29: {  	s4 =	sld [smem:$0x3FAC]  }
0x2a: {  	p0 =	seq.s32 s5, $0x0;
	s5 =	sld [smem:$0x3FAD]  }
0x2b: {  	s6 =	sld [smem:$0x3FAE]  }
0x2c: {  	s7 =	sld [smem:$0x3FAF]  }
0x2d: {  	s3 =	simm.s32 $0x108;
	s8 =	sld [smem:$0x3FB0]  }
0x2e: {  	s3 =	simm.s32 @!p0 $0x1082;
	s9 =	sld [smem:$0x3FB1]  }
0x2f: {  	lr =	sadd.s32 s0, s3;
	s0 =	sld [smem:$0x3FA8]  }
0x30: {  	s3 =	sld [smem:$0x3FAB]  }
0x31: {  	[smem:$0x3FB4] =	sst s10  }
0x32: {  	s10 =	sld [smem:$0x3FB2];
	_ =	sdelay $0x3  }
0x33: {  	p0 =	seq.s32 s10, $0x1;
	s10 =	sld [smem:$0x3FB4];
	_ =	sdelay $0x3  }
0x34: {  	[smem:$0x3FB4] =	sst s10  }
0x35: {  	s10 =	sld [smem:$0x3FB3];
	_ =	sdelay $0x3  }
0x36: {  	p1 =	seq.s32 s10, $0x1;
	s10 =	sld [smem:$0x3FB4];
	_ =	sdelay $0x3  }
0x37: {  	[smem:$0x3FB4] =	sst s10  }
0x38: {  	s10 =	sld [smem:$0x3FB5]  }
0x39: {  	_ = 	snop;
	(pc) =	sbr.ind lr, $3  }
0x3a: {  	_ = 	snop  }
0x3b: {  	_ = 	snop  }
0x3c: {  	p2 =	seq.s32 s10, $0x1;
	s10 =	sld [smem:$0x3FB4]  }
0x3d: {  	_ =	shalt  }
0x3e: {  	_ =	shalt  }
0x3f: {  	_ =	shalt  }
0x40: {  	_ =	shalt  }
0x41: {  	_ =	shalt  }
0x42: {  	_ =	shalt  }
0x43: {  	_ =	shalt  }
0x44: {  	_ =	shalt  }
0x45: {  	_ =	shalt  }
0x46: {  	_ =	shalt  }
0x47: {  	_ =	shalt  }
0x48: {  	_ =	shalt  }
0x49: {  	_ =	shalt  }
0x4a: {  	_ =	shalt  }
0x4b: {  	_ =	shalt  }
0x4c: {  	_ =	shalt  }
0x4d: {  	_ =	shalt  }
0x4e: {  	_ =	shalt  }
0x4f: {  	_ =	shalt  }
0x50: {  	_ =	shalt  }
0x51: {  	_ =	shalt  }
0x52: {  	_ =	shalt  }
0x53: {  	_ =	shalt  }
0x54: {  	_ =	shalt  }
0x55: {  	_ =	shalt  }
0x56: {  	_ =	shalt  }
0x57: {  	_ =	shalt  }
0x58: {  	_ =	shalt  }
0x59: {  	_ =	shalt  }
0x5a: {  	_ =	shalt  }
0x5b: {  	_ =	shalt  }
0x5c: {  	_ =	shalt  }
0x5d: {  	_ =	shalt  }
0x5e: {  	_ =	shalt  }
0x5f: {  	_ =	shalt  }
0x60: {  	_ =	shalt  }
0x61: {  	_ =	shalt  }
0x62: {  	_ =	shalt  }
0x63: {  	_ =	shalt  }
0x64: {  	_ =	shalt  }
0x65: {  	_ =	shalt  }
0x66: {  	_ =	shalt  }
0x67: {  	_ =	shalt  }
0x68: {  	_ =	shalt  }
0x69: {  	_ =	shalt  }
0x6a: {  	_ =	shalt  }
0x6b: {  	_ =	shalt  }
0x6c: {  	_ =	shalt  }
0x6d: {  	_ =	shalt  }
0x6e: {  	_ =	shalt  }
0x6f: {  	_ =	shalt  }
0x70: {  	_ =	shalt  }
0x71: {  	_ =	shalt  }
0x72: {  	_ =	shalt  }
0x73: {  	_ =	shalt  }
0x74: {  	_ =	shalt  }
0x75: {  	_ =	shalt  }
0x76: {  	_ =	shalt  }
0x77: {  	_ =	shalt  }
0x78: {  	_ =	shalt  }
0x79: {  	_ =	shalt  }
0x7a: {  	_ =	shalt  }
0x7b: {  	_ =	shalt  }
0x7c: {  	_ =	shalt  }
0x7d: {  	_ =	shalt  }
0x7e: {  	_ =	shalt  }
0x7f: {  	_ =	shalt  }
0x80: {  	_ =	shalt  }
0x81: {  	_ =	shalt  }
0x82: {  	_ =	shalt  }
0x83: {  	_ =	shalt  }
0x84: {  	_ =	shalt  }
0x85: {  	_ =	shalt  }
0x86: {  	_ =	shalt  }
0x87: {  	_ =	shalt  }
.Lfunc_end0:
.L_simem_size_0:
called_computation_lowered:
.L_overlay_start_0:
0x88: {  	s2 =	sld [smem:$0x3FD9]  }
0x89: {  	s3 =	sld [smem:$0x3FFE];
	_ =	sdelay $0x1  }
0x8a: {  	s1 =	srdreg.scid  }
0x8b: {  	s0 =	sand.u32 $0x1, s1  }
0x8c: {  	s15 =	sshll.u32 s0, $0xA;
	s2 =	sadd.s32 s3, s2  }
0x8d: {  	s2 =	sadd.s32 s2, s15  }
0x8e: {  	[smem:$0x3FC0] =	sst s2  }
0x8f: {  	_ = 	snop  }
0x90: {  	s2 =	sld [smem:$0x3FD0];
	_ =	sdelay $0x2  }
0x91: {  	s16 =	simm.s32 $0xA;
	s4 =	simm.s32 $0x10  }
0x92: {  	[smem:s4], [sflag:s16] =	dma.local [hbm:s2], $0x1  }
0x93: {  	_ =	swait.eq [sflag:s16], $0x1  }
0x94: {  	[sflag:s16] =	ssyncset.done $0x0  }
0x95: {  	s17 =	sld [smem:$0x10];
	[sflag:s16] =	ssyncadd.s32 $0xFFFFFFFF  }
0x96: {  	s18 =	sld [smem:$0x11];
	(tm) =	ssettm $0x1  }
0x97: {  	s19 =	sld [smem:$0x3FFB];
	_ =	sdelay $0x3  }
0x98: {  	_ =	strace s19  }
0x99: {  	s4 =	sld [smem:$0x3FFC];
	_ =	sdelay $0x3  }
0x9a: {  	_ =	strace s4  }
0x9b: {  	s4 =	sld [smem:$0x3FFD];
	_ =	sdelay $0x3  }
0x9c: {  	_ =	strace s4  }
0x9d: {  	_ =	strace $0x8FFFFFFF  }
0x9e: {  	s20 =	sld [smem:$0x3FDB];
	_ =	sdelay $0x1  }
0x9f: {  	s5 =	simm.s32 $_scs_section_size  }
0xa0: {  	s6 =	simm.s32 $_size__tile_overlayer_lowered;
	s7 =	simm.s32 $_tile_overlayer_lowered  }
0xa1: {  	s23 =	simm.s32 $0x1BFF;
	s22 =	sshll.u32 s7, $0x1;
	s4 =	sadd.s32 s5, s20  }
0xa2: {  	s8 =	simm.s32 $0x0;
	s21 =	sshll.u32 s6, $0x1;
	s6 =	sadd.s32 s22, s4  }
0xa3: {  	[timem:s8], [sflag:s23] =	dma.local [hbm:s6], s21  }
0xa4: {  	_ =	swait.ge [sflag:s23], s21  }
0xa5: {  	s5 =	ssub.s32 $0x0, s21;
	[sflag:s23] =	ssyncset.done $0x0  }
0xa6: {  	[sflag:s23] =	ssyncadd.s32 s5;
	_ =	sdelay $0x1  }
0xa7: {  	s24 =	simm.s32 $0x1B8B  }
0xa8: {  	_ =	swait.ge [sflag:s24], $0x1  }
0xa9: {  	[sflag:s24] =	ssyncset.done $0x0  }
0xaa: {  	s25 =	simm.s32 $0x1B8E;
	[sflag:s24] =	ssyncadd.s32 $0xFFFFFFFF  }
0xab: {  	s26 =	simm.s32 $execute0_lowered;
	[smem:$0x3FD2] =	sst s25  }
0xac: {  	s5 =	sshll.u32 s26, $0x1;
	_ =	strace $0x80000046;
	[dreg:$0x1] =	wrdreg $0xFFFFFFFF  }
0xad: {  	s28 =	simm.s32 $_size_execute0_lowered;
	s4 =	sadd.s32 s4, s5;
	[dreg:$0x0] =	wrdreg $0x0  }
0xae: {  	s5 =	sshll.u32 s28, $0x1;
	[dreg:$0x2] =	wrdreg s4  }
0xaf: {  	[dreg:$0x3] =	wrdreg s5  }
0xb0: {  	[dreg:$0x4] =	wrdreg $0xC0  }
0xb1: {  	_ =	task [dreg:s8], $0x5FFFF  }
0xb2: {  	[dreg:$0x1] =	wrdreg $0xFFFFFFFF  }
0xb3: {  	[dreg:$0x0] =	wrdreg $0x60  }
0xb4: {  	[dreg:$0x2] =	wrdreg s18  }
0xb5: {  	[dreg:$0x3] =	wrdreg s17  }
0xb6: {  	[dreg:$0x4] =	wrdreg $0x6C800  }
0xb7: {  	[dreg:$0x5] =	wrdreg $0x9  }
0xb8: {  	_ =	task.clear_ibuf [dreg:s8], $0x6FFFF;
	_ =	strace $0x90000046  }
0xb9: {  	s29 =	simm.s32 $0x9;
	_ =	strace $0x80000048  }
0xba: {  	_ =	swait.ge [sflag:s29], $0x1  }
0xbb: {  	[sflag:s29] =	ssyncadd.s32 $0xFFFFFFFF  }
0xbc: {  	_ =	strace $0x90000048  }
0xbd: {  	_ =	sfence  }
0xbe: {  	s30 =	sld [smem:$0x0];
	_ =	sdelay $0x2  }
0xbf: {  	s31 =	sshll.u32 s1, $0xD;
	s1 =	sshrl.u32 s1, $0x2  }
0xc0: {  	s3 =	sand.u32 $0x4000, s31;
	s1 =	sadd.s32 s1, s30  }
0xc1: {  	s0 =	sor.u32 s3, s0;
	s1 =	sshll.u32 s1, $0x11  }
0xc2: {  	s0 =	sor.u32 s1, s0  }
0xc3: {  	s0 =	sadd.s32 $0x8F2B, s0  }
0xc4: {  	[sflag:s0] =	ssyncadd.remote.s32 $0x1  }
0xc5: {  	_ =	sfence.sel $0xFFFF  }
0xc6: {  	[dreg:$0x0] =	wrdreg $0xFFFFFFFF;
	(pc) =	sbr.abs _section_cstart, $3  }
0xc7: {  	[dreg:$0x1] =	wrdreg $0xFFFFFFFF  }
0xc8: {  	_ =	task.clear_ibuf [dreg:s8], $0x2FFFF;
	_ =	strace $0x9FFFFFFF  }
0xc9: {  	(tm) =	ssettm $0x7FFFFFFF  }
tec
execute0_lowered:
.L_overlay_start_1:
0x0: {  	(tag) =	ssettag $0x1  }
0x1: {  	s4 =	rddreg [dreg:$0x0]  }
0x2: {  	s5 =	rddreg [dreg:$0x1]  }
0x3: {  	s1 =	rddreg [dreg:$0x2]  }
0x4: {  	s0 =	rddreg [dreg:$0x3];
	s3 =	simm.s32 $0x0  }
0x5: {  	s2 =	srdreg.scid;
	s11 =	simm.s32 $0x6C00;
	s14 =	simm.s32 $0x0  }
0x6: {  	[smem:$0x7FF] =	sst s3;
	s6 =	sand.u32 $0x1, s2;
	s2 =	stileid.u32  }
0x7: {  	s7 =	ssub.s32 $0x2, s6;
	s8 =	sshll.u32 s6, $0x4;
	_ =	strace $0x80000047  }
0x8: {  	s31 =	sshll.u32 s2, $0x7;
	s10 =	sshll.u32 s2, $0xA;
	s6 =	sshll.u32 s6, $0xB  }
0x9: {  	s12 =	sshll.u32 s2, $0x6;
	s9 =	sshrl.u32 s7, $0x1;
	s8 =	sor.u32 s2, s8  }
0xa: {  	v0 =	vlaneseq.u32;
	s12 =	sor.u32 $0x1C01, s12;
	s7 =	ssub.s32 s7, s9;
	s8 =	smul.u32 $0x580, s8  }
0xb: {  	v1 =	vimm.f32 $0.0e+00;
	v9 =	vimm.f32 $1.000000000e+00;
	v2 =	vor.u32 $0x10, v0;
	s9 =	sadd.s32 s5, s31;
	s5 =	sadd.s32 s10, s1;
	s10 =	simm.s32 $0x80  }
0xc: {  	v3 =	vor.u32 $0x20, v0;
	v4 =	vor.u32 $0x30, v0;
	v5 =	vor.u32 $0x40, v0;
	s6 =	sadd.s32 s6, s9;
	s7 =	smax.u32 s7, $0x1;
	s9 =	simm.s32 $0x2C00  }
0xd: {  	v6 =	vor.u32 $0x50, v0;
	v7 =	vor.u32 $0x60, v0;
	v8 =	vor.u32 $0x70, v0;
	s13 =	sshrl.u32 s5, $0x3;
	s4 =	sadd.s32 s4, s8;
	s8 =	simm.s32 $0x1  }
.LBB2_1:
0xe: {  	[tilespmem:s3], [sflag:$0x1] =	stream.linear.gather [hbm4b:s4+s3], $0x2880, $0x38;
	[tilespmem:$0x7080] =	vst v63  }
0xf: {  	_ =	swait.ge [sflag:s8], $0x2880  }
0x10: {  	[sflag:s8] =	ssyncset.done $0x0  }
0x11: {  	s15 =	simm.s32 $0x0;
	s16 =	simm.s32 $0x200;
	[sflag:s8] =	ssyncadd.s32 $0xFFFFD780  }
.LBB2_2:
0x12: {  	p0 =	sne.s32 s16, $0xFE00;
	[tilespmem:s15+$0x2C70] =	vst v1  }
0x13: {  	[tilespmem:s15+$0x2C00] =	vst v1  }
0x14: {  	[tilespmem:s15+$0x2C10] =	vst v1  }
.Ltmp0:
0x15: {  	[tilespmem:s15+$0x2C20] =	vst v1;
	(pc) =	sbr.rel @p0 .LBB2_2-.Ltmp0, $4  }
0x16: {  	[tilespmem:s15+$0x2C30] =	vst v1  }
0x17: {  	[tilespmem:s15+$0x2C40] =	vst v1  }
0x18: {  	[tilespmem:s15+$0x2C50] =	vst v1  }
0x19: {  	[tilespmem:s15+$0x2C60] =	vst v1;
	s15 =	sshra.s32 s16, $0x2;
	s16 =	sadd.s32 $0x200, s16  }
0x1a: {  	[tilespmem:s15+$0x2C70] =	vst v1  }
0x1b: {  	[tilespmem:s15+$0x2C00] =	vst v1  }
0x1c: {  	[tilespmem:s15+$0x2C10] =	vst v1  }
0x1d: {  	[tilespmem:s15+$0x2C20] =	vst v1  }
0x1e: {  	[tilespmem:s15+$0x2C30] =	vst v1  }
0x1f: {  	[tilespmem:s15+$0x2C40] =	vst v1  }
0x20: {  	[tilespmem:s15+$0x2C50] =	vst v1  }
0x21: {  	[tilespmem:s15+$0x2C60] =	vst v1  }
0x22: {  	[tilespmem:$0x6C00] =	vst v0  }
0x23: {  	[tilespmem:$0x6C10] =	vst v2  }
0x24: {  	[tilespmem:$0x6C20] =	vst v3  }
0x25: {  	[tilespmem:$0x6C30] =	vst v4  }
0x26: {  	[tilespmem:$0x6C40] =	vst v5  }
0x27: {  	[tilespmem:$0x6C50] =	vst v6  }
0x28: {  	[tilespmem:$0x6C60] =	vst v7  }
0x29: {  	[tilespmem:$0x6C70] =	vst v8  }
0x2a: {  	[spmem:s5] =	stream.linear.scatter [tilespmem:s9], [sflag:$0x1], $0x400, $0x38;
	[tilespmem:$0x7080] =	vst v63  }
0x2b: {  	_ =	swait.ge [sflag:s8], $0x400  }
0x2c: {  	[sflag:s8] =	ssyncset.done $0x0  }
0x2d: {  	[sflag:s8] =	ssyncadd.s32 $0xFFFFFC00  }
0x2e: {  	s15 =	simm.s32 $0x0;
	[bflag:$0x0] =	sbarrier.arrive $0xFFFF  }
.LBB2_4:
0x2f: {  	s16 =	sshra.s32 s15, $0x2  }
0x30: {  	v10 =	vld [tilespmem:s16+$0x0];
	_ =	sdelay $0x4  }
0x31: {  	v10 =	vshrl.u32 v10, $0x10;
	_ =	sdelay $0x4  }
0x32: {  	[tilespmem:v10+s9+$0x0] =	vst.idx.add.f32.msk $0xffff, v9  }
0x33: {  	v10 =	vld [tilespmem:s16+$0x10];
	_ =	sdelay $0x4  }
0x34: {  	v10 =	vshrl.u32 v10, $0x10;
	_ =	sdelay $0x4  }
0x35: {  	[tilespmem:v10+s9+$0x0] =	vst.idx.add.f32.msk $0xffff, v9  }
0x36: {  	v10 =	vld [tilespmem:s16+$0x20];
	_ =	sdelay $0x4  }
0x37: {  	v10 =	vshrl.u32 v10, $0x10;
	_ =	sdelay $0x4  }
0x38: {  	[tilespmem:v10+s9+$0x0] =	vst.idx.add.f32.msk $0xffff, v9  }
0x39: {  	v10 =	vld [tilespmem:s16+$0x30];
	_ =	sdelay $0x4  }
0x3a: {  	v10 =	vshrl.u32 v10, $0x10;
	_ =	sdelay $0x4  }
0x3b: {  	[tilespmem:v10+s9+$0x0] =	vst.idx.add.f32.msk $0xffff, v9  }
0x3c: {  	v10 =	vld [tilespmem:s16+$0x40];
	_ =	sdelay $0x4  }
0x3d: {  	v10 =	vshrl.u32 v10, $0x10;
	_ =	sdelay $0x4  }
0x3e: {  	[tilespmem:v10+s9+$0x0] =	vst.idx.add.f32.msk $0xffff, v9  }
0x3f: {  	v10 =	vld [tilespmem:s16+$0x50];
	_ =	sdelay $0x4  }
0x40: {  	v10 =	vshrl.u32 v10, $0x10;
	_ =	sdelay $0x4  }
0x41: {  	[tilespmem:v10+s9+$0x0] =	vst.idx.add.f32.msk $0xffff, v9  }
0x42: {  	v10 =	vld [tilespmem:s16+$0x60];
	_ =	sdelay $0x4  }
0x43: {  	v10 =	vshrl.u32 v10, $0x10;
	_ =	sdelay $0x4  }
0x44: {  	[tilespmem:v10+s9+$0x0] =	vst.idx.add.f32.msk $0xffff, v9  }
0x45: {  	v10 =	vld [tilespmem:s16+$0x70];
	_ =	sdelay $0x4  }
0x46: {  	p0 =	sne.s32 s15, $0xA000;
	v10 =	vshrl.u32 v10, $0x10  }
.Ltmp1:
0x47: {  	_ = 	snop;
	(pc) =	sbr.rel @p0 .LBB2_4-.Ltmp1, $2  }
0x48: {  	_ =	sdelay $0x2  }
0x49: {  	s15 =	sadd.s32 $0x200, s15;
	[tilespmem:v10+s9+$0x0] =	vst.idx.add.f32.msk $0xffff, v9  }
0x4a: {  	[spmem:s1] =	stream.indirect.scatter.add.f32 [tilespmem:s9], [sflag:$0x1], $0x80, s11, s10, $0xb8;
	[tilespmem:$0x7080] =	vst v63  }
0x4b: {  	_ =	swait.ge [sflag:s8], $0x4000  }
0x4c: {  	s14 =	sadd.s32 $0x1, s14;
	[sflag:s8] =	ssyncset.done $0x0  }
0x4d: {  	p0 =	sne.s32 s14, s7;
	[sflag:s8] =	ssyncadd.s32 $0xFFFFC000  }
.Ltmp2:
0x4e: {  	[bflag:$0x0] =	sbarrier.arrive $0xFFFF;
	(pc) =	sbr.rel @p0 .LBB2_1-.Ltmp2, $4  }
0x4f: {  	[hbm:s6], [sflag:s12] =	dma.local [spmem:s13], $0x80  }
0x50: {  	_ =	swait.ge [sflag:s8], $0x80  }
0x51: {  	[sflag:s8] =	ssyncset.done $0x0  }
0x52: {  	[sflag:s8] =	ssyncadd.s32 $0xFFFFFF80  }
0x53: {  	_ =	sfence.sel $0x180000  }
0x54: {  	[bflag:$0x0] =	sbarrier.arrive $0xFFFF  }
0x55: {  	p0 =	sne.s32 s2, $0x0;
	_ =	strace $0x90000047  }
0x56: {  	s0 =	sadd.s32 @!p0 $0x100000, s0;
	[bflag:$0x2] =	sbarrier.arrive $0xFFFF  }
0x57: {  	[sflag:s0] =	ssyncadd.tile.s32 @!p0 $0x1;
	_ =	shalt  }
.Lfunc_end2:
_tile_overlayer_lowered:
.L_overlay_start_2:
0x58: {  	(tag) =	ssettag $0x2  }
0x59: {  	s0 =	rddreg [dreg:$0x0];
	s2 =	stileid.u32  }
0x5a: {  	s1 =	rddreg [dreg:$0x1];
	p0 =	sne.s32 s2, $0x0  }
0x5b: {  	s3 =	rddreg [dreg:$0x2];
	[bflag:$0x3] =	sbarrier.arrive $0xFFFF;
	s2 =	simm.s32 @!p0 $0x1C01  }
0x5c: {  	[timem:s3], [sflag:s2] =	dma.local @!p0 [hbm:s0], s1  }
0x5d: {  	s0 =	simm.s32 @!p0 $0x1  }
0x5e: {  	_ =	swait.ge @!p0 [sflag:s0], s1  }
0x5f: {  	s1 =	ssub.s32 @!p0 $0x0, s1;
	[sflag:s0] =	ssyncset.done @!p0 $0x0  }
0x60: {  	[sflag:s0] =	ssyncadd.s32 @!p0 s1  }
0x61: {  	[bflag:$0x3] =	sbarrier.arrive $0xFFFF  }
0x62: {  	_ =	shalt  }

</sc_bundles>
